<compile_context>
chip_gen: v7x
topology: tpu7x:2x2x1
jax: 0.10.2.dev20260603
libtpu: 0.0.44.dev20260713+nightly
codegen_flags: <defaults>
</compile_context>

<pallas_src>
import functools

import jax
import jax.numpy as jnp
from jax import lax
from jax.experimental import pallas as pl
from jax.experimental.pallas import tpu as pltpu
from jax.experimental.pallas import tpu_sc as plsc

_POOL = 7
_SAMP = 2
_K0 = 4
_NLVL = 4
_NBIN = _POOL * _POOL
_PER_BIN = _SAMP * _SAMP * 4
_NPAIR = _NBIN * _PER_BIN
_CHUNK = 112
_NCHUNK = _NPAIR // _CHUNK

_NC = 2
_NS = 16
_NW = _NC * _NS


def _build_recipe(boxes, strides, hs):
    bsz, n = boxes.shape[0], boxes.shape[1]
    area = (boxes[..., 3] - boxes[..., 1]) * (boxes[..., 2] - boxes[..., 0])
    k = jnp.floor(_K0 + jnp.log2(jnp.sqrt(area) / 224.0))
    k = jnp.clip(k, 0, _NLVL - 1).astype(jnp.int32)
    inds = jnp.argsort(k, axis=1, stable=True).astype(jnp.int32)
    ksort = jnp.take_along_axis(k, inds, axis=1)
    sb = jnp.take_along_axis(boxes, inds[..., None], axis=1)

    hw = [h * h for h in hs]
    off = []
    acc = 0
    for l in range(_NLVL):
        off.append(acc)
        acc += bsz * hw[l]
    off_a = jnp.array(off, dtype=jnp.int32)[ksort]
    hw_a = jnp.array(hw, dtype=jnp.int32)[ksort]
    wdim = jnp.array(hs, dtype=jnp.int32)[ksort]
    base = off_a + jnp.arange(bsz, dtype=jnp.int32)[:, None] * hw_a

    scale = 1.0 / strides.astype(jnp.float32)[ksort]
    x1 = sb[..., 0] * scale
    y1 = sb[..., 1] * scale
    x2 = sb[..., 2] * scale
    y2 = sb[..., 3] * scale
    bin_w = jnp.maximum(x2 - x1, 1.0) / _POOL
    bin_h = jnp.maximum(y2 - y1, 1.0) / _POOL

    m = _POOL * _SAMP
    f = (jnp.arange(m, dtype=jnp.float32) + 0.5) / _SAMP
    xs = x1[..., None] + f * bin_w[..., None]
    ys = y1[..., None] + f * bin_h[..., None]
    wf = wdim.astype(jnp.float32)[..., None]
    vx = (xs >= -1.0) & (xs <= wf)
    vy = (ys >= -1.0) & (ys <= wf)
    xc = jnp.clip(xs, 0.0, wf - 1.0)
    yc = jnp.clip(ys, 0.0, wf - 1.0)
    x0 = jnp.floor(xc)
    y0 = jnp.floor(yc)
    ix0 = x0.astype(jnp.int32)
    iy0 = y0.astype(jnp.int32)
    ix1 = jnp.minimum(ix0 + 1, wdim[..., None] - 1)
    iy1 = jnp.minimum(iy0 + 1, wdim[..., None] - 1)
    lx = xc - x0
    ly = yc - y0

    ry0 = iy0 * wdim[..., None]
    ry1 = iy1 * wdim[..., None]
    bb = base[..., None, None]
    idx4 = jnp.stack([
        bb + ry0[..., :, None] + ix0[..., None, :],
        bb + ry0[..., :, None] + ix1[..., None, :],
        bb + ry1[..., :, None] + ix0[..., None, :],
        bb + ry1[..., :, None] + ix1[..., None, :],
    ], axis=-1)
    wx0 = 1.0 - lx
    wy0 = 1.0 - ly
    w4 = jnp.stack([
        wy0[..., :, None] * wx0[..., None, :],
        wy0[..., :, None] * lx[..., None, :],
        ly[..., :, None] * wx0[..., None, :],
        ly[..., :, None] * lx[..., None, :],
    ], axis=-1)
    valid = (vy[..., :, None] & vx[..., None, :]).astype(jnp.float32)
    w4 = w4 * valid[..., None] * (1.0 / (_SAMP * _SAMP))

    def to_bins(a):
        a = a.reshape(bsz, n, _POOL, _SAMP, _POOL, _SAMP, 4)
        a = a.transpose(0, 1, 2, 4, 3, 5, 6)
        return a.reshape(bsz * n, _NPAIR)

    return to_bins(idx4), to_bins(w4), inds, sb


def _sc_pool(table, idx, w, nslots, cdim):
    tpw = nslots // _NW
    npairs = tpw // 2
    nq = cdim // 16
    mesh = plsc.VectorSubcoreMesh(core_axis_name="c", subcore_axis_name="s")

    @functools.partial(
        pl.kernel,
        mesh=mesh,
        out_type=jax.ShapeDtypeStruct((nslots, _NBIN, cdim), jnp.float32),
        scratch_types=[
            pltpu.VMEM((_NCHUNK, _CHUNK), jnp.int32),
            pltpu.VMEM((_NCHUNK, _CHUNK), jnp.int32),
            pltpu.VMEM((_NPAIR,), jnp.float32),
            pltpu.VMEM((_NPAIR,), jnp.float32),
            pltpu.VMEM((_NPAIR, cdim), jnp.float32),
            pltpu.VMEM((_NPAIR, cdim), jnp.float32),
            pltpu.VMEM((_NBIN, cdim), jnp.float32),
            pltpu.SemaphoreType.DMA,
            pltpu.SemaphoreType.DMA,
        ],
        compiler_params=pltpu.CompilerParams(use_tc_tiling_on_sc=False),
    )
    def run(table_h, idx_h, w_h, out_h, idx_a, idx_b, w_a, w_b,
            rows_a, rows_b, out_v, sem_a, sem_b):
        wid = lax.axis_index("s") * _NC + lax.axis_index("c")

        def fire(t, idx_v, w_v, rows_v, sem):
            g = t * _NW + wid
            pltpu.sync_copy(idx_h.at[g], idx_v)
            pltpu.sync_copy(w_h.at[g], w_v)
            for c in range(_NCHUNK):
                pltpu.async_copy(
                    table_h.at[idx_v.at[c]],
                    rows_v.at[pl.ds(c * _CHUNK, _CHUNK)],
                    sem,
                )

        def drain(rows_v, sem):
            pltpu.make_async_copy(
                table_h.at[pl.ds(0, _NPAIR)], rows_v, sem).wait()

        def compute(t, w_v, rows_v):
            g = t * _NW + wid

            def bin_body(b, carry2):
                bbase = b * _PER_BIN
                wvec = w_v[pl.ds(bbase, _PER_BIN)]
                accs = [jnp.zeros((16,), jnp.float32) for _ in range(nq)]
                for e in range(_PER_BIN):
                    r = bbase + e
                    ws = wvec[e]
                    for d in range(nq):
                        accs[d] = accs[d] + rows_v[r, pl.ds(d * 16, 16)] * ws
                for d in range(nq):
                    out_v[b, pl.ds(d * 16, 16)] = accs[d]
                return carry2

            lax.fori_loop(0, _NBIN, bin_body, 0)
            pltpu.sync_copy(out_v, out_h.at[g])

        fire(0, idx_a, w_a, rows_a, sem_a)

        def pair_body(u, carry):
            t0 = 2 * u
            fire(t0 + 1, idx_b, w_b, rows_b, sem_b)
            drain(rows_a, sem_a)
            compute(t0, w_a, rows_a)

            @pl.when(u < npairs - 1)
            def _():
                fire(t0 + 2, idx_a, w_a, rows_a, sem_a)

            drain(rows_b, sem_b)
            compute(t0 + 1, w_b, rows_b)
            return carry

        lax.fori_loop(0, npairs, pair_body, 0)

    return run(table, idx, w)


def kernel(feat_p2, feat_p3, feat_p4, feat_p5, boxes, strides):
    feats = [feat_p2, feat_p3, feat_p4, feat_p5]
    bsz, n = boxes.shape[0], boxes.shape[1]
    cdim = feat_p2.shape[1]
    hs = [f.shape[2] for f in feats]

    table = jnp.concatenate(
        [jnp.transpose(f, (0, 2, 3, 1)).reshape(-1, cdim) for f in feats],
        axis=0,
    )

    idx, w, inds, sb = _build_recipe(boxes, strides, hs)

    total = bsz * n
    nslots = ((total + 8 * _NW - 1) // (8 * _NW)) * (8 * _NW)
    pad = nslots - total
    if pad:
        idx = jnp.concatenate(
            [idx, jnp.zeros((pad, _NPAIR), jnp.int32)], axis=0)
        w = jnp.concatenate(
            [w, jnp.zeros((pad, _NPAIR), jnp.float32)], axis=0)
    idx = idx.reshape(nslots, _NCHUNK, _CHUNK)

    out = _sc_pool(table, idx, w, nslots, cdim)
    rois = out[:total].reshape(bsz, n, _POOL, _POOL, cdim)
    rois = rois.transpose(0, 1, 4, 2, 3)

    return (
        tuple(rois[b] for b in range(bsz))
        + tuple(sb[b] for b in range(bsz))
        + tuple(inds[b] for b in range(bsz))
    )

# --- scband reference (transcript-rebuilt; emitter-appended) ---
"""Pipeline reference for scband-roi-aliagn-fpn-34823594836449 (READ-ONLY COPY).

The authoritative reference and input builder live on the scoring server;
editing this copy changes nothing except your own understanding.
"""

import jax, jax.numpy as jnp
import numpy as np

POOL_H = 7
POOL_W = 7
SAMPLING = 2
K0 = 4
NUM_LEVELS = 4
IMG = 1024.0
B = 2
N_BOXES = 1000
C = 64


def _make_boxes(key, b, n):
    k1, k2, k3, k4 = jax.random.split(key, 4)
    cx = jax.random.uniform(k1, (b, n), minval=0.0, maxval=IMG)
    cy = jax.random.uniform(k2, (b, n), minval=0.0, maxval=IMG)
    w = jax.random.uniform(k3, (b, n), minval=8.0, maxval=384.0)
    h = jax.random.uniform(k4, (b, n), minval=8.0, maxval=384.0)
    x1 = jnp.clip(cx - w / 2, 0.0, IMG - 2.0)
    y1 = jnp.clip(cy - h / 2, 0.0, IMG - 2.0)
    x2 = jnp.clip(jnp.maximum(cx + w / 2, x1 + 1.0), 0.0, IMG)
    y2 = jnp.clip(jnp.maximum(cy + h / 2, y1 + 1.0), 0.0, IMG)
    return jnp.stack([x1, y1, x2, y2], axis=-1)


def setup_inputs(seed: int = 0):
    key = jax.random.key(seed)
    ks = jax.random.split(key, 5)
    feat_p2 = jax.random.normal(ks[0], (B, C, 256, 256), dtype=jnp.float32)
    feat_p3 = jax.random.normal(ks[1], (B, C, 128, 128), dtype=jnp.float32)
    feat_p4 = jax.random.normal(ks[2], (B, C, 64, 64), dtype=jnp.float32)
    feat_p5 = jax.random.normal(ks[3], (B, C, 32, 32), dtype=jnp.float32)
    boxes = _make_boxes(ks[4], B, N_BOXES)
    strides = jnp.array([4, 8, 16, 32], dtype=jnp.int32)
    return {"feat_p2": feat_p2, "feat_p3": feat_p3, "feat_p4": feat_p4,
            "feat_p5": feat_p5, "boxes": boxes, "strides": strides}


def _level_assign(boxes_im):
    # FPN level assignment: k = floor(k0 + log2(sqrt(area)/224)), clamped to [0, L-1]
    area = (boxes_im[:, 3] - boxes_im[:, 1]) * (boxes_im[:, 2] - boxes_im[:, 0])
    k = jnp.floor(K0 + jnp.log2(jnp.sqrt(area) / 224.0))
    return jnp.clip(k, 0, NUM_LEVELS - 1).astype(jnp.int32)


def _roi_align(feat, boxes, out_h, out_w, scale, sampling):
    # feat: [C, H, W]; boxes: [N, 4] (x1, y1, x2, y2). torchvision aligned=False semantics.
    Cc, H, W = feat.shape
    N = boxes.shape[0]
    dt = feat.dtype
    x1 = boxes[:, 0] * scale
    y1 = boxes[:, 1] * scale
    x2 = boxes[:, 2] * scale
    y2 = boxes[:, 3] * scale
    roi_w = jnp.maximum(x2 - x1, 1.0)
    roi_h = jnp.maximum(y2 - y1, 1.0)
    bin_w = roi_w / out_w
    bin_h = roi_h / out_h
    s = sampling
    fx = (jnp.arange(out_w * s, dtype=dt) + 0.5) / s
    fy = (jnp.arange(out_h * s, dtype=dt) + 0.5) / s
    xs = x1[:, None] + fx[None, :] * bin_w[:, None]   # [N, out_w*s]
    ys = y1[:, None] + fy[None, :] * bin_h[:, None]   # [N, out_h*s]
    vx = (xs >= -1.0) & (xs <= W)
    vy = (ys >= -1.0) & (ys <= H)
    xc = jnp.clip(xs, 0.0, W - 1)
    yc = jnp.clip(ys, 0.0, H - 1)
    x0 = jnp.floor(xc)
    y0 = jnp.floor(yc)
    ix0 = x0.astype(jnp.int32)
    iy0 = y0.astype(jnp.int32)
    ix1 = jnp.minimum(ix0 + 1, W - 1)
    iy1 = jnp.minimum(iy0 + 1, H - 1)
    lx = xc - x0
    ly = yc - y0
    iy0g = iy0[:, :, None]
    iy1g = iy1[:, :, None]
    ix0g = ix0[:, None, :]
    ix1g = ix1[:, None, :]
    v00 = feat[:, iy0g, ix0g]
    v01 = feat[:, iy0g, ix1g]
    v10 = feat[:, iy1g, ix0g]
    v11 = feat[:, iy1g, ix1g]
    wx0 = (1.0 - lx)[:, None, :]
    wx1 = lx[:, None, :]
    wy0 = (1.0 - ly)[:, :, None]
    wy1 = ly[:, :, None]
    val = v00 * wy0 * wx0 + v01 * wy0 * wx1 + v10 * wy1 * wx0 + v11 * wy1 * wx1
    valid = (vy[:, :, None] & vx[:, None, :])[None]
    val = jnp.where(valid, val, 0.0)
    val = val.reshape(Cc, N, out_h, s, out_w, s).mean(axis=(3, 5))
    return jnp.transpose(val, (1, 0, 2, 3))  # [N, C, out_h, out_w]


def reference(feat_p2, feat_p3, feat_p4, feat_p5, boxes, strides):
    feats = [feat_p2, feat_p3, feat_p4, feat_p5]
    b = boxes.shape[0]
    n = boxes.shape[1]
    rois_batch, boxes_batch, inds_batch = [], [], []
    for im in range(b):
        boxes_im = boxes[im]
        k = _level_assign(boxes_im)
        rois_lv = []
        for lvl in range(NUM_LEVELS):
            scale = 1.0 / strides[lvl].astype(jnp.float32)
            roi = _roi_align(feats[lvl][im], boxes_im, POOL_H, POOL_W,
                             scale, SAMPLING)
            rois_lv.append(roi)
        rois_all = jnp.stack(rois_lv, axis=0)
        rois = rois_all[k, jnp.arange(n)]
        inds = jnp.argsort(k, stable=True).astype(jnp.int32)
        rois_batch.append(rois[inds])
        boxes_batch.append(boxes_im[inds])
        inds_batch.append(inds)
    return tuple(rois_batch) + tuple(boxes_batch) + tuple(inds_batch)

if __name__ == "__main__":
    import jax
    _d = setup_inputs()
    print(jax.jit(kernel)(*tuple(_d.values())))

</pallas_src>

<mosaic_0001>
#map = affine_map<(d0, d1) -> (0, 0)>
#map1 = affine_map<(d0, d1) -> (0, 0, 0)>
module attributes {stable_mosaic.version = 14 : i64} {
  func.func @run(%arg0: i32, %arg1: i32, %arg2: memref<174080x64xf32, #tpu.memory_space<hbm>>, %arg3: memref<2048x7x112xi32, #tpu.memory_space<hbm>>, %arg4: memref<2048x784xf32, #tpu.memory_space<hbm>>, %arg5: memref<2048x49x64xf32, #tpu.memory_space<hbm>>, %arg6: memref<7x112xi32, #tpu.memory_space<vmem>>, %arg7: memref<7x112xi32, #tpu.memory_space<vmem>>, %arg8: memref<784xf32, #tpu.memory_space<vmem>>, %arg9: memref<784xf32, #tpu.memory_space<vmem>>, %arg10: memref<784x64xf32, #tpu.memory_space<vmem>>, %arg11: memref<784x64xf32, #tpu.memory_space<vmem>>, %arg12: memref<49x64xf32, #tpu.memory_space<vmem>>, %arg13: memref<!tpu.dma_semaphore, #tpu.memory_space<semaphore_mem>>, %arg14: memref<!tpu.dma_semaphore, #tpu.memory_space<semaphore_mem>>) attributes {dimension_semantics = [#tpu.dimension_semantics<core_parallel>, #tpu.dimension_semantics<subcore_parallel>], iteration_bounds = array<i64: 2, 16>, scalar_prefetch = 0 : i64, scratch_operands = 9 : i64, tpu.core_type = #tpu.core_type<sc_vector_subcore>, window_params = [{transform_indices = #map}, {transform_indices = #map1}, {transform_indices = #map}, {transform_indices = #map1}]} {
    %mul3A = arith.constant 2 : i32
    %mul3A_0 = arith.muli %arg1, %mul3A : i32
    %add3A = arith.addi %mul3A_0, %arg0 : i32
    %add3A_1 = arith.constant 0 : i32
    %add3A_2 = arith.addi %add3A_1, %add3A : i32
    "tpu.region"() ({
      %run_scoped3A = tpu.sem_alloc : memref<!tpu.dma_semaphore, #tpu.memory_space<semaphore_mem>>
      %dma_start3A_77 = arith.constant 0 : i32
      %dma_start3A_78 = arith.constant 0 : i32
      %dma_start3A_79 = tpu.memref_slice %arg3[%add3A_2, %dma_start3A_77, %dma_start3A_78] : memref<2048x7x112xi32, #tpu.memory_space<hbm>> -> memref<1x7x112xi32, #tpu.memory_space<hbm>>
      %dma_start3A_80 = tpu.memref_squeeze %dma_start3A_79 : memref<1x7x112xi32, #tpu.memory_space<hbm>> -> memref<7x112xi32, #tpu.memory_space<hbm>>
      %dma_start3A_81 = arith.constant 0 : i32
      %dma_start3A_82 = arith.constant 0 : i32
      %dma_start3A_83 = tpu.memref_slice %arg3[%add3A_2, %dma_start3A_81, %dma_start3A_82] : memref<2048x7x112xi32, #tpu.memory_space<hbm>> -> memref<1x7x112xi32, #tpu.memory_space<hbm>>
      %dma_start3A_84 = tpu.memref_squeeze %dma_start3A_83 : memref<1x7x112xi32, #tpu.memory_space<hbm>> -> memref<7x112xi32, #tpu.memory_space<hbm>>
      tpu.enqueue_dma source(%dma_start3A_84 : memref<7x112xi32, #tpu.memory_space<hbm>>) target(%arg6 : memref<7x112xi32, #tpu.memory_space<vmem>>) target_semaphore(%run_scoped3A : memref<!tpu.dma_semaphore, #tpu.memory_space<semaphore_mem>>)
      %dma_wait3A = arith.constant 0 : i32
      %dma_wait3A_85 = arith.constant 0 : i32
      %dma_wait3A_86 = tpu.memref_slice %arg3[%add3A_2, %dma_wait3A, %dma_wait3A_85] : memref<2048x7x112xi32, #tpu.memory_space<hbm>> -> memref<1x7x112xi32, #tpu.memory_space<hbm>>
      %dma_wait3A_87 = tpu.memref_squeeze %dma_wait3A_86 : memref<1x7x112xi32, #tpu.memory_space<hbm>> -> memref<7x112xi32, #tpu.memory_space<hbm>>
      %dma_wait3A_88 = arith.constant 0 : i32
      %dma_wait3A_89 = arith.constant 0 : i32
      %dma_wait3A_90 = tpu.memref_slice %arg3[%add3A_2, %dma_wait3A_88, %dma_wait3A_89] : memref<2048x7x112xi32, #tpu.memory_space<hbm>> -> memref<1x7x112xi32, #tpu.memory_space<hbm>>
      %dma_wait3A_91 = tpu.memref_squeeze %dma_wait3A_90 : memref<1x7x112xi32, #tpu.memory_space<hbm>> -> memref<7x112xi32, #tpu.memory_space<hbm>>
      tpu.wait_dma2 semaphore(%run_scoped3A : memref<!tpu.dma_semaphore, #tpu.memory_space<semaphore_mem>>) src(%dma_wait3A_91 : memref<7x112xi32, #tpu.memory_space<hbm>>) dst(%arg6 : memref<7x112xi32, #tpu.memory_space<vmem>>)
      tpu.yield
    }) : () -> ()
    "tpu.region"() ({
      %run_scoped3A = tpu.sem_alloc : memref<!tpu.dma_semaphore, #tpu.memory_space<semaphore_mem>>
      %dma_start3A_77 = arith.constant 0 : i32
      %dma_start3A_78 = tpu.memref_slice %arg4[%add3A_2, %dma_start3A_77] : memref<2048x784xf32, #tpu.memory_space<hbm>> -> memref<1x784xf32, #tpu.memory_space<hbm>>
      %dma_start3A_79 = tpu.memref_squeeze %dma_start3A_78 : memref<1x784xf32, #tpu.memory_space<hbm>> -> memref<784xf32, #tpu.memory_space<hbm>>
      %dma_start3A_80 = arith.constant 0 : i32
      %dma_start3A_81 = tpu.memref_slice %arg4[%add3A_2, %dma_start3A_80] : memref<2048x784xf32, #tpu.memory_space<hbm>> -> memref<1x784xf32, #tpu.memory_space<hbm>>
      %dma_start3A_82 = tpu.memref_squeeze %dma_start3A_81 : memref<1x784xf32, #tpu.memory_space<hbm>> -> memref<784xf32, #tpu.memory_space<hbm>>
      tpu.enqueue_dma source(%dma_start3A_82 : memref<784xf32, #tpu.memory_space<hbm>>) target(%arg8 : memref<784xf32, #tpu.memory_space<vmem>>) target_semaphore(%run_scoped3A : memref<!tpu.dma_semaphore, #tpu.memory_space<semaphore_mem>>)
      %dma_wait3A = arith.constant 0 : i32
      %dma_wait3A_83 = tpu.memref_slice %arg4[%add3A_2, %dma_wait3A] : memref<2048x784xf32, #tpu.memory_space<hbm>> -> memref<1x784xf32, #tpu.memory_space<hbm>>
      %dma_wait3A_84 = tpu.memref_squeeze %dma_wait3A_83 : memref<1x784xf32, #tpu.memory_space<hbm>> -> memref<784xf32, #tpu.memory_space<hbm>>
      %dma_wait3A_85 = arith.constant 0 : i32
      %dma_wait3A_86 = tpu.memref_slice %arg4[%add3A_2, %dma_wait3A_85] : memref<2048x784xf32, #tpu.memory_space<hbm>> -> memref<1x784xf32, #tpu.memory_space<hbm>>
      %dma_wait3A_87 = tpu.memref_squeeze %dma_wait3A_86 : memref<1x784xf32, #tpu.memory_space<hbm>> -> memref<784xf32, #tpu.memory_space<hbm>>
      tpu.wait_dma2 semaphore(%run_scoped3A : memref<!tpu.dma_semaphore, #tpu.memory_space<semaphore_mem>>) src(%dma_wait3A_87 : memref<784xf32, #tpu.memory_space<hbm>>) dst(%arg8 : memref<784xf32, #tpu.memory_space<vmem>>)
      tpu.yield
    }) : () -> ()
    %dma_start3A = arith.constant 0 : i32
    %dma_start3A_3 = arith.constant 0 : i32
    %dma_start3A_4 = arith.constant 0 : i32
    %dma_start3A_5 = tpu.memref_slice %arg10[%dma_start3A_3, %dma_start3A_4] : memref<784x64xf32, #tpu.memory_space<vmem>> -> memref<112x64xf32, #tpu.memory_space<vmem>>
    %dma_start3A_6 = arith.constant 0 : i32
    %dma_start3A_7 = tpu.memref_slice %arg6[%dma_start3A, %dma_start3A_6] : memref<7x112xi32, #tpu.memory_space<vmem>> -> memref<1x112xi32, #tpu.memory_space<vmem>>
    %dma_start3A_8 = tpu.memref_squeeze %dma_start3A_7 : memref<1x112xi32, #tpu.memory_space<vmem>> -> memref<112xi32, #tpu.memory_space<vmem>>
    %dma_start3A_9 = arith.constant 0 : i32
    %dma_start3A_10 = arith.constant 0 : i32
    %dma_start3A_11 = tpu.memref_slice %arg2[%dma_start3A_9, %dma_start3A_10] : memref<174080x64xf32, #tpu.memory_space<hbm>> -> memref<174080x64xf32, #tpu.memory_space<hbm>>
    tpu.enqueue_indirect_dma source(%dma_start3A_11 : memref<174080x64xf32, #tpu.memory_space<hbm>>) target(%dma_start3A_5 : memref<112x64xf32, #tpu.memory_space<vmem>>) offsets(%dma_start3A_8 : memref<112xi32, #tpu.memory_space<vmem>>) semaphore(%arg13 : memref<!tpu.dma_semaphore, #tpu.memory_space<semaphore_mem>>)
    %dma_start3A_12 = arith.constant 1 : i32
    %dma_start3A_13 = arith.constant 112 : i32
    %dma_start3A_14 = arith.constant 0 : i32
    %dma_start3A_15 = tpu.memref_slice %arg10[%dma_start3A_13, %dma_start3A_14] : memref<784x64xf32, #tpu.memory_space<vmem>> -> memref<112x64xf32, #tpu.memory_space<vmem>>
    %dma_start3A_16 = arith.constant 0 : i32
    %dma_start3A_17 = tpu.memref_slice %arg6[%dma_start3A_12, %dma_start3A_16] : memref<7x112xi32, #tpu.memory_space<vmem>> -> memref<1x112xi32, #tpu.memory_space<vmem>>
    %dma_start3A_18 = tpu.memref_squeeze %dma_start3A_17 : memref<1x112xi32, #tpu.memory_space<vmem>> -> memref<112xi32, #tpu.memory_space<vmem>>
    %dma_start3A_19 = arith.constant 0 : i32
    %dma_start3A_20 = arith.constant 0 : i32
    %dma_start3A_21 = tpu.memref_slice %arg2[%dma_start3A_19, %dma_start3A_20] : memref<174080x64xf32, #tpu.memory_space<hbm>> -> memref<174080x64xf32, #tpu.memory_space<hbm>>
    tpu.enqueue_indirect_dma source(%dma_start3A_21 : memref<174080x64xf32, #tpu.memory_space<hbm>>) target(%dma_start3A_15 : memref<112x64xf32, #tpu.memory_space<vmem>>) offsets(%dma_start3A_18 : memref<112xi32, #tpu.memory_space<vmem>>) semaphore(%arg13 : memref<!tpu.dma_semaphore, #tpu.memory_space<semaphore_mem>>)
    %dma_start3A_22 = arith.constant 2 : i32
    %dma_start3A_23 = arith.constant 224 : i32
    %dma_start3A_24 = arith.constant 0 : i32
    %dma_start3A_25 = tpu.memref_slice %arg10[%dma_start3A_23, %dma_start3A_24] : memref<784x64xf32, #tpu.memory_space<vmem>> -> memref<112x64xf32, #tpu.memory_space<vmem>>
    %dma_start3A_26 = arith.constant 0 : i32
    %dma_start3A_27 = tpu.memref_slice %arg6[%dma_start3A_22, %dma_start3A_26] : memref<7x112xi32, #tpu.memory_space<vmem>> -> memref<1x112xi32, #tpu.memory_space<vmem>>
    %dma_start3A_28 = tpu.memref_squeeze %dma_start3A_27 : memref<1x112xi32, #tpu.memory_space<vmem>> -> memref<112xi32, #tpu.memory_space<vmem>>
    %dma_start3A_29 = arith.constant 0 : i32
    %dma_start3A_30 = arith.constant 0 : i32
    %dma_start3A_31 = tpu.memref_slice %arg2[%dma_start3A_29, %dma_start3A_30] : memref<174080x64xf32, #tpu.memory_space<hbm>> -> memref<174080x64xf32, #tpu.memory_space<hbm>>
    tpu.enqueue_indirect_dma source(%dma_start3A_31 : memref<174080x64xf32, #tpu.memory_space<hbm>>) target(%dma_start3A_25 : memref<112x64xf32, #tpu.memory_space<vmem>>) offsets(%dma_start3A_28 : memref<112xi32, #tpu.memory_space<vmem>>) semaphore(%arg13 : memref<!tpu.dma_semaphore, #tpu.memory_space<semaphore_mem>>)
    %dma_start3A_32 = arith.constant 3 : i32
    %dma_start3A_33 = arith.constant 336 : i32
    %dma_start3A_34 = arith.constant 0 : i32
    %dma_start3A_35 = tpu.memref_slice %arg10[%dma_start3A_33, %dma_start3A_34] : memref<784x64xf32, #tpu.memory_space<vmem>> -> memref<112x64xf32, #tpu.memory_space<vmem>>
    %dma_start3A_36 = arith.constant 0 : i32
    %dma_start3A_37 = tpu.memref_slice %arg6[%dma_start3A_32, %dma_start3A_36] : memref<7x112xi32, #tpu.memory_space<vmem>> -> memref<1x112xi32, #tpu.memory_space<vmem>>
    %dma_start3A_38 = tpu.memref_squeeze %dma_start3A_37 : memref<1x112xi32, #tpu.memory_space<vmem>> -> memref<112xi32, #tpu.memory_space<vmem>>
    %dma_start3A_39 = arith.constant 0 : i32
    %dma_start3A_40 = arith.constant 0 : i32
    %dma_start3A_41 = tpu.memref_slice %arg2[%dma_start3A_39, %dma_start3A_40] : memref<174080x64xf32, #tpu.memory_space<hbm>> -> memref<174080x64xf32, #tpu.memory_space<hbm>>
    tpu.enqueue_indirect_dma source(%dma_start3A_41 : memref<174080x64xf32, #tpu.memory_space<hbm>>) target(%dma_start3A_35 : memref<112x64xf32, #tpu.memory_space<vmem>>) offsets(%dma_start3A_38 : memref<112xi32, #tpu.memory_space<vmem>>) semaphore(%arg13 : memref<!tpu.dma_semaphore, #tpu.memory_space<semaphore_mem>>)
    %dma_start3A_42 = arith.constant 4 : i32
    %dma_start3A_43 = arith.constant 448 : i32
    %dma_start3A_44 = arith.constant 0 : i32
    %dma_start3A_45 = tpu.memref_slice %arg10[%dma_start3A_43, %dma_start3A_44] : memref<784x64xf32, #tpu.memory_space<vmem>> -> memref<112x64xf32, #tpu.memory_space<vmem>>
    %dma_start3A_46 = arith.constant 0 : i32
    %dma_start3A_47 = tpu.memref_slice %arg6[%dma_start3A_42, %dma_start3A_46] : memref<7x112xi32, #tpu.memory_space<vmem>> -> memref<1x112xi32, #tpu.memory_space<vmem>>
    %dma_start3A_48 = tpu.memref_squeeze %dma_start3A_47 : memref<1x112xi32, #tpu.memory_space<vmem>> -> memref<112xi32, #tpu.memory_space<vmem>>
    %dma_start3A_49 = arith.constant 0 : i32
    %dma_start3A_50 = arith.constant 0 : i32
    %dma_start3A_51 = tpu.memref_slice %arg2[%dma_start3A_49, %dma_start3A_50] : memref<174080x64xf32, #tpu.memory_space<hbm>> -> memref<174080x64xf32, #tpu.memory_space<hbm>>
    tpu.enqueue_indirect_dma source(%dma_start3A_51 : memref<174080x64xf32, #tpu.memory_space<hbm>>) target(%dma_start3A_45 : memref<112x64xf32, #tpu.memory_space<vmem>>) offsets(%dma_start3A_48 : memref<112xi32, #tpu.memory_space<vmem>>) semaphore(%arg13 : memref<!tpu.dma_semaphore, #tpu.memory_space<semaphore_mem>>)
    %dma_start3A_52 = arith.constant 5 : i32
    %dma_start3A_53 = arith.constant 560 : i32
    %dma_start3A_54 = arith.constant 0 : i32
    %dma_start3A_55 = tpu.memref_slice %arg10[%dma_start3A_53, %dma_start3A_54] : memref<784x64xf32, #tpu.memory_space<vmem>> -> memref<112x64xf32, #tpu.memory_space<vmem>>
    %dma_start3A_56 = arith.constant 0 : i32
    %dma_start3A_57 = tpu.memref_slice %arg6[%dma_start3A_52, %dma_start3A_56] : memref<7x112xi32, #tpu.memory_space<vmem>> -> memref<1x112xi32, #tpu.memory_space<vmem>>
    %dma_start3A_58 = tpu.memref_squeeze %dma_start3A_57 : memref<1x112xi32, #tpu.memory_space<vmem>> -> memref<112xi32, #tpu.memory_space<vmem>>
    %dma_start3A_59 = arith.constant 0 : i32
    %dma_start3A_60 = arith.constant 0 : i32
    %dma_start3A_61 = tpu.memref_slice %arg2[%dma_start3A_59, %dma_start3A_60] : memref<174080x64xf32, #tpu.memory_space<hbm>> -> memref<174080x64xf32, #tpu.memory_space<hbm>>
    tpu.enqueue_indirect_dma source(%dma_start3A_61 : memref<174080x64xf32, #tpu.memory_space<hbm>>) target(%dma_start3A_55 : memref<112x64xf32, #tpu.memory_space<vmem>>) offsets(%dma_start3A_58 : memref<112xi32, #tpu.memory_space<vmem>>) semaphore(%arg13 : memref<!tpu.dma_semaphore, #tpu.memory_space<semaphore_mem>>)
    %dma_start3A_62 = arith.constant 6 : i32
    %dma_start3A_63 = arith.constant 672 : i32
    %dma_start3A_64 = arith.constant 0 : i32
    %dma_start3A_65 = tpu.memref_slice %arg10[%dma_start3A_63, %dma_start3A_64] : memref<784x64xf32, #tpu.memory_space<vmem>> -> memref<112x64xf32, #tpu.memory_space<vmem>>
    %dma_start3A_66 = arith.constant 0 : i32
    %dma_start3A_67 = tpu.memref_slice %arg6[%dma_start3A_62, %dma_start3A_66] : memref<7x112xi32, #tpu.memory_space<vmem>> -> memref<1x112xi32, #tpu.memory_space<vmem>>
    %dma_start3A_68 = tpu.memref_squeeze %dma_start3A_67 : memref<1x112xi32, #tpu.memory_space<vmem>> -> memref<112xi32, #tpu.memory_space<vmem>>
    %dma_start3A_69 = arith.constant 0 : i32
    %dma_start3A_70 = arith.constant 0 : i32
    %dma_start3A_71 = tpu.memref_slice %arg2[%dma_start3A_69, %dma_start3A_70] : memref<174080x64xf32, #tpu.memory_space<hbm>> -> memref<174080x64xf32, #tpu.memory_space<hbm>>
    tpu.enqueue_indirect_dma source(%dma_start3A_71 : memref<174080x64xf32, #tpu.memory_space<hbm>>) target(%dma_start3A_65 : memref<112x64xf32, #tpu.memory_space<vmem>>) offsets(%dma_start3A_68 : memref<112xi32, #tpu.memory_space<vmem>>) semaphore(%arg13 : memref<!tpu.dma_semaphore, #tpu.memory_space<semaphore_mem>>)
    %scan3A = arith.constant 0 : i32
    %scan3A_72 = arith.constant 0 : i32
    %scan3A_73 = arith.constant 32 : i32
    %scan3A_74 = arith.addi %scan3A_72, %scan3A_73 : i32
    %scan3A_75 = arith.constant 1 : i32
    scf.for %scan3A_77 = %scan3A_72 to %scan3A_74 step %scan3A_75  : i32 {
      %mul3A_78 = arith.constant 2 : i32
      %mul3A_79 = arith.muli %mul3A_78, %scan3A_77 : i32
      %add3A_80 = arith.constant 1 : i32
      %add3A_81 = arith.addi %mul3A_79, %add3A_80 : i32
      %mul3A_82 = arith.constant 32 : i32
      %mul3A_83 = arith.muli %add3A_81, %mul3A_82 : i32
      %add3A_84 = arith.addi %mul3A_83, %add3A : i32
      "tpu.region"() ({
        %run_scoped3A = tpu.sem_alloc : memref<!tpu.dma_semaphore, #tpu.memory_space<semaphore_mem>>
        %dma_start3A_188 = arith.constant 0 : i32
        %dma_start3A_189 = arith.constant 0 : i32
        %dma_start3A_190 = tpu.memref_slice %arg3[%add3A_84, %dma_start3A_188, %dma_start3A_189] : memref<2048x7x112xi32, #tpu.memory_space<hbm>> -> memref<1x7x112xi32, #tpu.memory_space<hbm>>
        %dma_start3A_191 = tpu.memref_squeeze %dma_start3A_190 : memref<1x7x112xi32, #tpu.memory_space<hbm>> -> memref<7x112xi32, #tpu.memory_space<hbm>>
        %dma_start3A_192 = arith.constant 0 : i32
        %dma_start3A_193 = arith.constant 0 : i32
        %dma_start3A_194 = tpu.memref_slice %arg3[%add3A_84, %dma_start3A_192, %dma_start3A_193] : memref<2048x7x112xi32, #tpu.memory_space<hbm>> -> memref<1x7x112xi32, #tpu.memory_space<hbm>>
        %dma_start3A_195 = tpu.memref_squeeze %dma_start3A_194 : memref<1x7x112xi32, #tpu.memory_space<hbm>> -> memref<7x112xi32, #tpu.memory_space<hbm>>
        tpu.enqueue_dma source(%dma_start3A_195 : memref<7x112xi32, #tpu.memory_space<hbm>>) target(%arg7 : memref<7x112xi32, #tpu.memory_space<vmem>>) target_semaphore(%run_scoped3A : memref<!tpu.dma_semaphore, #tpu.memory_space<semaphore_mem>>)
        %dma_wait3A_196 = arith.constant 0 : i32
        %dma_wait3A_197 = arith.constant 0 : i32
        %dma_wait3A_198 = tpu.memref_slice %arg3[%add3A_84, %dma_wait3A_196, %dma_wait3A_197] : memref<2048x7x112xi32, #tpu.memory_space<hbm>> -> memref<1x7x112xi32, #tpu.memory_space<hbm>>
        %dma_wait3A_199 = tpu.memref_squeeze %dma_wait3A_198 : memref<1x7x112xi32, #tpu.memory_space<hbm>> -> memref<7x112xi32, #tpu.memory_space<hbm>>
        %dma_wait3A_200 = arith.constant 0 : i32
        %dma_wait3A_201 = arith.constant 0 : i32
        %dma_wait3A_202 = tpu.memref_slice %arg3[%add3A_84, %dma_wait3A_200, %dma_wait3A_201] : memref<2048x7x112xi32, #tpu.memory_space<hbm>> -> memref<1x7x112xi32, #tpu.memory_space<hbm>>
        %dma_wait3A_203 = tpu.memref_squeeze %dma_wait3A_202 : memref<1x7x112xi32, #tpu.memory_space<hbm>> -> memref<7x112xi32, #tpu.memory_space<hbm>>
        tpu.wait_dma2 semaphore(%run_scoped3A : memref<!tpu.dma_semaphore, #tpu.memory_space<semaphore_mem>>) src(%dma_wait3A_203 : memref<7x112xi32, #tpu.memory_space<hbm>>) dst(%arg7 : memref<7x112xi32, #tpu.memory_space<vmem>>)
        tpu.yield
      }) : () -> ()
      "tpu.region"() ({
        %run_scoped3A = tpu.sem_alloc : memref<!tpu.dma_semaphore, #tpu.memory_space<semaphore_mem>>
        %dma_start3A_188 = arith.constant 0 : i32
        %dma_start3A_189 = tpu.memref_slice %arg4[%add3A_84, %dma_start3A_188] : memref<2048x784xf32, #tpu.memory_space<hbm>> -> memref<1x784xf32, #tpu.memory_space<hbm>>
        %dma_start3A_190 = tpu.memref_squeeze %dma_start3A_189 : memref<1x784xf32, #tpu.memory_space<hbm>> -> memref<784xf32, #tpu.memory_space<hbm>>
        %dma_start3A_191 = arith.constant 0 : i32
        %dma_start3A_192 = tpu.memref_slice %arg4[%add3A_84, %dma_start3A_191] : memref<2048x784xf32, #tpu.memory_space<hbm>> -> memref<1x784xf32, #tpu.memory_space<hbm>>
        %dma_start3A_193 = tpu.memref_squeeze %dma_start3A_192 : memref<1x784xf32, #tpu.memory_space<hbm>> -> memref<784xf32, #tpu.memory_space<hbm>>
        tpu.enqueue_dma source(%dma_start3A_193 : memref<784xf32, #tpu.memory_space<hbm>>) target(%arg9 : memref<784xf32, #tpu.memory_space<vmem>>) target_semaphore(%run_scoped3A : memref<!tpu.dma_semaphore, #tpu.memory_space<semaphore_mem>>)
        %dma_wait3A_194 = arith.constant 0 : i32
        %dma_wait3A_195 = tpu.memref_slice %arg4[%add3A_84, %dma_wait3A_194] : memref<2048x784xf32, #tpu.memory_space<hbm>> -> memref<1x784xf32, #tpu.memory_space<hbm>>
        %dma_wait3A_196 = tpu.memref_squeeze %dma_wait3A_195 : memref<1x784xf32, #tpu.memory_space<hbm>> -> memref<784xf32, #tpu.memory_space<hbm>>
        %dma_wait3A_197 = arith.constant 0 : i32
        %dma_wait3A_198 = tpu.memref_slice %arg4[%add3A_84, %dma_wait3A_197] : memref<2048x784xf32, #tpu.memory_space<hbm>> -> memref<1x784xf32, #tpu.memory_space<hbm>>
        %dma_wait3A_199 = tpu.memref_squeeze %dma_wait3A_198 : memref<1x784xf32, #tpu.memory_space<hbm>> -> memref<784xf32, #tpu.memory_space<hbm>>
        tpu.wait_dma2 semaphore(%run_scoped3A : memref<!tpu.dma_semaphore, #tpu.memory_space<semaphore_mem>>) src(%dma_wait3A_199 : memref<784xf32, #tpu.memory_space<hbm>>) dst(%arg9 : memref<784xf32, #tpu.memory_space<vmem>>)
        tpu.yield
      }) : () -> ()
      %dma_start3A_85 = arith.constant 0 : i32
      %dma_start3A_86 = arith.constant 0 : i32
      %dma_start3A_87 = arith.constant 0 : i32
      %dma_start3A_88 = tpu.memref_slice %arg11[%dma_start3A_86, %dma_start3A_87] : memref<784x64xf32, #tpu.memory_space<vmem>> -> memref<112x64xf32, #tpu.memory_space<vmem>>
      %dma_start3A_89 = arith.constant 0 : i32
      %dma_start3A_90 = tpu.memref_slice %arg7[%dma_start3A_85, %dma_start3A_89] : memref<7x112xi32, #tpu.memory_space<vmem>> -> memref<1x112xi32, #tpu.memory_space<vmem>>
      %dma_start3A_91 = tpu.memref_squeeze %dma_start3A_90 : memref<1x112xi32, #tpu.memory_space<vmem>> -> memref<112xi32, #tpu.memory_space<vmem>>
      %dma_start3A_92 = arith.constant 0 : i32
      %dma_start3A_93 = arith.constant 0 : i32
      %dma_start3A_94 = tpu.memref_slice %arg2[%dma_start3A_92, %dma_start3A_93] : memref<174080x64xf32, #tpu.memory_space<hbm>> -> memref<174080x64xf32, #tpu.memory_space<hbm>>
      tpu.enqueue_indirect_dma source(%dma_start3A_94 : memref<174080x64xf32, #tpu.memory_space<hbm>>) target(%dma_start3A_88 : memref<112x64xf32, #tpu.memory_space<vmem>>) offsets(%dma_start3A_91 : memref<112xi32, #tpu.memory_space<vmem>>) semaphore(%arg14 : memref<!tpu.dma_semaphore, #tpu.memory_space<semaphore_mem>>)
      %dma_start3A_95 = arith.constant 1 : i32
      %dma_start3A_96 = arith.constant 112 : i32
      %dma_start3A_97 = arith.constant 0 : i32
      %dma_start3A_98 = tpu.memref_slice %arg11[%dma_start3A_96, %dma_start3A_97] : memref<784x64xf32, #tpu.memory_space<vmem>> -> memref<112x64xf32, #tpu.memory_space<vmem>>
      %dma_start3A_99 = arith.constant 0 : i32
      %dma_start3A_100 = tpu.memref_slice %arg7[%dma_start3A_95, %dma_start3A_99] : memref<7x112xi32, #tpu.memory_space<vmem>> -> memref<1x112xi32, #tpu.memory_space<vmem>>
      %dma_start3A_101 = tpu.memref_squeeze %dma_start3A_100 : memref<1x112xi32, #tpu.memory_space<vmem>> -> memref<112xi32, #tpu.memory_space<vmem>>
      %dma_start3A_102 = arith.constant 0 : i32
      %dma_start3A_103 = arith.constant 0 : i32
      %dma_start3A_104 = tpu.memref_slice %arg2[%dma_start3A_102, %dma_start3A_103] : memref<174080x64xf32, #tpu.memory_space<hbm>> -> memref<174080x64xf32, #tpu.memory_space<hbm>>
      tpu.enqueue_indirect_dma source(%dma_start3A_104 : memref<174080x64xf32, #tpu.memory_space<hbm>>) target(%dma_start3A_98 : memref<112x64xf32, #tpu.memory_space<vmem>>) offsets(%dma_start3A_101 : memref<112xi32, #tpu.memory_space<vmem>>) semaphore(%arg14 : memref<!tpu.dma_semaphore, #tpu.memory_space<semaphore_mem>>)
      %dma_start3A_105 = arith.constant 2 : i32
      %dma_start3A_106 = arith.constant 224 : i32
      %dma_start3A_107 = arith.constant 0 : i32
      %dma_start3A_108 = tpu.memref_slice %arg11[%dma_start3A_106, %dma_start3A_107] : memref<784x64xf32, #tpu.memory_space<vmem>> -> memref<112x64xf32, #tpu.memory_space<vmem>>
      %dma_start3A_109 = arith.constant 0 : i32
      %dma_start3A_110 = tpu.memref_slice %arg7[%dma_start3A_105, %dma_start3A_109] : memref<7x112xi32, #tpu.memory_space<vmem>> -> memref<1x112xi32, #tpu.memory_space<vmem>>
      %dma_start3A_111 = tpu.memref_squeeze %dma_start3A_110 : memref<1x112xi32, #tpu.memory_space<vmem>> -> memref<112xi32, #tpu.memory_space<vmem>>
      %dma_start3A_112 = arith.constant 0 : i32
      %dma_start3A_113 = arith.constant 0 : i32
      %dma_start3A_114 = tpu.memref_slice %arg2[%dma_start3A_112, %dma_start3A_113] : memref<174080x64xf32, #tpu.memory_space<hbm>> -> memref<174080x64xf32, #tpu.memory_space<hbm>>
      tpu.enqueue_indirect_dma source(%dma_start3A_114 : memref<174080x64xf32, #tpu.memory_space<hbm>>) target(%dma_start3A_108 : memref<112x64xf32, #tpu.memory_space<vmem>>) offsets(%dma_start3A_111 : memref<112xi32, #tpu.memory_space<vmem>>) semaphore(%arg14 : memref<!tpu.dma_semaphore, #tpu.memory_space<semaphore_mem>>)
      %dma_start3A_115 = arith.constant 3 : i32
      %dma_start3A_116 = arith.constant 336 : i32
      %dma_start3A_117 = arith.constant 0 : i32
      %dma_start3A_118 = tpu.memref_slice %arg11[%dma_start3A_116, %dma_start3A_117] : memref<784x64xf32, #tpu.memory_space<vmem>> -> memref<112x64xf32, #tpu.memory_space<vmem>>
      %dma_start3A_119 = arith.constant 0 : i32
      %dma_start3A_120 = tpu.memref_slice %arg7[%dma_start3A_115, %dma_start3A_119] : memref<7x112xi32, #tpu.memory_space<vmem>> -> memref<1x112xi32, #tpu.memory_space<vmem>>
      %dma_start3A_121 = tpu.memref_squeeze %dma_start3A_120 : memref<1x112xi32, #tpu.memory_space<vmem>> -> memref<112xi32, #tpu.memory_space<vmem>>
      %dma_start3A_122 = arith.constant 0 : i32
      %dma_start3A_123 = arith.constant 0 : i32
      %dma_start3A_124 = tpu.memref_slice %arg2[%dma_start3A_122, %dma_start3A_123] : memref<174080x64xf32, #tpu.memory_space<hbm>> -> memref<174080x64xf32, #tpu.memory_space<hbm>>
      tpu.enqueue_indirect_dma source(%dma_start3A_124 : memref<174080x64xf32, #tpu.memory_space<hbm>>) target(%dma_start3A_118 : memref<112x64xf32, #tpu.memory_space<vmem>>) offsets(%dma_start3A_121 : memref<112xi32, #tpu.memory_space<vmem>>) semaphore(%arg14 : memref<!tpu.dma_semaphore, #tpu.memory_space<semaphore_mem>>)
      %dma_start3A_125 = arith.constant 4 : i32
      %dma_start3A_126 = arith.constant 448 : i32
      %dma_start3A_127 = arith.constant 0 : i32
      %dma_start3A_128 = tpu.memref_slice %arg11[%dma_start3A_126, %dma_start3A_127] : memref<784x64xf32, #tpu.memory_space<vmem>> -> memref<112x64xf32, #tpu.memory_space<vmem>>
      %dma_start3A_129 = arith.constant 0 : i32
      %dma_start3A_130 = tpu.memref_slice %arg7[%dma_start3A_125, %dma_start3A_129] : memref<7x112xi32, #tpu.memory_space<vmem>> -> memref<1x112xi32, #tpu.memory_space<vmem>>
      %dma_start3A_131 = tpu.memref_squeeze %dma_start3A_130 : memref<1x112xi32, #tpu.memory_space<vmem>> -> memref<112xi32, #tpu.memory_space<vmem>>
      %dma_start3A_132 = arith.constant 0 : i32
      %dma_start3A_133 = arith.constant 0 : i32
      %dma_start3A_134 = tpu.memref_slice %arg2[%dma_start3A_132, %dma_start3A_133] : memref<174080x64xf32, #tpu.memory_space<hbm>> -> memref<174080x64xf32, #tpu.memory_space<hbm>>
      tpu.enqueue_indirect_dma source(%dma_start3A_134 : memref<174080x64xf32, #tpu.memory_space<hbm>>) target(%dma_start3A_128 : memref<112x64xf32, #tpu.memory_space<vmem>>) offsets(%dma_start3A_131 : memref<112xi32, #tpu.memory_space<vmem>>) semaphore(%arg14 : memref<!tpu.dma_semaphore, #tpu.memory_space<semaphore_mem>>)
      %dma_start3A_135 = arith.constant 5 : i32
      %dma_start3A_136 = arith.constant 560 : i32
      %dma_start3A_137 = arith.constant 0 : i32
      %dma_start3A_138 = tpu.memref_slice %arg11[%dma_start3A_136, %dma_start3A_137] : memref<784x64xf32, #tpu.memory_space<vmem>> -> memref<112x64xf32, #tpu.memory_space<vmem>>
      %dma_start3A_139 = arith.constant 0 : i32
      %dma_start3A_140 = tpu.memref_slice %arg7[%dma_start3A_135, %dma_start3A_139] : memref<7x112xi32, #tpu.memory_space<vmem>> -> memref<1x112xi32, #tpu.memory_space<vmem>>
      %dma_start3A_141 = tpu.memref_squeeze %dma_start3A_140 : memref<1x112xi32, #tpu.memory_space<vmem>> -> memref<112xi32, #tpu.memory_space<vmem>>
      %dma_start3A_142 = arith.constant 0 : i32
      %dma_start3A_143 = arith.constant 0 : i32
      %dma_start3A_144 = tpu.memref_slice %arg2[%dma_start3A_142, %dma_start3A_143] : memref<174080x64xf32, #tpu.memory_space<hbm>> -> memref<174080x64xf32, #tpu.memory_space<hbm>>
      tpu.enqueue_indirect_dma source(%dma_start3A_144 : memref<174080x64xf32, #tpu.memory_space<hbm>>) target(%dma_start3A_138 : memref<112x64xf32, #tpu.memory_space<vmem>>) offsets(%dma_start3A_141 : memref<112xi32, #tpu.memory_space<vmem>>) semaphore(%arg14 : memref<!tpu.dma_semaphore, #tpu.memory_space<semaphore_mem>>)
      %dma_start3A_145 = arith.constant 6 : i32
      %dma_start3A_146 = arith.constant 672 : i32
      %dma_start3A_147 = arith.constant 0 : i32
      %dma_start3A_148 = tpu.memref_slice %arg11[%dma_start3A_146, %dma_start3A_147] : memref<784x64xf32, #tpu.memory_space<vmem>> -> memref<112x64xf32, #tpu.memory_space<vmem>>
      %dma_start3A_149 = arith.constant 0 : i32
      %dma_start3A_150 = tpu.memref_slice %arg7[%dma_start3A_145, %dma_start3A_149] : memref<7x112xi32, #tpu.memory_space<vmem>> -> memref<1x112xi32, #tpu.memory_space<vmem>>
      %dma_start3A_151 = tpu.memref_squeeze %dma_start3A_150 : memref<1x112xi32, #tpu.memory_space<vmem>> -> memref<112xi32, #tpu.memory_space<vmem>>
      %dma_start3A_152 = arith.constant 0 : i32
      %dma_start3A_153 = arith.constant 0 : i32
      %dma_start3A_154 = tpu.memref_slice %arg2[%dma_start3A_152, %dma_start3A_153] : memref<174080x64xf32, #tpu.memory_space<hbm>> -> memref<174080x64xf32, #tpu.memory_space<hbm>>
      tpu.enqueue_indirect_dma source(%dma_start3A_154 : memref<174080x64xf32, #tpu.memory_space<hbm>>) target(%dma_start3A_148 : memref<112x64xf32, #tpu.memory_space<vmem>>) offsets(%dma_start3A_151 : memref<112xi32, #tpu.memory_space<vmem>>) semaphore(%arg14 : memref<!tpu.dma_semaphore, #tpu.memory_space<semaphore_mem>>)
      %dma_wait3A = arith.constant 0 : i32
      %dma_wait3A_155 = arith.constant 0 : i32
      %dma_wait3A_156 = tpu.memref_slice %arg2[%dma_wait3A, %dma_wait3A_155] : memref<174080x64xf32, #tpu.memory_space<hbm>> -> memref<784x64xf32, #tpu.memory_space<hbm>>
      %dma_wait3A_157 = arith.constant 0 : i32
      %dma_wait3A_158 = arith.constant 0 : i32
      %dma_wait3A_159 = tpu.memref_slice %arg2[%dma_wait3A_157, %dma_wait3A_158] : memref<174080x64xf32, #tpu.memory_space<hbm>> -> memref<784x64xf32, #tpu.memory_space<hbm>>
      tpu.wait_dma2 semaphore(%arg13 : memref<!tpu.dma_semaphore, #tpu.memory_space<semaphore_mem>>) src(%dma_wait3A_159 : memref<784x64xf32, #tpu.memory_space<hbm>>) dst(%arg10 : memref<784x64xf32, #tpu.memory_space<vmem>>)
      %mul3A_160 = arith.constant 32 : i32
      %mul3A_161 = arith.muli %mul3A_79, %mul3A_160 : i32
      %add3A_162 = arith.addi %mul3A_161, %add3A : i32
      %scan3A_163 = arith.constant 0 : i32
      %scan3A_164 = arith.constant 0 : i32
      %scan3A_165 = arith.constant 49 : i32
      %scan3A_166 = arith.addi %scan3A_164, %scan3A_165 : i32
      %scan3A_167 = arith.constant 1 : i32
      scf.for %scan3A_188 = %scan3A_164 to %scan3A_166 step %scan3A_167  : i32 {
        %mul3A_189 = arith.constant 16 : i32
        %mul3A_190 = arith.muli %scan3A_188, %mul3A_189 : i32
        %get3A = arith.index_cast %mul3A_190 : i32 to index
        %get3A_191 = tpu.vector_load %arg8[%get3A] {strides = array<i32>} : memref<784xf32, #tpu.memory_space<vmem>>, vector<16xf32>,
        %get3A_192 = vector.shape_cast %get3A_191 : vector<16xf32> to vector<16xf32>
        %broadcast_in_dim3A = arith.constant 0.000000e+00 : f32
        %broadcast_in_dim3A_193 = vector.broadcast %broadcast_in_dim3A : f32 to vector<16xf32>
        %broadcast_in_dim3A_194 = arith.constant 0.000000e+00 : f32
        %broadcast_in_dim3A_195 = vector.broadcast %broadcast_in_dim3A_194 : f32 to vector<16xf32>
        %broadcast_in_dim3A_196 = arith.constant 0.000000e+00 : f32
        %broadcast_in_dim3A_197 = vector.broadcast %broadcast_in_dim3A_196 : f32 to vector<16xf32>
        %broadcast_in_dim3A_198 = arith.constant 0.000000e+00 : f32
        %broadcast_in_dim3A_199 = vector.broadcast %broadcast_in_dim3A_198 : f32 to vector<16xf32>
        %add3A_200 = arith.constant 0 : i32
        %add3A_201 = arith.addi %mul3A_190, %add3A_200 : i32
        %slice3A = vector.extract_strided_slice %get3A_192 {offsets = [0], sizes = [1], strides = [1]} : vector<16xf32> to vector<1xf32>
        %squeeze3A = vector.extract %slice3A[0] : f32 from vector<1xf32>
        %get3A_202 = arith.index_cast %add3A_201 : i32 to index
        %get3A_203 = arith.constant 0 : index
        %get3A_204 = tpu.vector_load %arg10[%get3A_202, %get3A_203] {strides = array<i32>} : memref<784x64xf32, #tpu.memory_space<vmem>>, vector<1x16xf32>,
        %get3A_205 = vector.shape_cast %get3A_204 : vector<1x16xf32> to vector<16xf32>
        %mul3A_206 = vector.broadcast %squeeze3A : f32 to vector<16xf32>
        %mul3A_207 = arith.mulf %get3A_205, %mul3A_206 : vector<16xf32>
        %add3A_208 = arith.addf %broadcast_in_dim3A_193, %mul3A_207 : vector<16xf32>
        %get3A_209 = arith.index_cast %add3A_201 : i32 to index
        %get3A_210 = arith.constant 16 : index
        %get3A_211 = tpu.vector_load %arg10[%get3A_209, %get3A_210] {strides = array<i32>} : memref<784x64xf32, #tpu.memory_space<vmem>>, vector<1x16xf32>,
        %get3A_212 = vector.shape_cast %get3A_211 : vector<1x16xf32> to vector<16xf32>
        %mul3A_213 = vector.broadcast %squeeze3A : f32 to vector<16xf32>
        %mul3A_214 = arith.mulf %get3A_212, %mul3A_213 : vector<16xf32>
        %add3A_215 = arith.addf %broadcast_in_dim3A_195, %mul3A_214 : vector<16xf32>
        %get3A_216 = arith.index_cast %add3A_201 : i32 to index
        %get3A_217 = arith.constant 32 : index
        %get3A_218 = tpu.vector_load %arg10[%get3A_216, %get3A_217] {strides = array<i32>} : memref<784x64xf32, #tpu.memory_space<vmem>>, vector<1x16xf32>,
        %get3A_219 = vector.shape_cast %get3A_218 : vector<1x16xf32> to vector<16xf32>
        %mul3A_220 = vector.broadcast %squeeze3A : f32 to vector<16xf32>
        %mul3A_221 = arith.mulf %get3A_219, %mul3A_220 : vector<16xf32>
        %add3A_222 = arith.addf %broadcast_in_dim3A_197, %mul3A_221 : vector<16xf32>
        %get3A_223 = arith.index_cast %add3A_201 : i32 to index
        %get3A_224 = arith.constant 48 : index
        %get3A_225 = tpu.vector_load %arg10[%get3A_223, %get3A_224] {strides = array<i32>} : memref<784x64xf32, #tpu.memory_space<vmem>>, vector<1x16xf32>,
        %get3A_226 = vector.shape_cast %get3A_225 : vector<1x16xf32> to vector<16xf32>
        %mul3A_227 = vector.broadcast %squeeze3A : f32 to vector<16xf32>
        %mul3A_228 = arith.mulf %get3A_226, %mul3A_227 : vector<16xf32>
        %add3A_229 = arith.addf %broadcast_in_dim3A_199, %mul3A_228 : vector<16xf32>
        %add3A_230 = arith.constant 1 : i32
        %add3A_231 = arith.addi %mul3A_190, %add3A_230 : i32
        %slice3A_232 = vector.extract_strided_slice %get3A_192 {offsets = [1], sizes = [1], strides = [1]} : vector<16xf32> to vector<1xf32>
        %squeeze3A_233 = vector.extract %slice3A_232[0] : f32 from vector<1xf32>
        %get3A_234 = arith.index_cast %add3A_231 : i32 to index
        %get3A_235 = arith.constant 0 : index
        %get3A_236 = tpu.vector_load %arg10[%get3A_234, %get3A_235] {strides = array<i32>} : memref<784x64xf32, #tpu.memory_space<vmem>>, vector<1x16xf32>,
        %get3A_237 = vector.shape_cast %get3A_236 : vector<1x16xf32> to vector<16xf32>
        %mul3A_238 = vector.broadcast %squeeze3A_233 : f32 to vector<16xf32>
        %mul3A_239 = arith.mulf %get3A_237, %mul3A_238 : vector<16xf32>
        %add3A_240 = arith.addf %add3A_208, %mul3A_239 : vector<16xf32>
        %get3A_241 = arith.index_cast %add3A_231 : i32 to index
        %get3A_242 = arith.constant 16 : index
        %get3A_243 = tpu.vector_load %arg10[%get3A_241, %get3A_242] {strides = array<i32>} : memref<784x64xf32, #tpu.memory_space<vmem>>, vector<1x16xf32>,
        %get3A_244 = vector.shape_cast %get3A_243 : vector<1x16xf32> to vector<16xf32>
        %mul3A_245 = vector.broadcast %squeeze3A_233 : f32 to vector<16xf32>
        %mul3A_246 = arith.mulf %get3A_244, %mul3A_245 : vector<16xf32>
        %add3A_247 = arith.addf %add3A_215, %mul3A_246 : vector<16xf32>
        %get3A_248 = arith.index_cast %add3A_231 : i32 to index
        %get3A_249 = arith.constant 32 : index
        %get3A_250 = tpu.vector_load %arg10[%get3A_248, %get3A_249] {strides = array<i32>} : memref<784x64xf32, #tpu.memory_space<vmem>>, vector<1x16xf32>,
        %get3A_251 = vector.shape_cast %get3A_250 : vector<1x16xf32> to vector<16xf32>
        %mul3A_252 = vector.broadcast %squeeze3A_233 : f32 to vector<16xf32>
        %mul3A_253 = arith.mulf %get3A_251, %mul3A_252 : vector<16xf32>
        %add3A_254 = arith.addf %add3A_222, %mul3A_253 : vector<16xf32>
        %get3A_255 = arith.index_cast %add3A_231 : i32 to index
        %get3A_256 = arith.constant 48 : index
        %get3A_257 = tpu.vector_load %arg10[%get3A_255, %get3A_256] {strides = array<i32>} : memref<784x64xf32, #tpu.memory_space<vmem>>, vector<1x16xf32>,
        %get3A_258 = vector.shape_cast %get3A_257 : vector<1x16xf32> to vector<16xf32>
        %mul3A_259 = vector.broadcast %squeeze3A_233 : f32 to vector<16xf32>
        %mul3A_260 = arith.mulf %get3A_258, %mul3A_259 : vector<16xf32>
        %add3A_261 = arith.addf %add3A_229, %mul3A_260 : vector<16xf32>
        %add3A_262 = arith.constant 2 : i32
        %add3A_263 = arith.addi %mul3A_190, %add3A_262 : i32
        %slice3A_264 = vector.extract_strided_slice %get3A_192 {offsets = [2], sizes = [1], strides = [1]} : vector<16xf32> to vector<1xf32>
        %squeeze3A_265 = vector.extract %slice3A_264[0] : f32 from vector<1xf32>
        %get3A_266 = arith.index_cast %add3A_263 : i32 to index
        %get3A_267 = arith.constant 0 : index
        %get3A_268 = tpu.vector_load %arg10[%get3A_266, %get3A_267] {strides = array<i32>} : memref<784x64xf32, #tpu.memory_space<vmem>>, vector<1x16xf32>,
        %get3A_269 = vector.shape_cast %get3A_268 : vector<1x16xf32> to vector<16xf32>
        %mul3A_270 = vector.broadcast %squeeze3A_265 : f32 to vector<16xf32>
        %mul3A_271 = arith.mulf %get3A_269, %mul3A_270 : vector<16xf32>
        %add3A_272 = arith.addf %add3A_240, %mul3A_271 : vector<16xf32>
        %get3A_273 = arith.index_cast %add3A_263 : i32 to index
        %get3A_274 = arith.constant 16 : index
        %get3A_275 = tpu.vector_load %arg10[%get3A_273, %get3A_274] {strides = array<i32>} : memref<784x64xf32, #tpu.memory_space<vmem>>, vector<1x16xf32>,
        %get3A_276 = vector.shape_cast %get3A_275 : vector<1x16xf32> to vector<16xf32>
        %mul3A_277 = vector.broadcast %squeeze3A_265 : f32 to vector<16xf32>
        %mul3A_278 = arith.mulf %get3A_276, %mul3A_277 : vector<16xf32>
        %add3A_279 = arith.addf %add3A_247, %mul3A_278 : vector<16xf32>
        %get3A_280 = arith.index_cast %add3A_263 : i32 to index
        %get3A_281 = arith.constant 32 : index
        %get3A_282 = tpu.vector_load %arg10[%get3A_280, %get3A_281] {strides = array<i32>} : memref<784x64xf32, #tpu.memory_space<vmem>>, vector<1x16xf32>,
        %get3A_283 = vector.shape_cast %get3A_282 : vector<1x16xf32> to vector<16xf32>
        %mul3A_284 = vector.broadcast %squeeze3A_265 : f32 to vector<16xf32>
        %mul3A_285 = arith.mulf %get3A_283, %mul3A_284 : vector<16xf32>
        %add3A_286 = arith.addf %add3A_254, %mul3A_285 : vector<16xf32>
        %get3A_287 = arith.index_cast %add3A_263 : i32 to index
        %get3A_288 = arith.constant 48 : index
        %get3A_289 = tpu.vector_load %arg10[%get3A_287, %get3A_288] {strides = array<i32>} : memref<784x64xf32, #tpu.memory_space<vmem>>, vector<1x16xf32>,
        %get3A_290 = vector.shape_cast %get3A_289 : vector<1x16xf32> to vector<16xf32>
        %mul3A_291 = vector.broadcast %squeeze3A_265 : f32 to vector<16xf32>
        %mul3A_292 = arith.mulf %get3A_290, %mul3A_291 : vector<16xf32>
        %add3A_293 = arith.addf %add3A_261, %mul3A_292 : vector<16xf32>
        %add3A_294 = arith.constant 3 : i32
        %add3A_295 = arith.addi %mul3A_190, %add3A_294 : i32
        %slice3A_296 = vector.extract_strided_slice %get3A_192 {offsets = [3], sizes = [1], strides = [1]} : vector<16xf32> to vector<1xf32>
        %squeeze3A_297 = vector.extract %slice3A_296[0] : f32 from vector<1xf32>
        %get3A_298 = arith.index_cast %add3A_295 : i32 to index
        %get3A_299 = arith.constant 0 : index
        %get3A_300 = tpu.vector_load %arg10[%get3A_298, %get3A_299] {strides = array<i32>} : memref<784x64xf32, #tpu.memory_space<vmem>>, vector<1x16xf32>,
        %get3A_301 = vector.shape_cast %get3A_300 : vector<1x16xf32> to vector<16xf32>
        %mul3A_302 = vector.broadcast %squeeze3A_297 : f32 to vector<16xf32>
        %mul3A_303 = arith.mulf %get3A_301, %mul3A_302 : vector<16xf32>
        %add3A_304 = arith.addf %add3A_272, %mul3A_303 : vector<16xf32>
        %get3A_305 = arith.index_cast %add3A_295 : i32 to index
        %get3A_306 = arith.constant 16 : index
        %get3A_307 = tpu.vector_load %arg10[%get3A_305, %get3A_306] {strides = array<i32>} : memref<784x64xf32, #tpu.memory_space<vmem>>, vector<1x16xf32>,
        %get3A_308 = vector.shape_cast %get3A_307 : vector<1x16xf32> to vector<16xf32>
        %mul3A_309 = vector.broadcast %squeeze3A_297 : f32 to vector<16xf32>
        %mul3A_310 = arith.mulf %get3A_308, %mul3A_309 : vector<16xf32>
        %add3A_311 = arith.addf %add3A_279, %mul3A_310 : vector<16xf32>
        %get3A_312 = arith.index_cast %add3A_295 : i32 to index
        %get3A_313 = arith.constant 32 : index
        %get3A_314 = tpu.vector_load %arg10[%get3A_312, %get3A_313] {strides = array<i32>} : memref<784x64xf32, #tpu.memory_space<vmem>>, vector<1x16xf32>,
        %get3A_315 = vector.shape_cast %get3A_314 : vector<1x16xf32> to vector<16xf32>
        %mul3A_316 = vector.broadcast %squeeze3A_297 : f32 to vector<16xf32>
        %mul3A_317 = arith.mulf %get3A_315, %mul3A_316 : vector<16xf32>
        %add3A_318 = arith.addf %add3A_286, %mul3A_317 : vector<16xf32>
        %get3A_319 = arith.index_cast %add3A_295 : i32 to index
        %get3A_320 = arith.constant 48 : index
        %get3A_321 = tpu.vector_load %arg10[%get3A_319, %get3A_320] {strides = array<i32>} : memref<784x64xf32, #tpu.memory_space<vmem>>, vector<1x16xf32>,
        %get3A_322 = vector.shape_cast %get3A_321 : vector<1x16xf32> to vector<16xf32>
        %mul3A_323 = vector.broadcast %squeeze3A_297 : f32 to vector<16xf32>
        %mul3A_324 = arith.mulf %get3A_322, %mul3A_323 : vector<16xf32>
        %add3A_325 = arith.addf %add3A_293, %mul3A_324 : vector<16xf32>
        %add3A_326 = arith.constant 4 : i32
        %add3A_327 = arith.addi %mul3A_190, %add3A_326 : i32
        %slice3A_328 = vector.extract_strided_slice %get3A_192 {offsets = [4], sizes = [1], strides = [1]} : vector<16xf32> to vector<1xf32>
        %squeeze3A_329 = vector.extract %slice3A_328[0] : f32 from vector<1xf32>
        %get3A_330 = arith.index_cast %add3A_327 : i32 to index
        %get3A_331 = arith.constant 0 : index
        %get3A_332 = tpu.vector_load %arg10[%get3A_330, %get3A_331] {strides = array<i32>} : memref<784x64xf32, #tpu.memory_space<vmem>>, vector<1x16xf32>,
        %get3A_333 = vector.shape_cast %get3A_332 : vector<1x16xf32> to vector<16xf32>
        %mul3A_334 = vector.broadcast %squeeze3A_329 : f32 to vector<16xf32>
        %mul3A_335 = arith.mulf %get3A_333, %mul3A_334 : vector<16xf32>
        %add3A_336 = arith.addf %add3A_304, %mul3A_335 : vector<16xf32>
        %get3A_337 = arith.index_cast %add3A_327 : i32 to index
        %get3A_338 = arith.constant 16 : index
        %get3A_339 = tpu.vector_load %arg10[%get3A_337, %get3A_338] {strides = array<i32>} : memref<784x64xf32, #tpu.memory_space<vmem>>, vector<1x16xf32>,
        %get3A_340 = vector.shape_cast %get3A_339 : vector<1x16xf32> to vector<16xf32>
        %mul3A_341 = vector.broadcast %squeeze3A_329 : f32 to vector<16xf32>
        %mul3A_342 = arith.mulf %get3A_340, %mul3A_341 : vector<16xf32>
        %add3A_343 = arith.addf %add3A_311, %mul3A_342 : vector<16xf32>
        %get3A_344 = arith.index_cast %add3A_327 : i32 to index
        %get3A_345 = arith.constant 32 : index
        %get3A_346 = tpu.vector_load %arg10[%get3A_344, %get3A_345] {strides = array<i32>} : memref<784x64xf32, #tpu.memory_space<vmem>>, vector<1x16xf32>,
        %get3A_347 = vector.shape_cast %get3A_346 : vector<1x16xf32> to vector<16xf32>
        %mul3A_348 = vector.broadcast %squeeze3A_329 : f32 to vector<16xf32>
        %mul3A_349 = arith.mulf %get3A_347, %mul3A_348 : vector<16xf32>
        %add3A_350 = arith.addf %add3A_318, %mul3A_349 : vector<16xf32>
        %get3A_351 = arith.index_cast %add3A_327 : i32 to index
        %get3A_352 = arith.constant 48 : index
        %get3A_353 = tpu.vector_load %arg10[%get3A_351, %get3A_352] {strides = array<i32>} : memref<784x64xf32, #tpu.memory_space<vmem>>, vector<1x16xf32>,
        %get3A_354 = vector.shape_cast %get3A_353 : vector<1x16xf32> to vector<16xf32>
        %mul3A_355 = vector.broadcast %squeeze3A_329 : f32 to vector<16xf32>
        %mul3A_356 = arith.mulf %get3A_354, %mul3A_355 : vector<16xf32>
        %add3A_357 = arith.addf %add3A_325, %mul3A_356 : vector<16xf32>
        %add3A_358 = arith.constant 5 : i32
        %add3A_359 = arith.addi %mul3A_190, %add3A_358 : i32
        %slice3A_360 = vector.extract_strided_slice %get3A_192 {offsets = [5], sizes = [1], strides = [1]} : vector<16xf32> to vector<1xf32>
        %squeeze3A_361 = vector.extract %slice3A_360[0] : f32 from vector<1xf32>
        %get3A_362 = arith.index_cast %add3A_359 : i32 to index
        %get3A_363 = arith.constant 0 : index
        %get3A_364 = tpu.vector_load %arg10[%get3A_362, %get3A_363] {strides = array<i32>} : memref<784x64xf32, #tpu.memory_space<vmem>>, vector<1x16xf32>,
        %get3A_365 = vector.shape_cast %get3A_364 : vector<1x16xf32> to vector<16xf32>
        %mul3A_366 = vector.broadcast %squeeze3A_361 : f32 to vector<16xf32>
        %mul3A_367 = arith.mulf %get3A_365, %mul3A_366 : vector<16xf32>
        %add3A_368 = arith.addf %add3A_336, %mul3A_367 : vector<16xf32>
        %get3A_369 = arith.index_cast %add3A_359 : i32 to index
        %get3A_370 = arith.constant 16 : index
        %get3A_371 = tpu.vector_load %arg10[%get3A_369, %get3A_370] {strides = array<i32>} : memref<784x64xf32, #tpu.memory_space<vmem>>, vector<1x16xf32>,
        %get3A_372 = vector.shape_cast %get3A_371 : vector<1x16xf32> to vector<16xf32>
        %mul3A_373 = vector.broadcast %squeeze3A_361 : f32 to vector<16xf32>
        %mul3A_374 = arith.mulf %get3A_372, %mul3A_373 : vector<16xf32>
        %add3A_375 = arith.addf %add3A_343, %mul3A_374 : vector<16xf32>
        %get3A_376 = arith.index_cast %add3A_359 : i32 to index
        %get3A_377 = arith.constant 32 : index
        %get3A_378 = tpu.vector_load %arg10[%get3A_376, %get3A_377] {strides = array<i32>} : memref<784x64xf32, #tpu.memory_space<vmem>>, vector<1x16xf32>,
        %get3A_379 = vector.shape_cast %get3A_378 : vector<1x16xf32> to vector<16xf32>
        %mul3A_380 = vector.broadcast %squeeze3A_361 : f32 to vector<16xf32>
        %mul3A_381 = arith.mulf %get3A_379, %mul3A_380 : vector<16xf32>
        %add3A_382 = arith.addf %add3A_350, %mul3A_381 : vector<16xf32>
        %get3A_383 = arith.index_cast %add3A_359 : i32 to index
        %get3A_384 = arith.constant 48 : index
        %get3A_385 = tpu.vector_load %arg10[%get3A_383, %get3A_384] {strides = array<i32>} : memref<784x64xf32, #tpu.memory_space<vmem>>, vector<1x16xf32>,
        %get3A_386 = vector.shape_cast %get3A_385 : vector<1x16xf32> to vector<16xf32>
        %mul3A_387 = vector.broadcast %squeeze3A_361 : f32 to vector<16xf32>
        %mul3A_388 = arith.mulf %get3A_386, %mul3A_387 : vector<16xf32>
        %add3A_389 = arith.addf %add3A_357, %mul3A_388 : vector<16xf32>
        %add3A_390 = arith.constant 6 : i32
        %add3A_391 = arith.addi %mul3A_190, %add3A_390 : i32
        %slice3A_392 = vector.extract_strided_slice %get3A_192 {offsets = [6], sizes = [1], strides = [1]} : vector<16xf32> to vector<1xf32>
        %squeeze3A_393 = vector.extract %slice3A_392[0] : f32 from vector<1xf32>
        %get3A_394 = arith.index_cast %add3A_391 : i32 to index
        %get3A_395 = arith.constant 0 : index
        %get3A_396 = tpu.vector_load %arg10[%get3A_394, %get3A_395] {strides = array<i32>} : memref<784x64xf32, #tpu.memory_space<vmem>>, vector<1x16xf32>,
        %get3A_397 = vector.shape_cast %get3A_396 : vector<1x16xf32> to vector<16xf32>
        %mul3A_398 = vector.broadcast %squeeze3A_393 : f32 to vector<16xf32>
        %mul3A_399 = arith.mulf %get3A_397, %mul3A_398 : vector<16xf32>
        %add3A_400 = arith.addf %add3A_368, %mul3A_399 : vector<16xf32>
        %get3A_401 = arith.index_cast %add3A_391 : i32 to index
        %get3A_402 = arith.constant 16 : index
        %get3A_403 = tpu.vector_load %arg10[%get3A_401, %get3A_402] {strides = array<i32>} : memref<784x64xf32, #tpu.memory_space<vmem>>, vector<1x16xf32>,
        %get3A_404 = vector.shape_cast %get3A_403 : vector<1x16xf32> to vector<16xf32>
        %mul3A_405 = vector.broadcast %squeeze3A_393 : f32 to vector<16xf32>
        %mul3A_406 = arith.mulf %get3A_404, %mul3A_405 : vector<16xf32>
        %add3A_407 = arith.addf %add3A_375, %mul3A_406 : vector<16xf32>
        %get3A_408 = arith.index_cast %add3A_391 : i32 to index
        %get3A_409 = arith.constant 32 : index
        %get3A_410 = tpu.vector_load %arg10[%get3A_408, %get3A_409] {strides = array<i32>} : memref<784x64xf32, #tpu.memory_space<vmem>>, vector<1x16xf32>,
        %get3A_411 = vector.shape_cast %get3A_410 : vector<1x16xf32> to vector<16xf32>
        %mul3A_412 = vector.broadcast %squeeze3A_393 : f32 to vector<16xf32>
        %mul3A_413 = arith.mulf %get3A_411, %mul3A_412 : vector<16xf32>
        %add3A_414 = arith.addf %add3A_382, %mul3A_413 : vector<16xf32>
        %get3A_415 = arith.index_cast %add3A_391 : i32 to index
        %get3A_416 = arith.constant 48 : index
        %get3A_417 = tpu.vector_load %arg10[%get3A_415, %get3A_416] {strides = array<i32>} : memref<784x64xf32, #tpu.memory_space<vmem>>, vector<1x16xf32>,
        %get3A_418 = vector.shape_cast %get3A_417 : vector<1x16xf32> to vector<16xf32>
        %mul3A_419 = vector.broadcast %squeeze3A_393 : f32 to vector<16xf32>
        %mul3A_420 = arith.mulf %get3A_418, %mul3A_419 : vector<16xf32>
        %add3A_421 = arith.addf %add3A_389, %mul3A_420 : vector<16xf32>
        %add3A_422 = arith.constant 7 : i32
        %add3A_423 = arith.addi %mul3A_190, %add3A_422 : i32
        %slice3A_424 = vector.extract_strided_slice %get3A_192 {offsets = [7], sizes = [1], strides = [1]} : vector<16xf32> to vector<1xf32>
        %squeeze3A_425 = vector.extract %slice3A_424[0] : f32 from vector<1xf32>
        %get3A_426 = arith.index_cast %add3A_423 : i32 to index
        %get3A_427 = arith.constant 0 : index
        %get3A_428 = tpu.vector_load %arg10[%get3A_426, %get3A_427] {strides = array<i32>} : memref<784x64xf32, #tpu.memory_space<vmem>>, vector<1x16xf32>,
        %get3A_429 = vector.shape_cast %get3A_428 : vector<1x16xf32> to vector<16xf32>
        %mul3A_430 = vector.broadcast %squeeze3A_425 : f32 to vector<16xf32>
        %mul3A_431 = arith.mulf %get3A_429, %mul3A_430 : vector<16xf32>
        %add3A_432 = arith.addf %add3A_400, %mul3A_431 : vector<16xf32>
        %get3A_433 = arith.index_cast %add3A_423 : i32 to index
        %get3A_434 = arith.constant 16 : index
        %get3A_435 = tpu.vector_load %arg10[%get3A_433, %get3A_434] {strides = array<i32>} : memref<784x64xf32, #tpu.memory_space<vmem>>, vector<1x16xf32>,
        %get3A_436 = vector.shape_cast %get3A_435 : vector<1x16xf32> to vector<16xf32>
        %mul3A_437 = vector.broadcast %squeeze3A_425 : f32 to vector<16xf32>
        %mul3A_438 = arith.mulf %get3A_436, %mul3A_437 : vector<16xf32>
        %add3A_439 = arith.addf %add3A_407, %mul3A_438 : vector<16xf32>
        %get3A_440 = arith.index_cast %add3A_423 : i32 to index
        %get3A_441 = arith.constant 32 : index
        %get3A_442 = tpu.vector_load %arg10[%get3A_440, %get3A_441] {strides = array<i32>} : memref<784x64xf32, #tpu.memory_space<vmem>>, vector<1x16xf32>,
        %get3A_443 = vector.shape_cast %get3A_442 : vector<1x16xf32> to vector<16xf32>
        %mul3A_444 = vector.broadcast %squeeze3A_425 : f32 to vector<16xf32>
        %mul3A_445 = arith.mulf %get3A_443, %mul3A_444 : vector<16xf32>
        %add3A_446 = arith.addf %add3A_414, %mul3A_445 : vector<16xf32>
        %get3A_447 = arith.index_cast %add3A_423 : i32 to index
        %get3A_448 = arith.constant 48 : index
        %get3A_449 = tpu.vector_load %arg10[%get3A_447, %get3A_448] {strides = array<i32>} : memref<784x64xf32, #tpu.memory_space<vmem>>, vector<1x16xf32>,
        %get3A_450 = vector.shape_cast %get3A_449 : vector<1x16xf32> to vector<16xf32>
        %mul3A_451 = vector.broadcast %squeeze3A_425 : f32 to vector<16xf32>
        %mul3A_452 = arith.mulf %get3A_450, %mul3A_451 : vector<16xf32>
        %add3A_453 = arith.addf %add3A_421, %mul3A_452 : vector<16xf32>
        %add3A_454 = arith.constant 8 : i32
        %add3A_455 = arith.addi %mul3A_190, %add3A_454 : i32
        %slice3A_456 = vector.extract_strided_slice %get3A_192 {offsets = [8], sizes = [1], strides = [1]} : vector<16xf32> to vector<1xf32>
        %squeeze3A_457 = vector.extract %slice3A_456[0] : f32 from vector<1xf32>
        %get3A_458 = arith.index_cast %add3A_455 : i32 to index
        %get3A_459 = arith.constant 0 : index
        %get3A_460 = tpu.vector_load %arg10[%get3A_458, %get3A_459] {strides = array<i32>} : memref<784x64xf32, #tpu.memory_space<vmem>>, vector<1x16xf32>,
        %get3A_461 = vector.shape_cast %get3A_460 : vector<1x16xf32> to vector<16xf32>
        %mul3A_462 = vector.broadcast %squeeze3A_457 : f32 to vector<16xf32>
        %mul3A_463 = arith.mulf %get3A_461, %mul3A_462 : vector<16xf32>
        %add3A_464 = arith.addf %add3A_432, %mul3A_463 : vector<16xf32>
        %get3A_465 = arith.index_cast %add3A_455 : i32 to index
        %get3A_466 = arith.constant 16 : index
        %get3A_467 = tpu.vector_load %arg10[%get3A_465, %get3A_466] {strides = array<i32>} : memref<784x64xf32, #tpu.memory_space<vmem>>, vector<1x16xf32>,
        %get3A_468 = vector.shape_cast %get3A_467 : vector<1x16xf32> to vector<16xf32>
        %mul3A_469 = vector.broadcast %squeeze3A_457 : f32 to vector<16xf32>
        %mul3A_470 = arith.mulf %get3A_468, %mul3A_469 : vector<16xf32>
        %add3A_471 = arith.addf %add3A_439, %mul3A_470 : vector<16xf32>
        %get3A_472 = arith.index_cast %add3A_455 : i32 to index
        %get3A_473 = arith.constant 32 : index
        %get3A_474 = tpu.vector_load %arg10[%get3A_472, %get3A_473] {strides = array<i32>} : memref<784x64xf32, #tpu.memory_space<vmem>>, vector<1x16xf32>,
        %get3A_475 = vector.shape_cast %get3A_474 : vector<1x16xf32> to vector<16xf32>
        %mul3A_476 = vector.broadcast %squeeze3A_457 : f32 to vector<16xf32>
        %mul3A_477 = arith.mulf %get3A_475, %mul3A_476 : vector<16xf32>
        %add3A_478 = arith.addf %add3A_446, %mul3A_477 : vector<16xf32>
        %get3A_479 = arith.index_cast %add3A_455 : i32 to index
        %get3A_480 = arith.constant 48 : index
        %get3A_481 = tpu.vector_load %arg10[%get3A_479, %get3A_480] {strides = array<i32>} : memref<784x64xf32, #tpu.memory_space<vmem>>, vector<1x16xf32>,
        %get3A_482 = vector.shape_cast %get3A_481 : vector<1x16xf32> to vector<16xf32>
        %mul3A_483 = vector.broadcast %squeeze3A_457 : f32 to vector<16xf32>
        %mul3A_484 = arith.mulf %get3A_482, %mul3A_483 : vector<16xf32>
        %add3A_485 = arith.addf %add3A_453, %mul3A_484 : vector<16xf32>
        %add3A_486 = arith.constant 9 : i32
        %add3A_487 = arith.addi %mul3A_190, %add3A_486 : i32
        %slice3A_488 = vector.extract_strided_slice %get3A_192 {offsets = [9], sizes = [1], strides = [1]} : vector<16xf32> to vector<1xf32>
        %squeeze3A_489 = vector.extract %slice3A_488[0] : f32 from vector<1xf32>
        %get3A_490 = arith.index_cast %add3A_487 : i32 to index
        %get3A_491 = arith.constant 0 : index
        %get3A_492 = tpu.vector_load %arg10[%get3A_490, %get3A_491] {strides = array<i32>} : memref<784x64xf32, #tpu.memory_space<vmem>>, vector<1x16xf32>,
        %get3A_493 = vector.shape_cast %get3A_492 : vector<1x16xf32> to vector<16xf32>
        %mul3A_494 = vector.broadcast %squeeze3A_489 : f32 to vector<16xf32>
        %mul3A_495 = arith.mulf %get3A_493, %mul3A_494 : vector<16xf32>
        %add3A_496 = arith.addf %add3A_464, %mul3A_495 : vector<16xf32>
        %get3A_497 = arith.index_cast %add3A_487 : i32 to index
        %get3A_498 = arith.constant 16 : index
        %get3A_499 = tpu.vector_load %arg10[%get3A_497, %get3A_498] {strides = array<i32>} : memref<784x64xf32, #tpu.memory_space<vmem>>, vector<1x16xf32>,
        %get3A_500 = vector.shape_cast %get3A_499 : vector<1x16xf32> to vector<16xf32>
        %mul3A_501 = vector.broadcast %squeeze3A_489 : f32 to vector<16xf32>
        %mul3A_502 = arith.mulf %get3A_500, %mul3A_501 : vector<16xf32>
        %add3A_503 = arith.addf %add3A_471, %mul3A_502 : vector<16xf32>
        %get3A_504 = arith.index_cast %add3A_487 : i32 to index
        %get3A_505 = arith.constant 32 : index
        %get3A_506 = tpu.vector_load %arg10[%get3A_504, %get3A_505] {strides = array<i32>} : memref<784x64xf32, #tpu.memory_space<vmem>>, vector<1x16xf32>,
        %get3A_507 = vector.shape_cast %get3A_506 : vector<1x16xf32> to vector<16xf32>
        %mul3A_508 = vector.broadcast %squeeze3A_489 : f32 to vector<16xf32>
        %mul3A_509 = arith.mulf %get3A_507, %mul3A_508 : vector<16xf32>
        %add3A_510 = arith.addf %add3A_478, %mul3A_509 : vector<16xf32>
        %get3A_511 = arith.index_cast %add3A_487 : i32 to index
        %get3A_512 = arith.constant 48 : index
        %get3A_513 = tpu.vector_load %arg10[%get3A_511, %get3A_512] {strides = array<i32>} : memref<784x64xf32, #tpu.memory_space<vmem>>, vector<1x16xf32>,
        %get3A_514 = vector.shape_cast %get3A_513 : vector<1x16xf32> to vector<16xf32>
        %mul3A_515 = vector.broadcast %squeeze3A_489 : f32 to vector<16xf32>
        %mul3A_516 = arith.mulf %get3A_514, %mul3A_515 : vector<16xf32>
        %add3A_517 = arith.addf %add3A_485, %mul3A_516 : vector<16xf32>
        %add3A_518 = arith.constant 10 : i32
        %add3A_519 = arith.addi %mul3A_190, %add3A_518 : i32
        %slice3A_520 = vector.extract_strided_slice %get3A_192 {offsets = [10], sizes = [1], strides = [1]} : vector<16xf32> to vector<1xf32>
        %squeeze3A_521 = vector.extract %slice3A_520[0] : f32 from vector<1xf32>
        %get3A_522 = arith.index_cast %add3A_519 : i32 to index
        %get3A_523 = arith.constant 0 : index
        %get3A_524 = tpu.vector_load %arg10[%get3A_522, %get3A_523] {strides = array<i32>} : memref<784x64xf32, #tpu.memory_space<vmem>>, vector<1x16xf32>,
        %get3A_525 = vector.shape_cast %get3A_524 : vector<1x16xf32> to vector<16xf32>
        %mul3A_526 = vector.broadcast %squeeze3A_521 : f32 to vector<16xf32>
        %mul3A_527 = arith.mulf %get3A_525, %mul3A_526 : vector<16xf32>
        %add3A_528 = arith.addf %add3A_496, %mul3A_527 : vector<16xf32>
        %get3A_529 = arith.index_cast %add3A_519 : i32 to index
        %get3A_530 = arith.constant 16 : index
        %get3A_531 = tpu.vector_load %arg10[%get3A_529, %get3A_530] {strides = array<i32>} : memref<784x64xf32, #tpu.memory_space<vmem>>, vector<1x16xf32>,
        %get3A_532 = vector.shape_cast %get3A_531 : vector<1x16xf32> to vector<16xf32>
        %mul3A_533 = vector.broadcast %squeeze3A_521 : f32 to vector<16xf32>
        %mul3A_534 = arith.mulf %get3A_532, %mul3A_533 : vector<16xf32>
        %add3A_535 = arith.addf %add3A_503, %mul3A_534 : vector<16xf32>
        %get3A_536 = arith.index_cast %add3A_519 : i32 to index
        %get3A_537 = arith.constant 32 : index
        %get3A_538 = tpu.vector_load %arg10[%get3A_536, %get3A_537] {strides = array<i32>} : memref<784x64xf32, #tpu.memory_space<vmem>>, vector<1x16xf32>,
        %get3A_539 = vector.shape_cast %get3A_538 : vector<1x16xf32> to vector<16xf32>
        %mul3A_540 = vector.broadcast %squeeze3A_521 : f32 to vector<16xf32>
        %mul3A_541 = arith.mulf %get3A_539, %mul3A_540 : vector<16xf32>
        %add3A_542 = arith.addf %add3A_510, %mul3A_541 : vector<16xf32>
        %get3A_543 = arith.index_cast %add3A_519 : i32 to index
        %get3A_544 = arith.constant 48 : index
        %get3A_545 = tpu.vector_load %arg10[%get3A_543, %get3A_544] {strides = array<i32>} : memref<784x64xf32, #tpu.memory_space<vmem>>, vector<1x16xf32>,
        %get3A_546 = vector.shape_cast %get3A_545 : vector<1x16xf32> to vector<16xf32>
        %mul3A_547 = vector.broadcast %squeeze3A_521 : f32 to vector<16xf32>
        %mul3A_548 = arith.mulf %get3A_546, %mul3A_547 : vector<16xf32>
        %add3A_549 = arith.addf %add3A_517, %mul3A_548 : vector<16xf32>
        %add3A_550 = arith.constant 11 : i32
        %add3A_551 = arith.addi %mul3A_190, %add3A_550 : i32
        %slice3A_552 = vector.extract_strided_slice %get3A_192 {offsets = [11], sizes = [1], strides = [1]} : vector<16xf32> to vector<1xf32>
        %squeeze3A_553 = vector.extract %slice3A_552[0] : f32 from vector<1xf32>
        %get3A_554 = arith.index_cast %add3A_551 : i32 to index
        %get3A_555 = arith.constant 0 : index
        %get3A_556 = tpu.vector_load %arg10[%get3A_554, %get3A_555] {strides = array<i32>} : memref<784x64xf32, #tpu.memory_space<vmem>>, vector<1x16xf32>,
        %get3A_557 = vector.shape_cast %get3A_556 : vector<1x16xf32> to vector<16xf32>
        %mul3A_558 = vector.broadcast %squeeze3A_553 : f32 to vector<16xf32>
        %mul3A_559 = arith.mulf %get3A_557, %mul3A_558 : vector<16xf32>
        %add3A_560 = arith.addf %add3A_528, %mul3A_559 : vector<16xf32>
        %get3A_561 = arith.index_cast %add3A_551 : i32 to index
        %get3A_562 = arith.constant 16 : index
        %get3A_563 = tpu.vector_load %arg10[%get3A_561, %get3A_562] {strides = array<i32>} : memref<784x64xf32, #tpu.memory_space<vmem>>, vector<1x16xf32>,
        %get3A_564 = vector.shape_cast %get3A_563 : vector<1x16xf32> to vector<16xf32>
        %mul3A_565 = vector.broadcast %squeeze3A_553 : f32 to vector<16xf32>
        %mul3A_566 = arith.mulf %get3A_564, %mul3A_565 : vector<16xf32>
        %add3A_567 = arith.addf %add3A_535, %mul3A_566 : vector<16xf32>
        %get3A_568 = arith.index_cast %add3A_551 : i32 to index
        %get3A_569 = arith.constant 32 : index
        %get3A_570 = tpu.vector_load %arg10[%get3A_568, %get3A_569] {strides = array<i32>} : memref<784x64xf32, #tpu.memory_space<vmem>>, vector<1x16xf32>,
        %get3A_571 = vector.shape_cast %get3A_570 : vector<1x16xf32> to vector<16xf32>
        %mul3A_572 = vector.broadcast %squeeze3A_553 : f32 to vector<16xf32>
        %mul3A_573 = arith.mulf %get3A_571, %mul3A_572 : vector<16xf32>
        %add3A_574 = arith.addf %add3A_542, %mul3A_573 : vector<16xf32>
        %get3A_575 = arith.index_cast %add3A_551 : i32 to index
        %get3A_576 = arith.constant 48 : index
        %get3A_577 = tpu.vector_load %arg10[%get3A_575, %get3A_576] {strides = array<i32>} : memref<784x64xf32, #tpu.memory_space<vmem>>, vector<1x16xf32>,
        %get3A_578 = vector.shape_cast %get3A_577 : vector<1x16xf32> to vector<16xf32>
        %mul3A_579 = vector.broadcast %squeeze3A_553 : f32 to vector<16xf32>
        %mul3A_580 = arith.mulf %get3A_578, %mul3A_579 : vector<16xf32>
        %add3A_581 = arith.addf %add3A_549, %mul3A_580 : vector<16xf32>
        %add3A_582 = arith.constant 12 : i32
        %add3A_583 = arith.addi %mul3A_190, %add3A_582 : i32
        %slice3A_584 = vector.extract_strided_slice %get3A_192 {offsets = [12], sizes = [1], strides = [1]} : vector<16xf32> to vector<1xf32>
        %squeeze3A_585 = vector.extract %slice3A_584[0] : f32 from vector<1xf32>
        %get3A_586 = arith.index_cast %add3A_583 : i32 to index
        %get3A_587 = arith.constant 0 : index
        %get3A_588 = tpu.vector_load %arg10[%get3A_586, %get3A_587] {strides = array<i32>} : memref<784x64xf32, #tpu.memory_space<vmem>>, vector<1x16xf32>,
        %get3A_589 = vector.shape_cast %get3A_588 : vector<1x16xf32> to vector<16xf32>
        %mul3A_590 = vector.broadcast %squeeze3A_585 : f32 to vector<16xf32>
        %mul3A_591 = arith.mulf %get3A_589, %mul3A_590 : vector<16xf32>
        %add3A_592 = arith.addf %add3A_560, %mul3A_591 : vector<16xf32>
        %get3A_593 = arith.index_cast %add3A_583 : i32 to index
        %get3A_594 = arith.constant 16 : index
        %get3A_595 = tpu.vector_load %arg10[%get3A_593, %get3A_594] {strides = array<i32>} : memref<784x64xf32, #tpu.memory_space<vmem>>, vector<1x16xf32>,
        %get3A_596 = vector.shape_cast %get3A_595 : vector<1x16xf32> to vector<16xf32>
        %mul3A_597 = vector.broadcast %squeeze3A_585 : f32 to vector<16xf32>
        %mul3A_598 = arith.mulf %get3A_596, %mul3A_597 : vector<16xf32>
        %add3A_599 = arith.addf %add3A_567, %mul3A_598 : vector<16xf32>
        %get3A_600 = arith.index_cast %add3A_583 : i32 to index
        %get3A_601 = arith.constant 32 : index
        %get3A_602 = tpu.vector_load %arg10[%get3A_600, %get3A_601] {strides = array<i32>} : memref<784x64xf32, #tpu.memory_space<vmem>>, vector<1x16xf32>,
        %get3A_603 = vector.shape_cast %get3A_602 : vector<1x16xf32> to vector<16xf32>
        %mul3A_604 = vector.broadcast %squeeze3A_585 : f32 to vector<16xf32>
        %mul3A_605 = arith.mulf %get3A_603, %mul3A_604 : vector<16xf32>
        %add3A_606 = arith.addf %add3A_574, %mul3A_605 : vector<16xf32>
        %get3A_607 = arith.index_cast %add3A_583 : i32 to index
        %get3A_608 = arith.constant 48 : index
        %get3A_609 = tpu.vector_load %arg10[%get3A_607, %get3A_608] {strides = array<i32>} : memref<784x64xf32, #tpu.memory_space<vmem>>, vector<1x16xf32>,
        %get3A_610 = vector.shape_cast %get3A_609 : vector<1x16xf32> to vector<16xf32>
        %mul3A_611 = vector.broadcast %squeeze3A_585 : f32 to vector<16xf32>
        %mul3A_612 = arith.mulf %get3A_610, %mul3A_611 : vector<16xf32>
        %add3A_613 = arith.addf %add3A_581, %mul3A_612 : vector<16xf32>
        %add3A_614 = arith.constant 13 : i32
        %add3A_615 = arith.addi %mul3A_190, %add3A_614 : i32
        %slice3A_616 = vector.extract_strided_slice %get3A_192 {offsets = [13], sizes = [1], strides = [1]} : vector<16xf32> to vector<1xf32>
        %squeeze3A_617 = vector.extract %slice3A_616[0] : f32 from vector<1xf32>
        %get3A_618 = arith.index_cast %add3A_615 : i32 to index
        %get3A_619 = arith.constant 0 : index
        %get3A_620 = tpu.vector_load %arg10[%get3A_618, %get3A_619] {strides = array<i32>} : memref<784x64xf32, #tpu.memory_space<vmem>>, vector<1x16xf32>,
        %get3A_621 = vector.shape_cast %get3A_620 : vector<1x16xf32> to vector<16xf32>
        %mul3A_622 = vector.broadcast %squeeze3A_617 : f32 to vector<16xf32>
        %mul3A_623 = arith.mulf %get3A_621, %mul3A_622 : vector<16xf32>
        %add3A_624 = arith.addf %add3A_592, %mul3A_623 : vector<16xf32>
        %get3A_625 = arith.index_cast %add3A_615 : i32 to index
        %get3A_626 = arith.constant 16 : index
        %get3A_627 = tpu.vector_load %arg10[%get3A_625, %get3A_626] {strides = array<i32>} : memref<784x64xf32, #tpu.memory_space<vmem>>, vector<1x16xf32>,
        %get3A_628 = vector.shape_cast %get3A_627 : vector<1x16xf32> to vector<16xf32>
        %mul3A_629 = vector.broadcast %squeeze3A_617 : f32 to vector<16xf32>
        %mul3A_630 = arith.mulf %get3A_628, %mul3A_629 : vector<16xf32>
        %add3A_631 = arith.addf %add3A_599, %mul3A_630 : vector<16xf32>
        %get3A_632 = arith.index_cast %add3A_615 : i32 to index
        %get3A_633 = arith.constant 32 : index
        %get3A_634 = tpu.vector_load %arg10[%get3A_632, %get3A_633] {strides = array<i32>} : memref<784x64xf32, #tpu.memory_space<vmem>>, vector<1x16xf32>,
        %get3A_635 = vector.shape_cast %get3A_634 : vector<1x16xf32> to vector<16xf32>
        %mul3A_636 = vector.broadcast %squeeze3A_617 : f32 to vector<16xf32>
        %mul3A_637 = arith.mulf %get3A_635, %mul3A_636 : vector<16xf32>
        %add3A_638 = arith.addf %add3A_606, %mul3A_637 : vector<16xf32>
        %get3A_639 = arith.index_cast %add3A_615 : i32 to index
        %get3A_640 = arith.constant 48 : index
        %get3A_641 = tpu.vector_load %arg10[%get3A_639, %get3A_640] {strides = array<i32>} : memref<784x64xf32, #tpu.memory_space<vmem>>, vector<1x16xf32>,
        %get3A_642 = vector.shape_cast %get3A_641 : vector<1x16xf32> to vector<16xf32>
        %mul3A_643 = vector.broadcast %squeeze3A_617 : f32 to vector<16xf32>
        %mul3A_644 = arith.mulf %get3A_642, %mul3A_643 : vector<16xf32>
        %add3A_645 = arith.addf %add3A_613, %mul3A_644 : vector<16xf32>
        %add3A_646 = arith.constant 14 : i32
        %add3A_647 = arith.addi %mul3A_190, %add3A_646 : i32
        %slice3A_648 = vector.extract_strided_slice %get3A_192 {offsets = [14], sizes = [1], strides = [1]} : vector<16xf32> to vector<1xf32>
        %squeeze3A_649 = vector.extract %slice3A_648[0] : f32 from vector<1xf32>
        %get3A_650 = arith.index_cast %add3A_647 : i32 to index
        %get3A_651 = arith.constant 0 : index
        %get3A_652 = tpu.vector_load %arg10[%get3A_650, %get3A_651] {strides = array<i32>} : memref<784x64xf32, #tpu.memory_space<vmem>>, vector<1x16xf32>,
        %get3A_653 = vector.shape_cast %get3A_652 : vector<1x16xf32> to vector<16xf32>
        %mul3A_654 = vector.broadcast %squeeze3A_649 : f32 to vector<16xf32>
        %mul3A_655 = arith.mulf %get3A_653, %mul3A_654 : vector<16xf32>
        %add3A_656 = arith.addf %add3A_624, %mul3A_655 : vector<16xf32>
        %get3A_657 = arith.index_cast %add3A_647 : i32 to index
        %get3A_658 = arith.constant 16 : index
        %get3A_659 = tpu.vector_load %arg10[%get3A_657, %get3A_658] {strides = array<i32>} : memref<784x64xf32, #tpu.memory_space<vmem>>, vector<1x16xf32>,
        %get3A_660 = vector.shape_cast %get3A_659 : vector<1x16xf32> to vector<16xf32>
        %mul3A_661 = vector.broadcast %squeeze3A_649 : f32 to vector<16xf32>
        %mul3A_662 = arith.mulf %get3A_660, %mul3A_661 : vector<16xf32>
        %add3A_663 = arith.addf %add3A_631, %mul3A_662 : vector<16xf32>
        %get3A_664 = arith.index_cast %add3A_647 : i32 to index
        %get3A_665 = arith.constant 32 : index
        %get3A_666 = tpu.vector_load %arg10[%get3A_664, %get3A_665] {strides = array<i32>} : memref<784x64xf32, #tpu.memory_space<vmem>>, vector<1x16xf32>,
        %get3A_667 = vector.shape_cast %get3A_666 : vector<1x16xf32> to vector<16xf32>
        %mul3A_668 = vector.broadcast %squeeze3A_649 : f32 to vector<16xf32>
        %mul3A_669 = arith.mulf %get3A_667, %mul3A_668 : vector<16xf32>
        %add3A_670 = arith.addf %add3A_638, %mul3A_669 : vector<16xf32>
        %get3A_671 = arith.index_cast %add3A_647 : i32 to index
        %get3A_672 = arith.constant 48 : index
        %get3A_673 = tpu.vector_load %arg10[%get3A_671, %get3A_672] {strides = array<i32>} : memref<784x64xf32, #tpu.memory_space<vmem>>, vector<1x16xf32>,
        %get3A_674 = vector.shape_cast %get3A_673 : vector<1x16xf32> to vector<16xf32>
        %mul3A_675 = vector.broadcast %squeeze3A_649 : f32 to vector<16xf32>
        %mul3A_676 = arith.mulf %get3A_674, %mul3A_675 : vector<16xf32>
        %add3A_677 = arith.addf %add3A_645, %mul3A_676 : vector<16xf32>
        %add3A_678 = arith.constant 15 : i32
        %add3A_679 = arith.addi %mul3A_190, %add3A_678 : i32
        %slice3A_680 = vector.extract_strided_slice %get3A_192 {offsets = [15], sizes = [1], strides = [1]} : vector<16xf32> to vector<1xf32>
        %squeeze3A_681 = vector.extract %slice3A_680[0] : f32 from vector<1xf32>
        %get3A_682 = arith.index_cast %add3A_679 : i32 to index
        %get3A_683 = arith.constant 0 : index
        %get3A_684 = tpu.vector_load %arg10[%get3A_682, %get3A_683] {strides = array<i32>} : memref<784x64xf32, #tpu.memory_space<vmem>>, vector<1x16xf32>,
        %get3A_685 = vector.shape_cast %get3A_684 : vector<1x16xf32> to vector<16xf32>
        %mul3A_686 = vector.broadcast %squeeze3A_681 : f32 to vector<16xf32>
        %mul3A_687 = arith.mulf %get3A_685, %mul3A_686 : vector<16xf32>
        %add3A_688 = arith.addf %add3A_656, %mul3A_687 : vector<16xf32>
        %get3A_689 = arith.index_cast %add3A_679 : i32 to index
        %get3A_690 = arith.constant 16 : index
        %get3A_691 = tpu.vector_load %arg10[%get3A_689, %get3A_690] {strides = array<i32>} : memref<784x64xf32, #tpu.memory_space<vmem>>, vector<1x16xf32>,
        %get3A_692 = vector.shape_cast %get3A_691 : vector<1x16xf32> to vector<16xf32>
        %mul3A_693 = vector.broadcast %squeeze3A_681 : f32 to vector<16xf32>
        %mul3A_694 = arith.mulf %get3A_692, %mul3A_693 : vector<16xf32>
        %add3A_695 = arith.addf %add3A_663, %mul3A_694 : vector<16xf32>
        %get3A_696 = arith.index_cast %add3A_679 : i32 to index
        %get3A_697 = arith.constant 32 : index
        %get3A_698 = tpu.vector_load %arg10[%get3A_696, %get3A_697] {strides = array<i32>} : memref<784x64xf32, #tpu.memory_space<vmem>>, vector<1x16xf32>,
        %get3A_699 = vector.shape_cast %get3A_698 : vector<1x16xf32> to vector<16xf32>
        %mul3A_700 = vector.broadcast %squeeze3A_681 : f32 to vector<16xf32>
        %mul3A_701 = arith.mulf %get3A_699, %mul3A_700 : vector<16xf32>
        %add3A_702 = arith.addf %add3A_670, %mul3A_701 : vector<16xf32>
        %get3A_703 = arith.index_cast %add3A_679 : i32 to index
        %get3A_704 = arith.constant 48 : index
        %get3A_705 = tpu.vector_load %arg10[%get3A_703, %get3A_704] {strides = array<i32>} : memref<784x64xf32, #tpu.memory_space<vmem>>, vector<1x16xf32>,
        %get3A_706 = vector.shape_cast %get3A_705 : vector<1x16xf32> to vector<16xf32>
        %mul3A_707 = vector.broadcast %squeeze3A_681 : f32 to vector<16xf32>
        %mul3A_708 = arith.mulf %get3A_706, %mul3A_707 : vector<16xf32>
        %add3A_709 = arith.addf %add3A_677, %mul3A_708 : vector<16xf32>
        %swap3A = arith.index_cast %scan3A_188 : i32 to index
        %swap3A_710 = arith.constant 0 : index
        %swap3A_711 = tpu.vector_load %arg12[%swap3A, %swap3A_710] {strides = array<i32>} : memref<49x64xf32, #tpu.memory_space<vmem>>, vector<1x16xf32>,
        %swap3A_712 = vector.shape_cast %swap3A_711 : vector<1x16xf32> to vector<16xf32>
        %swap3A_713 = vector.shape_cast %add3A_688 : vector<16xf32> to vector<1x16xf32>
        tpu.vector_store %arg12[%swap3A, %swap3A_710], %swap3A_713 {strides = array<i32>} : memref<49x64xf32, #tpu.memory_space<vmem>>, vector<1x16xf32>,
        %swap3A_714 = arith.index_cast %scan3A_188 : i32 to index
        %swap3A_715 = arith.constant 16 : index
        %swap3A_716 = tpu.vector_load %arg12[%swap3A_714, %swap3A_715] {strides = array<i32>} : memref<49x64xf32, #tpu.memory_space<vmem>>, vector<1x16xf32>,
        %swap3A_717 = vector.shape_cast %swap3A_716 : vector<1x16xf32> to vector<16xf32>
        %swap3A_718 = vector.shape_cast %add3A_695 : vector<16xf32> to vector<1x16xf32>
        tpu.vector_store %arg12[%swap3A_714, %swap3A_715], %swap3A_718 {strides = array<i32>} : memref<49x64xf32, #tpu.memory_space<vmem>>, vector<1x16xf32>,
        %swap3A_719 = arith.index_cast %scan3A_188 : i32 to index
        %swap3A_720 = arith.constant 32 : index
        %swap3A_721 = tpu.vector_load %arg12[%swap3A_719, %swap3A_720] {strides = array<i32>} : memref<49x64xf32, #tpu.memory_space<vmem>>, vector<1x16xf32>,
        %swap3A_722 = vector.shape_cast %swap3A_721 : vector<1x16xf32> to vector<16xf32>
        %swap3A_723 = vector.shape_cast %add3A_702 : vector<16xf32> to vector<1x16xf32>
        tpu.vector_store %arg12[%swap3A_719, %swap3A_720], %swap3A_723 {strides = array<i32>} : memref<49x64xf32, #tpu.memory_space<vmem>>, vector<1x16xf32>,
        %swap3A_724 = arith.index_cast %scan3A_188 : i32 to index
        %swap3A_725 = arith.constant 48 : index
        %swap3A_726 = tpu.vector_load %arg12[%swap3A_724, %swap3A_725] {strides = array<i32>} : memref<49x64xf32, #tpu.memory_space<vmem>>, vector<1x16xf32>,
        %swap3A_727 = vector.shape_cast %swap3A_726 : vector<1x16xf32> to vector<16xf32>
        %swap3A_728 = vector.shape_cast %add3A_709 : vector<16xf32> to vector<1x16xf32>
        tpu.vector_store %arg12[%swap3A_724, %swap3A_725], %swap3A_728 {strides = array<i32>} : memref<49x64xf32, #tpu.memory_space<vmem>>, vector<1x16xf32>,
      }
      %scan3A_168 = arith.constant 49 : i32
      "tpu.region"() ({
        %run_scoped3A = tpu.sem_alloc : memref<!tpu.dma_semaphore, #tpu.memory_space<semaphore_mem>>
        %dma_start3A_188 = arith.constant 0 : i32
        %dma_start3A_189 = arith.constant 0 : i32
        %dma_start3A_190 = tpu.memref_slice %arg5[%add3A_162, %dma_start3A_188, %dma_start3A_189] : memref<2048x49x64xf32, #tpu.memory_space<hbm>> -> memref<1x49x64xf32, #tpu.memory_space<hbm>>
        %dma_start3A_191 = tpu.memref_squeeze %dma_start3A_190 : memref<1x49x64xf32, #tpu.memory_space<hbm>> -> memref<49x64xf32, #tpu.memory_space<hbm>>
        %dma_start3A_192 = arith.constant 0 : i32
        %dma_start3A_193 = arith.constant 0 : i32
        %dma_start3A_194 = tpu.memref_slice %arg5[%add3A_162, %dma_start3A_192, %dma_start3A_193] : memref<2048x49x64xf32, #tpu.memory_space<hbm>> -> memref<1x49x64xf32, #tpu.memory_space<hbm>>
        %dma_start3A_195 = tpu.memref_squeeze %dma_start3A_194 : memref<1x49x64xf32, #tpu.memory_space<hbm>> -> memref<49x64xf32, #tpu.memory_space<hbm>>
        tpu.enqueue_dma source(%arg12 : memref<49x64xf32, #tpu.memory_space<vmem>>) target(%dma_start3A_195 : memref<49x64xf32, #tpu.memory_space<hbm>>) target_semaphore(%run_scoped3A : memref<!tpu.dma_semaphore, #tpu.memory_space<semaphore_mem>>)
        %dma_wait3A_196 = arith.constant 0 : i32
        %dma_wait3A_197 = arith.constant 0 : i32
        %dma_wait3A_198 = tpu.memref_slice %arg5[%add3A_162, %dma_wait3A_196, %dma_wait3A_197] : memref<2048x49x64xf32, #tpu.memory_space<hbm>> -> memref<1x49x64xf32, #tpu.memory_space<hbm>>
        %dma_wait3A_199 = tpu.memref_squeeze %dma_wait3A_198 : memref<1x49x64xf32, #tpu.memory_space<hbm>> -> memref<49x64xf32, #tpu.memory_space<hbm>>
        %dma_wait3A_200 = arith.constant 0 : i32
        %dma_wait3A_201 = arith.constant 0 : i32
        %dma_wait3A_202 = tpu.memref_slice %arg5[%add3A_162, %dma_wait3A_200, %dma_wait3A_201] : memref<2048x49x64xf32, #tpu.memory_space<hbm>> -> memref<1x49x64xf32, #tpu.memory_space<hbm>>
        %dma_wait3A_203 = tpu.memref_squeeze %dma_wait3A_202 : memref<1x49x64xf32, #tpu.memory_space<hbm>> -> memref<49x64xf32, #tpu.memory_space<hbm>>
        tpu.wait_dma2 semaphore(%run_scoped3A : memref<!tpu.dma_semaphore, #tpu.memory_space<semaphore_mem>>) src(%arg12 : memref<49x64xf32, #tpu.memory_space<vmem>>) dst(%dma_wait3A_203 : memref<49x64xf32, #tpu.memory_space<hbm>>)
        tpu.yield
      }) : () -> ()
      %lt3A = arith.constant 31 : i32
      %lt3A_169 = arith.cmpi slt, %scan3A_77, %lt3A : i32
      %convert_element_type3A = arith.extui %lt3A_169 : i1 to i32
      %cond3A = arith.constant 0 : i32
      %cond3A_170 = arith.cmpi ne, %convert_element_type3A, %cond3A : i32
      scf.if %cond3A_170 {
        %add3A_188 = arith.constant 2 : i32
        %add3A_189 = arith.addi %mul3A_79, %add3A_188 : i32
        %mul3A_190 = arith.constant 32 : i32
        %mul3A_191 = arith.muli %add3A_189, %mul3A_190 : i32
        %add3A_192 = arith.addi %mul3A_191, %add3A : i32
        "tpu.region"() ({
          %run_scoped3A = tpu.sem_alloc : memref<!tpu.dma_semaphore, #tpu.memory_space<semaphore_mem>>
          %dma_start3A_263 = arith.constant 0 : i32
          %dma_start3A_264 = arith.constant 0 : i32
          %dma_start3A_265 = tpu.memref_slice %arg3[%add3A_192, %dma_start3A_263, %dma_start3A_264] : memref<2048x7x112xi32, #tpu.memory_space<hbm>> -> memref<1x7x112xi32, #tpu.memory_space<hbm>>
          %dma_start3A_266 = tpu.memref_squeeze %dma_start3A_265 : memref<1x7x112xi32, #tpu.memory_space<hbm>> -> memref<7x112xi32, #tpu.memory_space<hbm>>
          %dma_start3A_267 = arith.constant 0 : i32
          %dma_start3A_268 = arith.constant 0 : i32
          %dma_start3A_269 = tpu.memref_slice %arg3[%add3A_192, %dma_start3A_267, %dma_start3A_268] : memref<2048x7x112xi32, #tpu.memory_space<hbm>> -> memref<1x7x112xi32, #tpu.memory_space<hbm>>
          %dma_start3A_270 = tpu.memref_squeeze %dma_start3A_269 : memref<1x7x112xi32, #tpu.memory_space<hbm>> -> memref<7x112xi32, #tpu.memory_space<hbm>>
          tpu.enqueue_dma source(%dma_start3A_270 : memref<7x112xi32, #tpu.memory_space<hbm>>) target(%arg6 : memref<7x112xi32, #tpu.memory_space<vmem>>) target_semaphore(%run_scoped3A : memref<!tpu.dma_semaphore, #tpu.memory_space<semaphore_mem>>)
          %dma_wait3A_271 = arith.constant 0 : i32
          %dma_wait3A_272 = arith.constant 0 : i32
          %dma_wait3A_273 = tpu.memref_slice %arg3[%add3A_192, %dma_wait3A_271, %dma_wait3A_272] : memref<2048x7x112xi32, #tpu.memory_space<hbm>> -> memref<1x7x112xi32, #tpu.memory_space<hbm>>
          %dma_wait3A_274 = tpu.memref_squeeze %dma_wait3A_273 : memref<1x7x112xi32, #tpu.memory_space<hbm>> -> memref<7x112xi32, #tpu.memory_space<hbm>>
          %dma_wait3A_275 = arith.constant 0 : i32
          %dma_wait3A_276 = arith.constant 0 : i32
          %dma_wait3A_277 = tpu.memref_slice %arg3[%add3A_192, %dma_wait3A_275, %dma_wait3A_276] : memref<2048x7x112xi32, #tpu.memory_space<hbm>> -> memref<1x7x112xi32, #tpu.memory_space<hbm>>
          %dma_wait3A_278 = tpu.memref_squeeze %dma_wait3A_277 : memref<1x7x112xi32, #tpu.memory_space<hbm>> -> memref<7x112xi32, #tpu.memory_space<hbm>>
          tpu.wait_dma2 semaphore(%run_scoped3A : memref<!tpu.dma_semaphore, #tpu.memory_space<semaphore_mem>>) src(%dma_wait3A_278 : memref<7x112xi32, #tpu.memory_space<hbm>>) dst(%arg6 : memref<7x112xi32, #tpu.memory_space<vmem>>)
          tpu.yield
        }) : () -> ()
        "tpu.region"() ({
          %run_scoped3A = tpu.sem_alloc : memref<!tpu.dma_semaphore, #tpu.memory_space<semaphore_mem>>
          %dma_start3A_263 = arith.constant 0 : i32
          %dma_start3A_264 = tpu.memref_slice %arg4[%add3A_192, %dma_start3A_263] : memref<2048x784xf32, #tpu.memory_space<hbm>> -> memref<1x784xf32, #tpu.memory_space<hbm>>
          %dma_start3A_265 = tpu.memref_squeeze %dma_start3A_264 : memref<1x784xf32, #tpu.memory_space<hbm>> -> memref<784xf32, #tpu.memory_space<hbm>>
          %dma_start3A_266 = arith.constant 0 : i32
          %dma_start3A_267 = tpu.memref_slice %arg4[%add3A_192, %dma_start3A_266] : memref<2048x784xf32, #tpu.memory_space<hbm>> -> memref<1x784xf32, #tpu.memory_space<hbm>>
          %dma_start3A_268 = tpu.memref_squeeze %dma_start3A_267 : memref<1x784xf32, #tpu.memory_space<hbm>> -> memref<784xf32, #tpu.memory_space<hbm>>
          tpu.enqueue_dma source(%dma_start3A_268 : memref<784xf32, #tpu.memory_space<hbm>>) target(%arg8 : memref<784xf32, #tpu.memory_space<vmem>>) target_semaphore(%run_scoped3A : memref<!tpu.dma_semaphore, #tpu.memory_space<semaphore_mem>>)
          %dma_wait3A_269 = arith.constant 0 : i32
          %dma_wait3A_270 = tpu.memref_slice %arg4[%add3A_192, %dma_wait3A_269] : memref<2048x784xf32, #tpu.memory_space<hbm>> -> memref<1x784xf32, #tpu.memory_space<hbm>>
          %dma_wait3A_271 = tpu.memref_squeeze %dma_wait3A_270 : memref<1x784xf32, #tpu.memory_space<hbm>> -> memref<784xf32, #tpu.memory_space<hbm>>
          %dma_wait3A_272 = arith.constant 0 : i32
          %dma_wait3A_273 = tpu.memref_slice %arg4[%add3A_192, %dma_wait3A_272] : memref<2048x784xf32, #tpu.memory_space<hbm>> -> memref<1x784xf32, #tpu.memory_space<hbm>>
          %dma_wait3A_274 = tpu.memref_squeeze %dma_wait3A_273 : memref<1x784xf32, #tpu.memory_space<hbm>> -> memref<784xf32, #tpu.memory_space<hbm>>
          tpu.wait_dma2 semaphore(%run_scoped3A : memref<!tpu.dma_semaphore, #tpu.memory_space<semaphore_mem>>) src(%dma_wait3A_274 : memref<784xf32, #tpu.memory_space<hbm>>) dst(%arg8 : memref<784xf32, #tpu.memory_space<vmem>>)
          tpu.yield
        }) : () -> ()
        %dma_start3A_193 = arith.constant 0 : i32
        %dma_start3A_194 = arith.constant 0 : i32
        %dma_start3A_195 = arith.constant 0 : i32
        %dma_start3A_196 = tpu.memref_slice %arg10[%dma_start3A_194, %dma_start3A_195] : memref<784x64xf32, #tpu.memory_space<vmem>> -> memref<112x64xf32, #tpu.memory_space<vmem>>
        %dma_start3A_197 = arith.constant 0 : i32
        %dma_start3A_198 = tpu.memref_slice %arg6[%dma_start3A_193, %dma_start3A_197] : memref<7x112xi32, #tpu.memory_space<vmem>> -> memref<1x112xi32, #tpu.memory_space<vmem>>
        %dma_start3A_199 = tpu.memref_squeeze %dma_start3A_198 : memref<1x112xi32, #tpu.memory_space<vmem>> -> memref<112xi32, #tpu.memory_space<vmem>>
        %dma_start3A_200 = arith.constant 0 : i32
        %dma_start3A_201 = arith.constant 0 : i32
        %dma_start3A_202 = tpu.memref_slice %arg2[%dma_start3A_200, %dma_start3A_201] : memref<174080x64xf32, #tpu.memory_space<hbm>> -> memref<174080x64xf32, #tpu.memory_space<hbm>>
        tpu.enqueue_indirect_dma source(%dma_start3A_202 : memref<174080x64xf32, #tpu.memory_space<hbm>>) target(%dma_start3A_196 : memref<112x64xf32, #tpu.memory_space<vmem>>) offsets(%dma_start3A_199 : memref<112xi32, #tpu.memory_space<vmem>>) semaphore(%arg13 : memref<!tpu.dma_semaphore, #tpu.memory_space<semaphore_mem>>)
        %dma_start3A_203 = arith.constant 1 : i32
        %dma_start3A_204 = arith.constant 112 : i32
        %dma_start3A_205 = arith.constant 0 : i32
        %dma_start3A_206 = tpu.memref_slice %arg10[%dma_start3A_204, %dma_start3A_205] : memref<784x64xf32, #tpu.memory_space<vmem>> -> memref<112x64xf32, #tpu.memory_space<vmem>>
        %dma_start3A_207 = arith.constant 0 : i32
        %dma_start3A_208 = tpu.memref_slice %arg6[%dma_start3A_203, %dma_start3A_207] : memref<7x112xi32, #tpu.memory_space<vmem>> -> memref<1x112xi32, #tpu.memory_space<vmem>>
        %dma_start3A_209 = tpu.memref_squeeze %dma_start3A_208 : memref<1x112xi32, #tpu.memory_space<vmem>> -> memref<112xi32, #tpu.memory_space<vmem>>
        %dma_start3A_210 = arith.constant 0 : i32
        %dma_start3A_211 = arith.constant 0 : i32
        %dma_start3A_212 = tpu.memref_slice %arg2[%dma_start3A_210, %dma_start3A_211] : memref<174080x64xf32, #tpu.memory_space<hbm>> -> memref<174080x64xf32, #tpu.memory_space<hbm>>
        tpu.enqueue_indirect_dma source(%dma_start3A_212 : memref<174080x64xf32, #tpu.memory_space<hbm>>) target(%dma_start3A_206 : memref<112x64xf32, #tpu.memory_space<vmem>>) offsets(%dma_start3A_209 : memref<112xi32, #tpu.memory_space<vmem>>) semaphore(%arg13 : memref<!tpu.dma_semaphore, #tpu.memory_space<semaphore_mem>>)
        %dma_start3A_213 = arith.constant 2 : i32
        %dma_start3A_214 = arith.constant 224 : i32
        %dma_start3A_215 = arith.constant 0 : i32
        %dma_start3A_216 = tpu.memref_slice %arg10[%dma_start3A_214, %dma_start3A_215] : memref<784x64xf32, #tpu.memory_space<vmem>> -> memref<112x64xf32, #tpu.memory_space<vmem>>
        %dma_start3A_217 = arith.constant 0 : i32
        %dma_start3A_218 = tpu.memref_slice %arg6[%dma_start3A_213, %dma_start3A_217] : memref<7x112xi32, #tpu.memory_space<vmem>> -> memref<1x112xi32, #tpu.memory_space<vmem>>
        %dma_start3A_219 = tpu.memref_squeeze %dma_start3A_218 : memref<1x112xi32, #tpu.memory_space<vmem>> -> memref<112xi32, #tpu.memory_space<vmem>>
        %dma_start3A_220 = arith.constant 0 : i32
        %dma_start3A_221 = arith.constant 0 : i32
        %dma_start3A_222 = tpu.memref_slice %arg2[%dma_start3A_220, %dma_start3A_221] : memref<174080x64xf32, #tpu.memory_space<hbm>> -> memref<174080x64xf32, #tpu.memory_space<hbm>>
        tpu.enqueue_indirect_dma source(%dma_start3A_222 : memref<174080x64xf32, #tpu.memory_space<hbm>>) target(%dma_start3A_216 : memref<112x64xf32, #tpu.memory_space<vmem>>) offsets(%dma_start3A_219 : memref<112xi32, #tpu.memory_space<vmem>>) semaphore(%arg13 : memref<!tpu.dma_semaphore, #tpu.memory_space<semaphore_mem>>)
        %dma_start3A_223 = arith.constant 3 : i32
        %dma_start3A_224 = arith.constant 336 : i32
        %dma_start3A_225 = arith.constant 0 : i32
        %dma_start3A_226 = tpu.memref_slice %arg10[%dma_start3A_224, %dma_start3A_225] : memref<784x64xf32, #tpu.memory_space<vmem>> -> memref<112x64xf32, #tpu.memory_space<vmem>>
        %dma_start3A_227 = arith.constant 0 : i32
        %dma_start3A_228 = tpu.memref_slice %arg6[%dma_start3A_223, %dma_start3A_227] : memref<7x112xi32, #tpu.memory_space<vmem>> -> memref<1x112xi32, #tpu.memory_space<vmem>>
        %dma_start3A_229 = tpu.memref_squeeze %dma_start3A_228 : memref<1x112xi32, #tpu.memory_space<vmem>> -> memref<112xi32, #tpu.memory_space<vmem>>
        %dma_start3A_230 = arith.constant 0 : i32
        %dma_start3A_231 = arith.constant 0 : i32
        %dma_start3A_232 = tpu.memref_slice %arg2[%dma_start3A_230, %dma_start3A_231] : memref<174080x64xf32, #tpu.memory_space<hbm>> -> memref<174080x64xf32, #tpu.memory_space<hbm>>
        tpu.enqueue_indirect_dma source(%dma_start3A_232 : memref<174080x64xf32, #tpu.memory_space<hbm>>) target(%dma_start3A_226 : memref<112x64xf32, #tpu.memory_space<vmem>>) offsets(%dma_start3A_229 : memref<112xi32, #tpu.memory_space<vmem>>) semaphore(%arg13 : memref<!tpu.dma_semaphore, #tpu.memory_space<semaphore_mem>>)
        %dma_start3A_233 = arith.constant 4 : i32
        %dma_start3A_234 = arith.constant 448 : i32
        %dma_start3A_235 = arith.constant 0 : i32
        %dma_start3A_236 = tpu.memref_slice %arg10[%dma_start3A_234, %dma_start3A_235] : memref<784x64xf32, #tpu.memory_space<vmem>> -> memref<112x64xf32, #tpu.memory_space<vmem>>
        %dma_start3A_237 = arith.constant 0 : i32
        %dma_start3A_238 = tpu.memref_slice %arg6[%dma_start3A_233, %dma_start3A_237] : memref<7x112xi32, #tpu.memory_space<vmem>> -> memref<1x112xi32, #tpu.memory_space<vmem>>
        %dma_start3A_239 = tpu.memref_squeeze %dma_start3A_238 : memref<1x112xi32, #tpu.memory_space<vmem>> -> memref<112xi32, #tpu.memory_space<vmem>>
        %dma_start3A_240 = arith.constant 0 : i32
        %dma_start3A_241 = arith.constant 0 : i32
        %dma_start3A_242 = tpu.memref_slice %arg2[%dma_start3A_240, %dma_start3A_241] : memref<174080x64xf32, #tpu.memory_space<hbm>> -> memref<174080x64xf32, #tpu.memory_space<hbm>>
        tpu.enqueue_indirect_dma source(%dma_start3A_242 : memref<174080x64xf32, #tpu.memory_space<hbm>>) target(%dma_start3A_236 : memref<112x64xf32, #tpu.memory_space<vmem>>) offsets(%dma_start3A_239 : memref<112xi32, #tpu.memory_space<vmem>>) semaphore(%arg13 : memref<!tpu.dma_semaphore, #tpu.memory_space<semaphore_mem>>)
        %dma_start3A_243 = arith.constant 5 : i32
        %dma_start3A_244 = arith.constant 560 : i32
        %dma_start3A_245 = arith.constant 0 : i32
        %dma_start3A_246 = tpu.memref_slice %arg10[%dma_start3A_244, %dma_start3A_245] : memref<784x64xf32, #tpu.memory_space<vmem>> -> memref<112x64xf32, #tpu.memory_space<vmem>>
        %dma_start3A_247 = arith.constant 0 : i32
        %dma_start3A_248 = tpu.memref_slice %arg6[%dma_start3A_243, %dma_start3A_247] : memref<7x112xi32, #tpu.memory_space<vmem>> -> memref<1x112xi32, #tpu.memory_space<vmem>>
        %dma_start3A_249 = tpu.memref_squeeze %dma_start3A_248 : memref<1x112xi32, #tpu.memory_space<vmem>> -> memref<112xi32, #tpu.memory_space<vmem>>
        %dma_start3A_250 = arith.constant 0 : i32
        %dma_start3A_251 = arith.constant 0 : i32
        %dma_start3A_252 = tpu.memref_slice %arg2[%dma_start3A_250, %dma_start3A_251] : memref<174080x64xf32, #tpu.memory_space<hbm>> -> memref<174080x64xf32, #tpu.memory_space<hbm>>
        tpu.enqueue_indirect_dma source(%dma_start3A_252 : memref<174080x64xf32, #tpu.memory_space<hbm>>) target(%dma_start3A_246 : memref<112x64xf32, #tpu.memory_space<vmem>>) offsets(%dma_start3A_249 : memref<112xi32, #tpu.memory_space<vmem>>) semaphore(%arg13 : memref<!tpu.dma_semaphore, #tpu.memory_space<semaphore_mem>>)
        %dma_start3A_253 = arith.constant 6 : i32
        %dma_start3A_254 = arith.constant 672 : i32
        %dma_start3A_255 = arith.constant 0 : i32
        %dma_start3A_256 = tpu.memref_slice %arg10[%dma_start3A_254, %dma_start3A_255] : memref<784x64xf32, #tpu.memory_space<vmem>> -> memref<112x64xf32, #tpu.memory_space<vmem>>
        %dma_start3A_257 = arith.constant 0 : i32
        %dma_start3A_258 = tpu.memref_slice %arg6[%dma_start3A_253, %dma_start3A_257] : memref<7x112xi32, #tpu.memory_space<vmem>> -> memref<1x112xi32, #tpu.memory_space<vmem>>
        %dma_start3A_259 = tpu.memref_squeeze %dma_start3A_258 : memref<1x112xi32, #tpu.memory_space<vmem>> -> memref<112xi32, #tpu.memory_space<vmem>>
        %dma_start3A_260 = arith.constant 0 : i32
        %dma_start3A_261 = arith.constant 0 : i32
        %dma_start3A_262 = tpu.memref_slice %arg2[%dma_start3A_260, %dma_start3A_261] : memref<174080x64xf32, #tpu.memory_space<hbm>> -> memref<174080x64xf32, #tpu.memory_space<hbm>>
        tpu.enqueue_indirect_dma source(%dma_start3A_262 : memref<174080x64xf32, #tpu.memory_space<hbm>>) target(%dma_start3A_256 : memref<112x64xf32, #tpu.memory_space<vmem>>) offsets(%dma_start3A_259 : memref<112xi32, #tpu.memory_space<vmem>>) semaphore(%arg13 : memref<!tpu.dma_semaphore, #tpu.memory_space<semaphore_mem>>)
      } else {
      }
      %dma_wait3A_171 = arith.constant 0 : i32
      %dma_wait3A_172 = arith.constant 0 : i32
      %dma_wait3A_173 = tpu.memref_slice %arg2[%dma_wait3A_171, %dma_wait3A_172] : memref<174080x64xf32, #tpu.memory_space<hbm>> -> memref<784x64xf32, #tpu.memory_space<hbm>>
      %dma_wait3A_174 = arith.constant 0 : i32
      %dma_wait3A_175 = arith.constant 0 : i32
      %dma_wait3A_176 = tpu.memref_slice %arg2[%dma_wait3A_174, %dma_wait3A_175] : memref<174080x64xf32, #tpu.memory_space<hbm>> -> memref<784x64xf32, #tpu.memory_space<hbm>>
      tpu.wait_dma2 semaphore(%arg14 : memref<!tpu.dma_semaphore, #tpu.memory_space<semaphore_mem>>) src(%dma_wait3A_176 : memref<784x64xf32, #tpu.memory_space<hbm>>) dst(%arg11 : memref<784x64xf32, #tpu.memory_space<vmem>>)
      %add3A_177 = arith.constant 1 : i32
      %add3A_178 = arith.addi %mul3A_79, %add3A_177 : i32
      %mul3A_179 = arith.constant 32 : i32
      %mul3A_180 = arith.muli %add3A_178, %mul3A_179 : i32
      %add3A_181 = arith.addi %mul3A_180, %add3A : i32
      %scan3A_182 = arith.constant 0 : i32
      %scan3A_183 = arith.constant 0 : i32
      %scan3A_184 = arith.constant 49 : i32
      %scan3A_185 = arith.addi %scan3A_183, %scan3A_184 : i32
      %scan3A_186 = arith.constant 1 : i32
      scf.for %scan3A_188 = %scan3A_183 to %scan3A_185 step %scan3A_186  : i32 {
        %mul3A_189 = arith.constant 16 : i32
        %mul3A_190 = arith.muli %scan3A_188, %mul3A_189 : i32
        %get3A = arith.index_cast %mul3A_190 : i32 to index
        %get3A_191 = tpu.vector_load %arg9[%get3A] {strides = array<i32>} : memref<784xf32, #tpu.memory_space<vmem>>, vector<16xf32>,
        %get3A_192 = vector.shape_cast %get3A_191 : vector<16xf32> to vector<16xf32>
        %broadcast_in_dim3A = arith.constant 0.000000e+00 : f32
        %broadcast_in_dim3A_193 = vector.broadcast %broadcast_in_dim3A : f32 to vector<16xf32>
        %broadcast_in_dim3A_194 = arith.constant 0.000000e+00 : f32
        %broadcast_in_dim3A_195 = vector.broadcast %broadcast_in_dim3A_194 : f32 to vector<16xf32>
        %broadcast_in_dim3A_196 = arith.constant 0.000000e+00 : f32
        %broadcast_in_dim3A_197 = vector.broadcast %broadcast_in_dim3A_196 : f32 to vector<16xf32>
        %broadcast_in_dim3A_198 = arith.constant 0.000000e+00 : f32
        %broadcast_in_dim3A_199 = vector.broadcast %broadcast_in_dim3A_198 : f32 to vector<16xf32>
        %add3A_200 = arith.constant 0 : i32
        %add3A_201 = arith.addi %mul3A_190, %add3A_200 : i32
        %slice3A = vector.extract_strided_slice %get3A_192 {offsets = [0], sizes = [1], strides = [1]} : vector<16xf32> to vector<1xf32>
        %squeeze3A = vector.extract %slice3A[0] : f32 from vector<1xf32>
        %get3A_202 = arith.index_cast %add3A_201 : i32 to index
        %get3A_203 = arith.constant 0 : index
        %get3A_204 = tpu.vector_load %arg11[%get3A_202, %get3A_203] {strides = array<i32>} : memref<784x64xf32, #tpu.memory_space<vmem>>, vector<1x16xf32>,
        %get3A_205 = vector.shape_cast %get3A_204 : vector<1x16xf32> to vector<16xf32>
        %mul3A_206 = vector.broadcast %squeeze3A : f32 to vector<16xf32>
        %mul3A_207 = arith.mulf %get3A_205, %mul3A_206 : vector<16xf32>
        %add3A_208 = arith.addf %broadcast_in_dim3A_193, %mul3A_207 : vector<16xf32>
        %get3A_209 = arith.index_cast %add3A_201 : i32 to index
        %get3A_210 = arith.constant 16 : index
        %get3A_211 = tpu.vector_load %arg11[%get3A_209, %get3A_210] {strides = array<i32>} : memref<784x64xf32, #tpu.memory_space<vmem>>, vector<1x16xf32>,
        %get3A_212 = vector.shape_cast %get3A_211 : vector<1x16xf32> to vector<16xf32>
        %mul3A_213 = vector.broadcast %squeeze3A : f32 to vector<16xf32>
        %mul3A_214 = arith.mulf %get3A_212, %mul3A_213 : vector<16xf32>
        %add3A_215 = arith.addf %broadcast_in_dim3A_195, %mul3A_214 : vector<16xf32>
        %get3A_216 = arith.index_cast %add3A_201 : i32 to index
        %get3A_217 = arith.constant 32 : index
        %get3A_218 = tpu.vector_load %arg11[%get3A_216, %get3A_217] {strides = array<i32>} : memref<784x64xf32, #tpu.memory_space<vmem>>, vector<1x16xf32>,
        %get3A_219 = vector.shape_cast %get3A_218 : vector<1x16xf32> to vector<16xf32>
        %mul3A_220 = vector.broadcast %squeeze3A : f32 to vector<16xf32>
        %mul3A_221 = arith.mulf %get3A_219, %mul3A_220 : vector<16xf32>
        %add3A_222 = arith.addf %broadcast_in_dim3A_197, %mul3A_221 : vector<16xf32>
        %get3A_223 = arith.index_cast %add3A_201 : i32 to index
        %get3A_224 = arith.constant 48 : index
        %get3A_225 = tpu.vector_load %arg11[%get3A_223, %get3A_224] {strides = array<i32>} : memref<784x64xf32, #tpu.memory_space<vmem>>, vector<1x16xf32>,
        %get3A_226 = vector.shape_cast %get3A_225 : vector<1x16xf32> to vector<16xf32>
        %mul3A_227 = vector.broadcast %squeeze3A : f32 to vector<16xf32>
        %mul3A_228 = arith.mulf %get3A_226, %mul3A_227 : vector<16xf32>
        %add3A_229 = arith.addf %broadcast_in_dim3A_199, %mul3A_228 : vector<16xf32>
        %add3A_230 = arith.constant 1 : i32
        %add3A_231 = arith.addi %mul3A_190, %add3A_230 : i32
        %slice3A_232 = vector.extract_strided_slice %get3A_192 {offsets = [1], sizes = [1], strides = [1]} : vector<16xf32> to vector<1xf32>
        %squeeze3A_233 = vector.extract %slice3A_232[0] : f32 from vector<1xf32>
        %get3A_234 = arith.index_cast %add3A_231 : i32 to index
        %get3A_235 = arith.constant 0 : index
        %get3A_236 = tpu.vector_load %arg11[%get3A_234, %get3A_235] {strides = array<i32>} : memref<784x64xf32, #tpu.memory_space<vmem>>, vector<1x16xf32>,
        %get3A_237 = vector.shape_cast %get3A_236 : vector<1x16xf32> to vector<16xf32>
        %mul3A_238 = vector.broadcast %squeeze3A_233 : f32 to vector<16xf32>
        %mul3A_239 = arith.mulf %get3A_237, %mul3A_238 : vector<16xf32>
        %add3A_240 = arith.addf %add3A_208, %mul3A_239 : vector<16xf32>
        %get3A_241 = arith.index_cast %add3A_231 : i32 to index
        %get3A_242 = arith.constant 16 : index
        %get3A_243 = tpu.vector_load %arg11[%get3A_241, %get3A_242] {strides = array<i32>} : memref<784x64xf32, #tpu.memory_space<vmem>>, vector<1x16xf32>,
        %get3A_244 = vector.shape_cast %get3A_243 : vector<1x16xf32> to vector<16xf32>
        %mul3A_245 = vector.broadcast %squeeze3A_233 : f32 to vector<16xf32>
        %mul3A_246 = arith.mulf %get3A_244, %mul3A_245 : vector<16xf32>
        %add3A_247 = arith.addf %add3A_215, %mul3A_246 : vector<16xf32>
        %get3A_248 = arith.index_cast %add3A_231 : i32 to index
        %get3A_249 = arith.constant 32 : index
        %get3A_250 = tpu.vector_load %arg11[%get3A_248, %get3A_249] {strides = array<i32>} : memref<784x64xf32, #tpu.memory_space<vmem>>, vector<1x16xf32>,
        %get3A_251 = vector.shape_cast %get3A_250 : vector<1x16xf32> to vector<16xf32>
        %mul3A_252 = vector.broadcast %squeeze3A_233 : f32 to vector<16xf32>
        %mul3A_253 = arith.mulf %get3A_251, %mul3A_252 : vector<16xf32>
        %add3A_254 = arith.addf %add3A_222, %mul3A_253 : vector<16xf32>
        %get3A_255 = arith.index_cast %add3A_231 : i32 to index
        %get3A_256 = arith.constant 48 : index
        %get3A_257 = tpu.vector_load %arg11[%get3A_255, %get3A_256] {strides = array<i32>} : memref<784x64xf32, #tpu.memory_space<vmem>>, vector<1x16xf32>,
        %get3A_258 = vector.shape_cast %get3A_257 : vector<1x16xf32> to vector<16xf32>
        %mul3A_259 = vector.broadcast %squeeze3A_233 : f32 to vector<16xf32>
        %mul3A_260 = arith.mulf %get3A_258, %mul3A_259 : vector<16xf32>
        %add3A_261 = arith.addf %add3A_229, %mul3A_260 : vector<16xf32>
        %add3A_262 = arith.constant 2 : i32
        %add3A_263 = arith.addi %mul3A_190, %add3A_262 : i32
        %slice3A_264 = vector.extract_strided_slice %get3A_192 {offsets = [2], sizes = [1], strides = [1]} : vector<16xf32> to vector<1xf32>
        %squeeze3A_265 = vector.extract %slice3A_264[0] : f32 from vector<1xf32>
        %get3A_266 = arith.index_cast %add3A_263 : i32 to index
        %get3A_267 = arith.constant 0 : index
        %get3A_268 = tpu.vector_load %arg11[%get3A_266, %get3A_267] {strides = array<i32>} : memref<784x64xf32, #tpu.memory_space<vmem>>, vector<1x16xf32>,
        %get3A_269 = vector.shape_cast %get3A_268 : vector<1x16xf32> to vector<16xf32>
        %mul3A_270 = vector.broadcast %squeeze3A_265 : f32 to vector<16xf32>
        %mul3A_271 = arith.mulf %get3A_269, %mul3A_270 : vector<16xf32>
        %add3A_272 = arith.addf %add3A_240, %mul3A_271 : vector<16xf32>
        %get3A_273 = arith.index_cast %add3A_263 : i32 to index
        %get3A_274 = arith.constant 16 : index
        %get3A_275 = tpu.vector_load %arg11[%get3A_273, %get3A_274] {strides = array<i32>} : memref<784x64xf32, #tpu.memory_space<vmem>>, vector<1x16xf32>,
        %get3A_276 = vector.shape_cast %get3A_275 : vector<1x16xf32> to vector<16xf32>
        %mul3A_277 = vector.broadcast %squeeze3A_265 : f32 to vector<16xf32>
        %mul3A_278 = arith.mulf %get3A_276, %mul3A_277 : vector<16xf32>
        %add3A_279 = arith.addf %add3A_247, %mul3A_278 : vector<16xf32>
        %get3A_280 = arith.index_cast %add3A_263 : i32 to index
        %get3A_281 = arith.constant 32 : index
        %get3A_282 = tpu.vector_load %arg11[%get3A_280, %get3A_281] {strides = array<i32>} : memref<784x64xf32, #tpu.memory_space<vmem>>, vector<1x16xf32>,
        %get3A_283 = vector.shape_cast %get3A_282 : vector<1x16xf32> to vector<16xf32>
        %mul3A_284 = vector.broadcast %squeeze3A_265 : f32 to vector<16xf32>
        %mul3A_285 = arith.mulf %get3A_283, %mul3A_284 : vector<16xf32>
        %add3A_286 = arith.addf %add3A_254, %mul3A_285 : vector<16xf32>
        %get3A_287 = arith.index_cast %add3A_263 : i32 to index
        %get3A_288 = arith.constant 48 : index
        %get3A_289 = tpu.vector_load %arg11[%get3A_287, %get3A_288] {strides = array<i32>} : memref<784x64xf32, #tpu.memory_space<vmem>>, vector<1x16xf32>,
        %get3A_290 = vector.shape_cast %get3A_289 : vector<1x16xf32> to vector<16xf32>
        %mul3A_291 = vector.broadcast %squeeze3A_265 : f32 to vector<16xf32>
        %mul3A_292 = arith.mulf %get3A_290, %mul3A_291 : vector<16xf32>
        %add3A_293 = arith.addf %add3A_261, %mul3A_292 : vector<16xf32>
        %add3A_294 = arith.constant 3 : i32
        %add3A_295 = arith.addi %mul3A_190, %add3A_294 : i32
        %slice3A_296 = vector.extract_strided_slice %get3A_192 {offsets = [3], sizes = [1], strides = [1]} : vector<16xf32> to vector<1xf32>
        %squeeze3A_297 = vector.extract %slice3A_296[0] : f32 from vector<1xf32>
        %get3A_298 = arith.index_cast %add3A_295 : i32 to index
        %get3A_299 = arith.constant 0 : index
        %get3A_300 = tpu.vector_load %arg11[%get3A_298, %get3A_299] {strides = array<i32>} : memref<784x64xf32, #tpu.memory_space<vmem>>, vector<1x16xf32>,
        %get3A_301 = vector.shape_cast %get3A_300 : vector<1x16xf32> to vector<16xf32>
        %mul3A_302 = vector.broadcast %squeeze3A_297 : f32 to vector<16xf32>
        %mul3A_303 = arith.mulf %get3A_301, %mul3A_302 : vector<16xf32>
        %add3A_304 = arith.addf %add3A_272, %mul3A_303 : vector<16xf32>
        %get3A_305 = arith.index_cast %add3A_295 : i32 to index
        %get3A_306 = arith.constant 16 : index
        %get3A_307 = tpu.vector_load %arg11[%get3A_305, %get3A_306] {strides = array<i32>} : memref<784x64xf32, #tpu.memory_space<vmem>>, vector<1x16xf32>,
        %get3A_308 = vector.shape_cast %get3A_307 : vector<1x16xf32> to vector<16xf32>
        %mul3A_309 = vector.broadcast %squeeze3A_297 : f32 to vector<16xf32>
        %mul3A_310 = arith.mulf %get3A_308, %mul3A_309 : vector<16xf32>
        %add3A_311 = arith.addf %add3A_279, %mul3A_310 : vector<16xf32>
        %get3A_312 = arith.index_cast %add3A_295 : i32 to index
        %get3A_313 = arith.constant 32 : index
        %get3A_314 = tpu.vector_load %arg11[%get3A_312, %get3A_313] {strides = array<i32>} : memref<784x64xf32, #tpu.memory_space<vmem>>, vector<1x16xf32>,
        %get3A_315 = vector.shape_cast %get3A_314 : vector<1x16xf32> to vector<16xf32>
        %mul3A_316 = vector.broadcast %squeeze3A_297 : f32 to vector<16xf32>
        %mul3A_317 = arith.mulf %get3A_315, %mul3A_316 : vector<16xf32>
        %add3A_318 = arith.addf %add3A_286, %mul3A_317 : vector<16xf32>
        %get3A_319 = arith.index_cast %add3A_295 : i32 to index
        %get3A_320 = arith.constant 48 : index
        %get3A_321 = tpu.vector_load %arg11[%get3A_319, %get3A_320] {strides = array<i32>} : memref<784x64xf32, #tpu.memory_space<vmem>>, vector<1x16xf32>,
        %get3A_322 = vector.shape_cast %get3A_321 : vector<1x16xf32> to vector<16xf32>
        %mul3A_323 = vector.broadcast %squeeze3A_297 : f32 to vector<16xf32>
        %mul3A_324 = arith.mulf %get3A_322, %mul3A_323 : vector<16xf32>
        %add3A_325 = arith.addf %add3A_293, %mul3A_324 : vector<16xf32>
        %add3A_326 = arith.constant 4 : i32
        %add3A_327 = arith.addi %mul3A_190, %add3A_326 : i32
        %slice3A_328 = vector.extract_strided_slice %get3A_192 {offsets = [4], sizes = [1], strides = [1]} : vector<16xf32> to vector<1xf32>
        %squeeze3A_329 = vector.extract %slice3A_328[0] : f32 from vector<1xf32>
        %get3A_330 = arith.index_cast %add3A_327 : i32 to index
        %get3A_331 = arith.constant 0 : index
        %get3A_332 = tpu.vector_load %arg11[%get3A_330, %get3A_331] {strides = array<i32>} : memref<784x64xf32, #tpu.memory_space<vmem>>, vector<1x16xf32>,
        %get3A_333 = vector.shape_cast %get3A_332 : vector<1x16xf32> to vector<16xf32>
        %mul3A_334 = vector.broadcast %squeeze3A_329 : f32 to vector<16xf32>
        %mul3A_335 = arith.mulf %get3A_333, %mul3A_334 : vector<16xf32>
        %add3A_336 = arith.addf %add3A_304, %mul3A_335 : vector<16xf32>
        %get3A_337 = arith.index_cast %add3A_327 : i32 to index
        %get3A_338 = arith.constant 16 : index
        %get3A_339 = tpu.vector_load %arg11[%get3A_337, %get3A_338] {strides = array<i32>} : memref<784x64xf32, #tpu.memory_space<vmem>>, vector<1x16xf32>,
        %get3A_340 = vector.shape_cast %get3A_339 : vector<1x16xf32> to vector<16xf32>
        %mul3A_341 = vector.broadcast %squeeze3A_329 : f32 to vector<16xf32>
        %mul3A_342 = arith.mulf %get3A_340, %mul3A_341 : vector<16xf32>
        %add3A_343 = arith.addf %add3A_311, %mul3A_342 : vector<16xf32>
        %get3A_344 = arith.index_cast %add3A_327 : i32 to index
        %get3A_345 = arith.constant 32 : index
        %get3A_346 = tpu.vector_load %arg11[%get3A_344, %get3A_345] {strides = array<i32>} : memref<784x64xf32, #tpu.memory_space<vmem>>, vector<1x16xf32>,
        %get3A_347 = vector.shape_cast %get3A_346 : vector<1x16xf32> to vector<16xf32>
        %mul3A_348 = vector.broadcast %squeeze3A_329 : f32 to vector<16xf32>
        %mul3A_349 = arith.mulf %get3A_347, %mul3A_348 : vector<16xf32>
        %add3A_350 = arith.addf %add3A_318, %mul3A_349 : vector<16xf32>
        %get3A_351 = arith.index_cast %add3A_327 : i32 to index
        %get3A_352 = arith.constant 48 : index
        %get3A_353 = tpu.vector_load %arg11[%get3A_351, %get3A_352] {strides = array<i32>} : memref<784x64xf32, #tpu.memory_space<vmem>>, vector<1x16xf32>,
        %get3A_354 = vector.shape_cast %get3A_353 : vector<1x16xf32> to vector<16xf32>
        %mul3A_355 = vector.broadcast %squeeze3A_329 : f32 to vector<16xf32>
        %mul3A_356 = arith.mulf %get3A_354, %mul3A_355 : vector<16xf32>
        %add3A_357 = arith.addf %add3A_325, %mul3A_356 : vector<16xf32>
        %add3A_358 = arith.constant 5 : i32
        %add3A_359 = arith.addi %mul3A_190, %add3A_358 : i32
        %slice3A_360 = vector.extract_strided_slice %get3A_192 {offsets = [5], sizes = [1], strides = [1]} : vector<16xf32> to vector<1xf32>
        %squeeze3A_361 = vector.extract %slice3A_360[0] : f32 from vector<1xf32>
        %get3A_362 = arith.index_cast %add3A_359 : i32 to index
        %get3A_363 = arith.constant 0 : index
        %get3A_364 = tpu.vector_load %arg11[%get3A_362, %get3A_363] {strides = array<i32>} : memref<784x64xf32, #tpu.memory_space<vmem>>, vector<1x16xf32>,
        %get3A_365 = vector.shape_cast %get3A_364 : vector<1x16xf32> to vector<16xf32>
        %mul3A_366 = vector.broadcast %squeeze3A_361 : f32 to vector<16xf32>
        %mul3A_367 = arith.mulf %get3A_365, %mul3A_366 : vector<16xf32>
        %add3A_368 = arith.addf %add3A_336, %mul3A_367 : vector<16xf32>
        %get3A_369 = arith.index_cast %add3A_359 : i32 to index
        %get3A_370 = arith.constant 16 : index
        %get3A_371 = tpu.vector_load %arg11[%get3A_369, %get3A_370] {strides = array<i32>} : memref<784x64xf32, #tpu.memory_space<vmem>>, vector<1x16xf32>,
        %get3A_372 = vector.shape_cast %get3A_371 : vector<1x16xf32> to vector<16xf32>
        %mul3A_373 = vector.broadcast %squeeze3A_361 : f32 to vector<16xf32>
        %mul3A_374 = arith.mulf %get3A_372, %mul3A_373 : vector<16xf32>
        %add3A_375 = arith.addf %add3A_343, %mul3A_374 : vector<16xf32>
        %get3A_376 = arith.index_cast %add3A_359 : i32 to index
        %get3A_377 = arith.constant 32 : index
        %get3A_378 = tpu.vector_load %arg11[%get3A_376, %get3A_377] {strides = array<i32>} : memref<784x64xf32, #tpu.memory_space<vmem>>, vector<1x16xf32>,
        %get3A_379 = vector.shape_cast %get3A_378 : vector<1x16xf32> to vector<16xf32>
        %mul3A_380 = vector.broadcast %squeeze3A_361 : f32 to vector<16xf32>
        %mul3A_381 = arith.mulf %get3A_379, %mul3A_380 : vector<16xf32>
        %add3A_382 = arith.addf %add3A_350, %mul3A_381 : vector<16xf32>
        %get3A_383 = arith.index_cast %add3A_359 : i32 to index
        %get3A_384 = arith.constant 48 : index
        %get3A_385 = tpu.vector_load %arg11[%get3A_383, %get3A_384] {strides = array<i32>} : memref<784x64xf32, #tpu.memory_space<vmem>>, vector<1x16xf32>,
        %get3A_386 = vector.shape_cast %get3A_385 : vector<1x16xf32> to vector<16xf32>
        %mul3A_387 = vector.broadcast %squeeze3A_361 : f32 to vector<16xf32>
        %mul3A_388 = arith.mulf %get3A_386, %mul3A_387 : vector<16xf32>
        %add3A_389 = arith.addf %add3A_357, %mul3A_388 : vector<16xf32>
        %add3A_390 = arith.constant 6 : i32
        %add3A_391 = arith.addi %mul3A_190, %add3A_390 : i32
        %slice3A_392 = vector.extract_strided_slice %get3A_192 {offsets = [6], sizes = [1], strides = [1]} : vector<16xf32> to vector<1xf32>
        %squeeze3A_393 = vector.extract %slice3A_392[0] : f32 from vector<1xf32>
        %get3A_394 = arith.index_cast %add3A_391 : i32 to index
        %get3A_395 = arith.constant 0 : index
        %get3A_396 = tpu.vector_load %arg11[%get3A_394, %get3A_395] {strides = array<i32>} : memref<784x64xf32, #tpu.memory_space<vmem>>, vector<1x16xf32>,
        %get3A_397 = vector.shape_cast %get3A_396 : vector<1x16xf32> to vector<16xf32>
        %mul3A_398 = vector.broadcast %squeeze3A_393 : f32 to vector<16xf32>
        %mul3A_399 = arith.mulf %get3A_397, %mul3A_398 : vector<16xf32>
        %add3A_400 = arith.addf %add3A_368, %mul3A_399 : vector<16xf32>
        %get3A_401 = arith.index_cast %add3A_391 : i32 to index
        %get3A_402 = arith.constant 16 : index
        %get3A_403 = tpu.vector_load %arg11[%get3A_401, %get3A_402] {strides = array<i32>} : memref<784x64xf32, #tpu.memory_space<vmem>>, vector<1x16xf32>,
        %get3A_404 = vector.shape_cast %get3A_403 : vector<1x16xf32> to vector<16xf32>
        %mul3A_405 = vector.broadcast %squeeze3A_393 : f32 to vector<16xf32>
        %mul3A_406 = arith.mulf %get3A_404, %mul3A_405 : vector<16xf32>
        %add3A_407 = arith.addf %add3A_375, %mul3A_406 : vector<16xf32>
        %get3A_408 = arith.index_cast %add3A_391 : i32 to index
        %get3A_409 = arith.constant 32 : index
        %get3A_410 = tpu.vector_load %arg11[%get3A_408, %get3A_409] {strides = array<i32>} : memref<784x64xf32, #tpu.memory_space<vmem>>, vector<1x16xf32>,
        %get3A_411 = vector.shape_cast %get3A_410 : vector<1x16xf32> to vector<16xf32>
        %mul3A_412 = vector.broadcast %squeeze3A_393 : f32 to vector<16xf32>
        %mul3A_413 = arith.mulf %get3A_411, %mul3A_412 : vector<16xf32>
        %add3A_414 = arith.addf %add3A_382, %mul3A_413 : vector<16xf32>
        %get3A_415 = arith.index_cast %add3A_391 : i32 to index
        %get3A_416 = arith.constant 48 : index
        %get3A_417 = tpu.vector_load %arg11[%get3A_415, %get3A_416] {strides = array<i32>} : memref<784x64xf32, #tpu.memory_space<vmem>>, vector<1x16xf32>,
        %get3A_418 = vector.shape_cast %get3A_417 : vector<1x16xf32> to vector<16xf32>
        %mul3A_419 = vector.broadcast %squeeze3A_393 : f32 to vector<16xf32>
        %mul3A_420 = arith.mulf %get3A_418, %mul3A_419 : vector<16xf32>
        %add3A_421 = arith.addf %add3A_389, %mul3A_420 : vector<16xf32>
        %add3A_422 = arith.constant 7 : i32
        %add3A_423 = arith.addi %mul3A_190, %add3A_422 : i32
        %slice3A_424 = vector.extract_strided_slice %get3A_192 {offsets = [7], sizes = [1], strides = [1]} : vector<16xf32> to vector<1xf32>
        %squeeze3A_425 = vector.extract %slice3A_424[0] : f32 from vector<1xf32>
        %get3A_426 = arith.index_cast %add3A_423 : i32 to index
        %get3A_427 = arith.constant 0 : index
        %get3A_428 = tpu.vector_load %arg11[%get3A_426, %get3A_427] {strides = array<i32>} : memref<784x64xf32, #tpu.memory_space<vmem>>, vector<1x16xf32>,
        %get3A_429 = vector.shape_cast %get3A_428 : vector<1x16xf32> to vector<16xf32>
        %mul3A_430 = vector.broadcast %squeeze3A_425 : f32 to vector<16xf32>
        %mul3A_431 = arith.mulf %get3A_429, %mul3A_430 : vector<16xf32>
        %add3A_432 = arith.addf %add3A_400, %mul3A_431 : vector<16xf32>
        %get3A_433 = arith.index_cast %add3A_423 : i32 to index
        %get3A_434 = arith.constant 16 : index
        %get3A_435 = tpu.vector_load %arg11[%get3A_433, %get3A_434] {strides = array<i32>} : memref<784x64xf32, #tpu.memory_space<vmem>>, vector<1x16xf32>,
        %get3A_436 = vector.shape_cast %get3A_435 : vector<1x16xf32> to vector<16xf32>
        %mul3A_437 = vector.broadcast %squeeze3A_425 : f32 to vector<16xf32>
        %mul3A_438 = arith.mulf %get3A_436, %mul3A_437 : vector<16xf32>
        %add3A_439 = arith.addf %add3A_407, %mul3A_438 : vector<16xf32>
        %get3A_440 = arith.index_cast %add3A_423 : i32 to index
        %get3A_441 = arith.constant 32 : index
        %get3A_442 = tpu.vector_load %arg11[%get3A_440, %get3A_441] {strides = array<i32>} : memref<784x64xf32, #tpu.memory_space<vmem>>, vector<1x16xf32>,
        %get3A_443 = vector.shape_cast %get3A_442 : vector<1x16xf32> to vector<16xf32>
        %mul3A_444 = vector.broadcast %squeeze3A_425 : f32 to vector<16xf32>
        %mul3A_445 = arith.mulf %get3A_443, %mul3A_444 : vector<16xf32>
        %add3A_446 = arith.addf %add3A_414, %mul3A_445 : vector<16xf32>
        %get3A_447 = arith.index_cast %add3A_423 : i32 to index
        %get3A_448 = arith.constant 48 : index
        %get3A_449 = tpu.vector_load %arg11[%get3A_447, %get3A_448] {strides = array<i32>} : memref<784x64xf32, #tpu.memory_space<vmem>>, vector<1x16xf32>,
        %get3A_450 = vector.shape_cast %get3A_449 : vector<1x16xf32> to vector<16xf32>
        %mul3A_451 = vector.broadcast %squeeze3A_425 : f32 to vector<16xf32>
        %mul3A_452 = arith.mulf %get3A_450, %mul3A_451 : vector<16xf32>
        %add3A_453 = arith.addf %add3A_421, %mul3A_452 : vector<16xf32>
        %add3A_454 = arith.constant 8 : i32
        %add3A_455 = arith.addi %mul3A_190, %add3A_454 : i32
        %slice3A_456 = vector.extract_strided_slice %get3A_192 {offsets = [8], sizes = [1], strides = [1]} : vector<16xf32> to vector<1xf32>
        %squeeze3A_457 = vector.extract %slice3A_456[0] : f32 from vector<1xf32>
        %get3A_458 = arith.index_cast %add3A_455 : i32 to index
        %get3A_459 = arith.constant 0 : index
        %get3A_460 = tpu.vector_load %arg11[%get3A_458, %get3A_459] {strides = array<i32>} : memref<784x64xf32, #tpu.memory_space<vmem>>, vector<1x16xf32>,
        %get3A_461 = vector.shape_cast %get3A_460 : vector<1x16xf32> to vector<16xf32>
        %mul3A_462 = vector.broadcast %squeeze3A_457 : f32 to vector<16xf32>
        %mul3A_463 = arith.mulf %get3A_461, %mul3A_462 : vector<16xf32>
        %add3A_464 = arith.addf %add3A_432, %mul3A_463 : vector<16xf32>
        %get3A_465 = arith.index_cast %add3A_455 : i32 to index
        %get3A_466 = arith.constant 16 : index
        %get3A_467 = tpu.vector_load %arg11[%get3A_465, %get3A_466] {strides = array<i32>} : memref<784x64xf32, #tpu.memory_space<vmem>>, vector<1x16xf32>,
        %get3A_468 = vector.shape_cast %get3A_467 : vector<1x16xf32> to vector<16xf32>
        %mul3A_469 = vector.broadcast %squeeze3A_457 : f32 to vector<16xf32>
        %mul3A_470 = arith.mulf %get3A_468, %mul3A_469 : vector<16xf32>
        %add3A_471 = arith.addf %add3A_439, %mul3A_470 : vector<16xf32>
        %get3A_472 = arith.index_cast %add3A_455 : i32 to index
        %get3A_473 = arith.constant 32 : index
        %get3A_474 = tpu.vector_load %arg11[%get3A_472, %get3A_473] {strides = array<i32>} : memref<784x64xf32, #tpu.memory_space<vmem>>, vector<1x16xf32>,
        %get3A_475 = vector.shape_cast %get3A_474 : vector<1x16xf32> to vector<16xf32>
        %mul3A_476 = vector.broadcast %squeeze3A_457 : f32 to vector<16xf32>
        %mul3A_477 = arith.mulf %get3A_475, %mul3A_476 : vector<16xf32>
        %add3A_478 = arith.addf %add3A_446, %mul3A_477 : vector<16xf32>
        %get3A_479 = arith.index_cast %add3A_455 : i32 to index
        %get3A_480 = arith.constant 48 : index
        %get3A_481 = tpu.vector_load %arg11[%get3A_479, %get3A_480] {strides = array<i32>} : memref<784x64xf32, #tpu.memory_space<vmem>>, vector<1x16xf32>,
        %get3A_482 = vector.shape_cast %get3A_481 : vector<1x16xf32> to vector<16xf32>
        %mul3A_483 = vector.broadcast %squeeze3A_457 : f32 to vector<16xf32>
        %mul3A_484 = arith.mulf %get3A_482, %mul3A_483 : vector<16xf32>
        %add3A_485 = arith.addf %add3A_453, %mul3A_484 : vector<16xf32>
        %add3A_486 = arith.constant 9 : i32
        %add3A_487 = arith.addi %mul3A_190, %add3A_486 : i32
        %slice3A_488 = vector.extract_strided_slice %get3A_192 {offsets = [9], sizes = [1], strides = [1]} : vector<16xf32> to vector<1xf32>
        %squeeze3A_489 = vector.extract %slice3A_488[0] : f32 from vector<1xf32>
        %get3A_490 = arith.index_cast %add3A_487 : i32 to index
        %get3A_491 = arith.constant 0 : index
        %get3A_492 = tpu.vector_load %arg11[%get3A_490, %get3A_491] {strides = array<i32>} : memref<784x64xf32, #tpu.memory_space<vmem>>, vector<1x16xf32>,
        %get3A_493 = vector.shape_cast %get3A_492 : vector<1x16xf32> to vector<16xf32>
        %mul3A_494 = vector.broadcast %squeeze3A_489 : f32 to vector<16xf32>
        %mul3A_495 = arith.mulf %get3A_493, %mul3A_494 : vector<16xf32>
        %add3A_496 = arith.addf %add3A_464, %mul3A_495 : vector<16xf32>
        %get3A_497 = arith.index_cast %add3A_487 : i32 to index
        %get3A_498 = arith.constant 16 : index
        %get3A_499 = tpu.vector_load %arg11[%get3A_497, %get3A_498] {strides = array<i32>} : memref<784x64xf32, #tpu.memory_space<vmem>>, vector<1x16xf32>,
        %get3A_500 = vector.shape_cast %get3A_499 : vector<1x16xf32> to vector<16xf32>
        %mul3A_501 = vector.broadcast %squeeze3A_489 : f32 to vector<16xf32>
        %mul3A_502 = arith.mulf %get3A_500, %mul3A_501 : vector<16xf32>
        %add3A_503 = arith.addf %add3A_471, %mul3A_502 : vector<16xf32>
        %get3A_504 = arith.index_cast %add3A_487 : i32 to index
        %get3A_505 = arith.constant 32 : index
        %get3A_506 = tpu.vector_load %arg11[%get3A_504, %get3A_505] {strides = array<i32>} : memref<784x64xf32, #tpu.memory_space<vmem>>, vector<1x16xf32>,
        %get3A_507 = vector.shape_cast %get3A_506 : vector<1x16xf32> to vector<16xf32>
        %mul3A_508 = vector.broadcast %squeeze3A_489 : f32 to vector<16xf32>
        %mul3A_509 = arith.mulf %get3A_507, %mul3A_508 : vector<16xf32>
        %add3A_510 = arith.addf %add3A_478, %mul3A_509 : vector<16xf32>
        %get3A_511 = arith.index_cast %add3A_487 : i32 to index
        %get3A_512 = arith.constant 48 : index
        %get3A_513 = tpu.vector_load %arg11[%get3A_511, %get3A_512] {strides = array<i32>} : memref<784x64xf32, #tpu.memory_space<vmem>>, vector<1x16xf32>,
        %get3A_514 = vector.shape_cast %get3A_513 : vector<1x16xf32> to vector<16xf32>
        %mul3A_515 = vector.broadcast %squeeze3A_489 : f32 to vector<16xf32>
        %mul3A_516 = arith.mulf %get3A_514, %mul3A_515 : vector<16xf32>
        %add3A_517 = arith.addf %add3A_485, %mul3A_516 : vector<16xf32>
        %add3A_518 = arith.constant 10 : i32
        %add3A_519 = arith.addi %mul3A_190, %add3A_518 : i32
        %slice3A_520 = vector.extract_strided_slice %get3A_192 {offsets = [10], sizes = [1], strides = [1]} : vector<16xf32> to vector<1xf32>
        %squeeze3A_521 = vector.extract %slice3A_520[0] : f32 from vector<1xf32>
        %get3A_522 = arith.index_cast %add3A_519 : i32 to index
        %get3A_523 = arith.constant 0 : index
        %get3A_524 = tpu.vector_load %arg11[%get3A_522, %get3A_523] {strides = array<i32>} : memref<784x64xf32, #tpu.memory_space<vmem>>, vector<1x16xf32>,
        %get3A_525 = vector.shape_cast %get3A_524 : vector<1x16xf32> to vector<16xf32>
        %mul3A_526 = vector.broadcast %squeeze3A_521 : f32 to vector<16xf32>
        %mul3A_527 = arith.mulf %get3A_525, %mul3A_526 : vector<16xf32>
        %add3A_528 = arith.addf %add3A_496, %mul3A_527 : vector<16xf32>
        %get3A_529 = arith.index_cast %add3A_519 : i32 to index
        %get3A_530 = arith.constant 16 : index
        %get3A_531 = tpu.vector_load %arg11[%get3A_529, %get3A_530] {strides = array<i32>} : memref<784x64xf32, #tpu.memory_space<vmem>>, vector<1x16xf32>,
        %get3A_532 = vector.shape_cast %get3A_531 : vector<1x16xf32> to vector<16xf32>
        %mul3A_533 = vector.broadcast %squeeze3A_521 : f32 to vector<16xf32>
        %mul3A_534 = arith.mulf %get3A_532, %mul3A_533 : vector<16xf32>
        %add3A_535 = arith.addf %add3A_503, %mul3A_534 : vector<16xf32>
        %get3A_536 = arith.index_cast %add3A_519 : i32 to index
        %get3A_537 = arith.constant 32 : index
        %get3A_538 = tpu.vector_load %arg11[%get3A_536, %get3A_537] {strides = array<i32>} : memref<784x64xf32, #tpu.memory_space<vmem>>, vector<1x16xf32>,
        %get3A_539 = vector.shape_cast %get3A_538 : vector<1x16xf32> to vector<16xf32>
        %mul3A_540 = vector.broadcast %squeeze3A_521 : f32 to vector<16xf32>
        %mul3A_541 = arith.mulf %get3A_539, %mul3A_540 : vector<16xf32>
        %add3A_542 = arith.addf %add3A_510, %mul3A_541 : vector<16xf32>
        %get3A_543 = arith.index_cast %add3A_519 : i32 to index
        %get3A_544 = arith.constant 48 : index
        %get3A_545 = tpu.vector_load %arg11[%get3A_543, %get3A_544] {strides = array<i32>} : memref<784x64xf32, #tpu.memory_space<vmem>>, vector<1x16xf32>,
        %get3A_546 = vector.shape_cast %get3A_545 : vector<1x16xf32> to vector<16xf32>
        %mul3A_547 = vector.broadcast %squeeze3A_521 : f32 to vector<16xf32>
        %mul3A_548 = arith.mulf %get3A_546, %mul3A_547 : vector<16xf32>
        %add3A_549 = arith.addf %add3A_517, %mul3A_548 : vector<16xf32>
        %add3A_550 = arith.constant 11 : i32
        %add3A_551 = arith.addi %mul3A_190, %add3A_550 : i32
        %slice3A_552 = vector.extract_strided_slice %get3A_192 {offsets = [11], sizes = [1], strides = [1]} : vector<16xf32> to vector<1xf32>
        %squeeze3A_553 = vector.extract %slice3A_552[0] : f32 from vector<1xf32>
        %get3A_554 = arith.index_cast %add3A_551 : i32 to index
        %get3A_555 = arith.constant 0 : index
        %get3A_556 = tpu.vector_load %arg11[%get3A_554, %get3A_555] {strides = array<i32>} : memref<784x64xf32, #tpu.memory_space<vmem>>, vector<1x16xf32>,
        %get3A_557 = vector.shape_cast %get3A_556 : vector<1x16xf32> to vector<16xf32>
        %mul3A_558 = vector.broadcast %squeeze3A_553 : f32 to vector<16xf32>
        %mul3A_559 = arith.mulf %get3A_557, %mul3A_558 : vector<16xf32>
        %add3A_560 = arith.addf %add3A_528, %mul3A_559 : vector<16xf32>
        %get3A_561 = arith.index_cast %add3A_551 : i32 to index
        %get3A_562 = arith.constant 16 : index
        %get3A_563 = tpu.vector_load %arg11[%get3A_561, %get3A_562] {strides = array<i32>} : memref<784x64xf32, #tpu.memory_space<vmem>>, vector<1x16xf32>,
        %get3A_564 = vector.shape_cast %get3A_563 : vector<1x16xf32> to vector<16xf32>
        %mul3A_565 = vector.broadcast %squeeze3A_553 : f32 to vector<16xf32>
        %mul3A_566 = arith.mulf %get3A_564, %mul3A_565 : vector<16xf32>
        %add3A_567 = arith.addf %add3A_535, %mul3A_566 : vector<16xf32>
        %get3A_568 = arith.index_cast %add3A_551 : i32 to index
        %get3A_569 = arith.constant 32 : index
        %get3A_570 = tpu.vector_load %arg11[%get3A_568, %get3A_569] {strides = array<i32>} : memref<784x64xf32, #tpu.memory_space<vmem>>, vector<1x16xf32>,
        %get3A_571 = vector.shape_cast %get3A_570 : vector<1x16xf32> to vector<16xf32>
        %mul3A_572 = vector.broadcast %squeeze3A_553 : f32 to vector<16xf32>
        %mul3A_573 = arith.mulf %get3A_571, %mul3A_572 : vector<16xf32>
        %add3A_574 = arith.addf %add3A_542, %mul3A_573 : vector<16xf32>
        %get3A_575 = arith.index_cast %add3A_551 : i32 to index
        %get3A_576 = arith.constant 48 : index
        %get3A_577 = tpu.vector_load %arg11[%get3A_575, %get3A_576] {strides = array<i32>} : memref<784x64xf32, #tpu.memory_space<vmem>>, vector<1x16xf32>,
        %get3A_578 = vector.shape_cast %get3A_577 : vector<1x16xf32> to vector<16xf32>
        %mul3A_579 = vector.broadcast %squeeze3A_553 : f32 to vector<16xf32>
        %mul3A_580 = arith.mulf %get3A_578, %mul3A_579 : vector<16xf32>
        %add3A_581 = arith.addf %add3A_549, %mul3A_580 : vector<16xf32>
        %add3A_582 = arith.constant 12 : i32
        %add3A_583 = arith.addi %mul3A_190, %add3A_582 : i32
        %slice3A_584 = vector.extract_strided_slice %get3A_192 {offsets = [12], sizes = [1], strides = [1]} : vector<16xf32> to vector<1xf32>
        %squeeze3A_585 = vector.extract %slice3A_584[0] : f32 from vector<1xf32>
        %get3A_586 = arith.index_cast %add3A_583 : i32 to index
        %get3A_587 = arith.constant 0 : index
        %get3A_588 = tpu.vector_load %arg11[%get3A_586, %get3A_587] {strides = array<i32>} : memref<784x64xf32, #tpu.memory_space<vmem>>, vector<1x16xf32>,
        %get3A_589 = vector.shape_cast %get3A_588 : vector<1x16xf32> to vector<16xf32>
        %mul3A_590 = vector.broadcast %squeeze3A_585 : f32 to vector<16xf32>
        %mul3A_591 = arith.mulf %get3A_589, %mul3A_590 : vector<16xf32>
        %add3A_592 = arith.addf %add3A_560, %mul3A_591 : vector<16xf32>
        %get3A_593 = arith.index_cast %add3A_583 : i32 to index
        %get3A_594 = arith.constant 16 : index
        %get3A_595 = tpu.vector_load %arg11[%get3A_593, %get3A_594] {strides = array<i32>} : memref<784x64xf32, #tpu.memory_space<vmem>>, vector<1x16xf32>,
        %get3A_596 = vector.shape_cast %get3A_595 : vector<1x16xf32> to vector<16xf32>
        %mul3A_597 = vector.broadcast %squeeze3A_585 : f32 to vector<16xf32>
        %mul3A_598 = arith.mulf %get3A_596, %mul3A_597 : vector<16xf32>
        %add3A_599 = arith.addf %add3A_567, %mul3A_598 : vector<16xf32>
        %get3A_600 = arith.index_cast %add3A_583 : i32 to index
        %get3A_601 = arith.constant 32 : index
        %get3A_602 = tpu.vector_load %arg11[%get3A_600, %get3A_601] {strides = array<i32>} : memref<784x64xf32, #tpu.memory_space<vmem>>, vector<1x16xf32>,
        %get3A_603 = vector.shape_cast %get3A_602 : vector<1x16xf32> to vector<16xf32>
        %mul3A_604 = vector.broadcast %squeeze3A_585 : f32 to vector<16xf32>
        %mul3A_605 = arith.mulf %get3A_603, %mul3A_604 : vector<16xf32>
        %add3A_606 = arith.addf %add3A_574, %mul3A_605 : vector<16xf32>
        %get3A_607 = arith.index_cast %add3A_583 : i32 to index
        %get3A_608 = arith.constant 48 : index
        %get3A_609 = tpu.vector_load %arg11[%get3A_607, %get3A_608] {strides = array<i32>} : memref<784x64xf32, #tpu.memory_space<vmem>>, vector<1x16xf32>,
        %get3A_610 = vector.shape_cast %get3A_609 : vector<1x16xf32> to vector<16xf32>
        %mul3A_611 = vector.broadcast %squeeze3A_585 : f32 to vector<16xf32>
        %mul3A_612 = arith.mulf %get3A_610, %mul3A_611 : vector<16xf32>
        %add3A_613 = arith.addf %add3A_581, %mul3A_612 : vector<16xf32>
        %add3A_614 = arith.constant 13 : i32
        %add3A_615 = arith.addi %mul3A_190, %add3A_614 : i32
        %slice3A_616 = vector.extract_strided_slice %get3A_192 {offsets = [13], sizes = [1], strides = [1]} : vector<16xf32> to vector<1xf32>
        %squeeze3A_617 = vector.extract %slice3A_616[0] : f32 from vector<1xf32>
        %get3A_618 = arith.index_cast %add3A_615 : i32 to index
        %get3A_619 = arith.constant 0 : index
        %get3A_620 = tpu.vector_load %arg11[%get3A_618, %get3A_619] {strides = array<i32>} : memref<784x64xf32, #tpu.memory_space<vmem>>, vector<1x16xf32>,
        %get3A_621 = vector.shape_cast %get3A_620 : vector<1x16xf32> to vector<16xf32>
        %mul3A_622 = vector.broadcast %squeeze3A_617 : f32 to vector<16xf32>
        %mul3A_623 = arith.mulf %get3A_621, %mul3A_622 : vector<16xf32>
        %add3A_624 = arith.addf %add3A_592, %mul3A_623 : vector<16xf32>
        %get3A_625 = arith.index_cast %add3A_615 : i32 to index
        %get3A_626 = arith.constant 16 : index
        %get3A_627 = tpu.vector_load %arg11[%get3A_625, %get3A_626] {strides = array<i32>} : memref<784x64xf32, #tpu.memory_space<vmem>>, vector<1x16xf32>,
        %get3A_628 = vector.shape_cast %get3A_627 : vector<1x16xf32> to vector<16xf32>
        %mul3A_629 = vector.broadcast %squeeze3A_617 : f32 to vector<16xf32>
        %mul3A_630 = arith.mulf %get3A_628, %mul3A_629 : vector<16xf32>
        %add3A_631 = arith.addf %add3A_599, %mul3A_630 : vector<16xf32>
        %get3A_632 = arith.index_cast %add3A_615 : i32 to index
        %get3A_633 = arith.constant 32 : index
        %get3A_634 = tpu.vector_load %arg11[%get3A_632, %get3A_633] {strides = array<i32>} : memref<784x64xf32, #tpu.memory_space<vmem>>, vector<1x16xf32>,
        %get3A_635 = vector.shape_cast %get3A_634 : vector<1x16xf32> to vector<16xf32>
        %mul3A_636 = vector.broadcast %squeeze3A_617 : f32 to vector<16xf32>
        %mul3A_637 = arith.mulf %get3A_635, %mul3A_636 : vector<16xf32>
        %add3A_638 = arith.addf %add3A_606, %mul3A_637 : vector<16xf32>
        %get3A_639 = arith.index_cast %add3A_615 : i32 to index
        %get3A_640 = arith.constant 48 : index
        %get3A_641 = tpu.vector_load %arg11[%get3A_639, %get3A_640] {strides = array<i32>} : memref<784x64xf32, #tpu.memory_space<vmem>>, vector<1x16xf32>,
        %get3A_642 = vector.shape_cast %get3A_641 : vector<1x16xf32> to vector<16xf32>
        %mul3A_643 = vector.broadcast %squeeze3A_617 : f32 to vector<16xf32>
        %mul3A_644 = arith.mulf %get3A_642, %mul3A_643 : vector<16xf32>
        %add3A_645 = arith.addf %add3A_613, %mul3A_644 : vector<16xf32>
        %add3A_646 = arith.constant 14 : i32
        %add3A_647 = arith.addi %mul3A_190, %add3A_646 : i32
        %slice3A_648 = vector.extract_strided_slice %get3A_192 {offsets = [14], sizes = [1], strides = [1]} : vector<16xf32> to vector<1xf32>
        %squeeze3A_649 = vector.extract %slice3A_648[0] : f32 from vector<1xf32>
        %get3A_650 = arith.index_cast %add3A_647 : i32 to index
        %get3A_651 = arith.constant 0 : index
        %get3A_652 = tpu.vector_load %arg11[%get3A_650, %get3A_651] {strides = array<i32>} : memref<784x64xf32, #tpu.memory_space<vmem>>, vector<1x16xf32>,
        %get3A_653 = vector.shape_cast %get3A_652 : vector<1x16xf32> to vector<16xf32>
        %mul3A_654 = vector.broadcast %squeeze3A_649 : f32 to vector<16xf32>
        %mul3A_655 = arith.mulf %get3A_653, %mul3A_654 : vector<16xf32>
        %add3A_656 = arith.addf %add3A_624, %mul3A_655 : vector<16xf32>
        %get3A_657 = arith.index_cast %add3A_647 : i32 to index
        %get3A_658 = arith.constant 16 : index
        %get3A_659 = tpu.vector_load %arg11[%get3A_657, %get3A_658] {strides = array<i32>} : memref<784x64xf32, #tpu.memory_space<vmem>>, vector<1x16xf32>,
        %get3A_660 = vector.shape_cast %get3A_659 : vector<1x16xf32> to vector<16xf32>
        %mul3A_661 = vector.broadcast %squeeze3A_649 : f32 to vector<16xf32>
        %mul3A_662 = arith.mulf %get3A_660, %mul3A_661 : vector<16xf32>
        %add3A_663 = arith.addf %add3A_631, %mul3A_662 : vector<16xf32>
        %get3A_664 = arith.index_cast %add3A_647 : i32 to index
        %get3A_665 = arith.constant 32 : index
        %get3A_666 = tpu.vector_load %arg11[%get3A_664, %get3A_665] {strides = array<i32>} : memref<784x64xf32, #tpu.memory_space<vmem>>, vector<1x16xf32>,
        %get3A_667 = vector.shape_cast %get3A_666 : vector<1x16xf32> to vector<16xf32>
        %mul3A_668 = vector.broadcast %squeeze3A_649 : f32 to vector<16xf32>
        %mul3A_669 = arith.mulf %get3A_667, %mul3A_668 : vector<16xf32>
        %add3A_670 = arith.addf %add3A_638, %mul3A_669 : vector<16xf32>
        %get3A_671 = arith.index_cast %add3A_647 : i32 to index
        %get3A_672 = arith.constant 48 : index
        %get3A_673 = tpu.vector_load %arg11[%get3A_671, %get3A_672] {strides = array<i32>} : memref<784x64xf32, #tpu.memory_space<vmem>>, vector<1x16xf32>,
        %get3A_674 = vector.shape_cast %get3A_673 : vector<1x16xf32> to vector<16xf32>
        %mul3A_675 = vector.broadcast %squeeze3A_649 : f32 to vector<16xf32>
        %mul3A_676 = arith.mulf %get3A_674, %mul3A_675 : vector<16xf32>
        %add3A_677 = arith.addf %add3A_645, %mul3A_676 : vector<16xf32>
        %add3A_678 = arith.constant 15 : i32
        %add3A_679 = arith.addi %mul3A_190, %add3A_678 : i32
        %slice3A_680 = vector.extract_strided_slice %get3A_192 {offsets = [15], sizes = [1], strides = [1]} : vector<16xf32> to vector<1xf32>
        %squeeze3A_681 = vector.extract %slice3A_680[0] : f32 from vector<1xf32>
        %get3A_682 = arith.index_cast %add3A_679 : i32 to index
        %get3A_683 = arith.constant 0 : index
        %get3A_684 = tpu.vector_load %arg11[%get3A_682, %get3A_683] {strides = array<i32>} : memref<784x64xf32, #tpu.memory_space<vmem>>, vector<1x16xf32>,
        %get3A_685 = vector.shape_cast %get3A_684 : vector<1x16xf32> to vector<16xf32>
        %mul3A_686 = vector.broadcast %squeeze3A_681 : f32 to vector<16xf32>
        %mul3A_687 = arith.mulf %get3A_685, %mul3A_686 : vector<16xf32>
        %add3A_688 = arith.addf %add3A_656, %mul3A_687 : vector<16xf32>
        %get3A_689 = arith.index_cast %add3A_679 : i32 to index
        %get3A_690 = arith.constant 16 : index
        %get3A_691 = tpu.vector_load %arg11[%get3A_689, %get3A_690] {strides = array<i32>} : memref<784x64xf32, #tpu.memory_space<vmem>>, vector<1x16xf32>,
        %get3A_692 = vector.shape_cast %get3A_691 : vector<1x16xf32> to vector<16xf32>
        %mul3A_693 = vector.broadcast %squeeze3A_681 : f32 to vector<16xf32>
        %mul3A_694 = arith.mulf %get3A_692, %mul3A_693 : vector<16xf32>
        %add3A_695 = arith.addf %add3A_663, %mul3A_694 : vector<16xf32>
        %get3A_696 = arith.index_cast %add3A_679 : i32 to index
        %get3A_697 = arith.constant 32 : index
        %get3A_698 = tpu.vector_load %arg11[%get3A_696, %get3A_697] {strides = array<i32>} : memref<784x64xf32, #tpu.memory_space<vmem>>, vector<1x16xf32>,
        %get3A_699 = vector.shape_cast %get3A_698 : vector<1x16xf32> to vector<16xf32>
        %mul3A_700 = vector.broadcast %squeeze3A_681 : f32 to vector<16xf32>
        %mul3A_701 = arith.mulf %get3A_699, %mul3A_700 : vector<16xf32>
        %add3A_702 = arith.addf %add3A_670, %mul3A_701 : vector<16xf32>
        %get3A_703 = arith.index_cast %add3A_679 : i32 to index
        %get3A_704 = arith.constant 48 : index
        %get3A_705 = tpu.vector_load %arg11[%get3A_703, %get3A_704] {strides = array<i32>} : memref<784x64xf32, #tpu.memory_space<vmem>>, vector<1x16xf32>,
        %get3A_706 = vector.shape_cast %get3A_705 : vector<1x16xf32> to vector<16xf32>
        %mul3A_707 = vector.broadcast %squeeze3A_681 : f32 to vector<16xf32>
        %mul3A_708 = arith.mulf %get3A_706, %mul3A_707 : vector<16xf32>
        %add3A_709 = arith.addf %add3A_677, %mul3A_708 : vector<16xf32>
        %swap3A = arith.index_cast %scan3A_188 : i32 to index
        %swap3A_710 = arith.constant 0 : index
        %swap3A_711 = tpu.vector_load %arg12[%swap3A, %swap3A_710] {strides = array<i32>} : memref<49x64xf32, #tpu.memory_space<vmem>>, vector<1x16xf32>,
        %swap3A_712 = vector.shape_cast %swap3A_711 : vector<1x16xf32> to vector<16xf32>
        %swap3A_713 = vector.shape_cast %add3A_688 : vector<16xf32> to vector<1x16xf32>
        tpu.vector_store %arg12[%swap3A, %swap3A_710], %swap3A_713 {strides = array<i32>} : memref<49x64xf32, #tpu.memory_space<vmem>>, vector<1x16xf32>,
        %swap3A_714 = arith.index_cast %scan3A_188 : i32 to index
        %swap3A_715 = arith.constant 16 : index
        %swap3A_716 = tpu.vector_load %arg12[%swap3A_714, %swap3A_715] {strides = array<i32>} : memref<49x64xf32, #tpu.memory_space<vmem>>, vector<1x16xf32>,
        %swap3A_717 = vector.shape_cast %swap3A_716 : vector<1x16xf32> to vector<16xf32>
        %swap3A_718 = vector.shape_cast %add3A_695 : vector<16xf32> to vector<1x16xf32>
        tpu.vector_store %arg12[%swap3A_714, %swap3A_715], %swap3A_718 {strides = array<i32>} : memref<49x64xf32, #tpu.memory_space<vmem>>, vector<1x16xf32>,
        %swap3A_719 = arith.index_cast %scan3A_188 : i32 to index
        %swap3A_720 = arith.constant 32 : index
        %swap3A_721 = tpu.vector_load %arg12[%swap3A_719, %swap3A_720] {strides = array<i32>} : memref<49x64xf32, #tpu.memory_space<vmem>>, vector<1x16xf32>,
        %swap3A_722 = vector.shape_cast %swap3A_721 : vector<1x16xf32> to vector<16xf32>
        %swap3A_723 = vector.shape_cast %add3A_702 : vector<16xf32> to vector<1x16xf32>
        tpu.vector_store %arg12[%swap3A_719, %swap3A_720], %swap3A_723 {strides = array<i32>} : memref<49x64xf32, #tpu.memory_space<vmem>>, vector<1x16xf32>,
        %swap3A_724 = arith.index_cast %scan3A_188 : i32 to index
        %swap3A_725 = arith.constant 48 : index
        %swap3A_726 = tpu.vector_load %arg12[%swap3A_724, %swap3A_725] {strides = array<i32>} : memref<49x64xf32, #tpu.memory_space<vmem>>, vector<1x16xf32>,
        %swap3A_727 = vector.shape_cast %swap3A_726 : vector<1x16xf32> to vector<16xf32>
        %swap3A_728 = vector.shape_cast %add3A_709 : vector<16xf32> to vector<1x16xf32>
        tpu.vector_store %arg12[%swap3A_724, %swap3A_725], %swap3A_728 {strides = array<i32>} : memref<49x64xf32, #tpu.memory_space<vmem>>, vector<1x16xf32>,
      }
      %scan3A_187 = arith.constant 49 : i32
      "tpu.region"() ({
        %run_scoped3A = tpu.sem_alloc : memref<!tpu.dma_semaphore, #tpu.memory_space<semaphore_mem>>
        %dma_start3A_188 = arith.constant 0 : i32
        %dma_start3A_189 = arith.constant 0 : i32
        %dma_start3A_190 = tpu.memref_slice %arg5[%add3A_181, %dma_start3A_188, %dma_start3A_189] : memref<2048x49x64xf32, #tpu.memory_space<hbm>> -> memref<1x49x64xf32, #tpu.memory_space<hbm>>
        %dma_start3A_191 = tpu.memref_squeeze %dma_start3A_190 : memref<1x49x64xf32, #tpu.memory_space<hbm>> -> memref<49x64xf32, #tpu.memory_space<hbm>>
        %dma_start3A_192 = arith.constant 0 : i32
        %dma_start3A_193 = arith.constant 0 : i32
        %dma_start3A_194 = tpu.memref_slice %arg5[%add3A_181, %dma_start3A_192, %dma_start3A_193] : memref<2048x49x64xf32, #tpu.memory_space<hbm>> -> memref<1x49x64xf32, #tpu.memory_space<hbm>>
        %dma_start3A_195 = tpu.memref_squeeze %dma_start3A_194 : memref<1x49x64xf32, #tpu.memory_space<hbm>> -> memref<49x64xf32, #tpu.memory_space<hbm>>
        tpu.enqueue_dma source(%arg12 : memref<49x64xf32, #tpu.memory_space<vmem>>) target(%dma_start3A_195 : memref<49x64xf32, #tpu.memory_space<hbm>>) target_semaphore(%run_scoped3A : memref<!tpu.dma_semaphore, #tpu.memory_space<semaphore_mem>>)
        %dma_wait3A_196 = arith.constant 0 : i32
        %dma_wait3A_197 = arith.constant 0 : i32
        %dma_wait3A_198 = tpu.memref_slice %arg5[%add3A_181, %dma_wait3A_196, %dma_wait3A_197] : memref<2048x49x64xf32, #tpu.memory_space<hbm>> -> memref<1x49x64xf32, #tpu.memory_space<hbm>>
        %dma_wait3A_199 = tpu.memref_squeeze %dma_wait3A_198 : memref<1x49x64xf32, #tpu.memory_space<hbm>> -> memref<49x64xf32, #tpu.memory_space<hbm>>
        %dma_wait3A_200 = arith.constant 0 : i32
        %dma_wait3A_201 = arith.constant 0 : i32
        %dma_wait3A_202 = tpu.memref_slice %arg5[%add3A_181, %dma_wait3A_200, %dma_wait3A_201] : memref<2048x49x64xf32, #tpu.memory_space<hbm>> -> memref<1x49x64xf32, #tpu.memory_space<hbm>>
        %dma_wait3A_203 = tpu.memref_squeeze %dma_wait3A_202 : memref<1x49x64xf32, #tpu.memory_space<hbm>> -> memref<49x64xf32, #tpu.memory_space<hbm>>
        tpu.wait_dma2 semaphore(%run_scoped3A : memref<!tpu.dma_semaphore, #tpu.memory_space<semaphore_mem>>) src(%arg12 : memref<49x64xf32, #tpu.memory_space<vmem>>) dst(%dma_wait3A_203 : memref<49x64xf32, #tpu.memory_space<hbm>>)
        tpu.yield
      }) : () -> ()
    }
    %scan3A_76 = arith.constant 32 : i32
    return
  }
}

</mosaic_0001>

<sc_bundles>
// kernel: gather_offload_async_start.1
scs
__scs_entry_jumppad:
0x0: {  	(pc) =	sbr.rel $0x88, $3  }
0x1: {  	(tag) =	ssettag $0x0;
	lr =	simm.s32 $0x1  }
0x2: {  	[smem:$0x3F9B] =	sst lr;
	_ =	strace $0xD0000000  }
0x3: {  	_ = 	snop  }
0x4: {  	_ = 	snop  }
0x5: {  	_ = 	snop  }
0x6: {  	_ = 	snop  }
0x7: {  	_ = 	snop  }
__scs_overlays_trampoline_lowered:
0x8: {  	[smem:$0x3FAA] =	sst s0  }
0x9: {  	[smem:$0x3FAB] =	sst s1  }
0xa: {  	[smem:$0x3FAC] =	sst s2  }
0xb: {  	[smem:$0x3FAD] =	sst s3  }
0xc: {  	[smem:$0x3FAE] =	sst s4  }
0xd: {  	[smem:$0x3FAF] =	sst s5  }
0xe: {  	[smem:$0x3FB0] =	sst s6  }
0xf: {  	[smem:$0x3FB1] =	sst s7  }
0x10: {  	[smem:$0x3FB2] =	sst s8  }
0x11: {  	[smem:$0x3FB3] =	sst s9;
	s0 =	simm.s32 @!p0 $0x0  }
0x12: {  	s1 =	sld [smem:$0x3F99];
	s0 =	simm.s32 @p0 $0x1  }
0x13: {  	[smem:$0x3FB4] =	sst s0;
	s0 =	simm.s32 @!p1 $0x0  }
0x14: {  	s2 =	sld [smem:$0x3F98];
	s0 =	simm.s32 @p1 $0x1  }
0x15: {  	[smem:$0x3FB5] =	sst s0;
	s0 =	simm.s32 @!p2 $0x0  }
0x16: {  	s3 =	sld [smem:$0x3FDB];
	s0 =	simm.s32 @p2 $0x1  }
0x17: {  	s4 =	simm.s32 $0x1BF5;
	[smem:$0x3FB7] =	sst s0  }
0x18: {  	s0 =	sld [smem:$0x3F9A];
	_ =	swait.ge [sflag:s4], $0x0  }
0x19: {  	s7 =	sld [smem:$0x3F9B]  }
0x1a: {  	s8 =	sadd.s32 $0xFFFFE003, lr  }
0x1b: {  	s9 =	sadd.s32 $0xFFFFFEF7, lr;
	s5 =	simm.s32 $0xFFFFFFFF;
	p2 =	slt.u32 s8, $0xFFFFF086  }
0x1c: {  	p1 =	slt.u32 s9, $0xF7A;
	s5 =	simm.s32 @!p2 $0x0  }
0x1d: {  	s5 =	simm.s32 @p1 $0x1;
	p0 =	seq.s32 s7, s2  }
0x1e: {  	s7 =	smul.u32 @!p0 $0xF7A, s2;
	p2 =	seq.s32 @!p0 s5, $0x0  }
0x1f: {  	s9 =	smul.u32 $0xF7A, s1;
	s8 =	simm.s32 @!p0 $0x1BF5;
	p2 =	por !p2, p0  }
0x20: {  	[sflag:s8] =	ssyncset.s32 @!p0 $0xFFFFF086;
	s6 =	sadd.s32 @!p0 s3, s7;
	s7 =	simm.s32 @!p0 $0x108  }
0x21: {  	s3 =	sadd.s32 s3, s9;
	s6 =	sadd.s32 @!p0 $0x88, s6;
	s7 =	simm.s32 @p2 $0x1082  }
0x22: {  	[simem:s7], [sflag:s8] =	dma.local @!p0 [hbm:s6], $0xF7A  }
0x23: {  	s9 =	sor.u32 $0xD0000000, s2;
	s6 =	simm.s32 $0x108;
	_ =	swait.ge @!p0 [sflag:s8], $0x0  }
0x24: {  	s3 =	sadd.s32 $0x88, s3;
	s6 =	simm.s32 @!p1 $0x1082;
	[sflag:s4] =	ssyncset.s32 $0xFFFFF086  }
0x25: {  	[simem:s6], [sflag:s4] =	dma.local [hbm:s3], $0xF7A  }
0x26: {  	[smem:$0x3F9B] =	sst s1;
	(tag) =	ssettag s2;
	_ =	strace s9  }
0x27: {  	s1 =	sld [smem:$0x3FAB]  }
0x28: {  	s2 =	sld [smem:$0x3FAC]  }
0x29: {  	s4 =	sld [smem:$0x3FAE]  }
0x2a: {  	p0 =	seq.s32 s5, $0x0;
	s5 =	sld [smem:$0x3FAF]  }
0x2b: {  	s6 =	sld [smem:$0x3FB0]  }
0x2c: {  	s7 =	sld [smem:$0x3FB1]  }
0x2d: {  	s3 =	simm.s32 $0x108;
	s8 =	sld [smem:$0x3FB2]  }
0x2e: {  	s3 =	simm.s32 @!p0 $0x1082;
	s9 =	sld [smem:$0x3FB3]  }
0x2f: {  	lr =	sadd.s32 s0, s3;
	s0 =	sld [smem:$0x3FAA]  }
0x30: {  	s3 =	sld [smem:$0x3FAD]  }
0x31: {  	[smem:$0x3FB6] =	sst s10  }
0x32: {  	s10 =	sld [smem:$0x3FB4];
	_ =	sdelay $0x3  }
0x33: {  	p0 =	seq.s32 s10, $0x1;
	s10 =	sld [smem:$0x3FB6];
	_ =	sdelay $0x3  }
0x34: {  	[smem:$0x3FB6] =	sst s10  }
0x35: {  	s10 =	sld [smem:$0x3FB5];
	_ =	sdelay $0x3  }
0x36: {  	p1 =	seq.s32 s10, $0x1;
	s10 =	sld [smem:$0x3FB6];
	_ =	sdelay $0x3  }
0x37: {  	[smem:$0x3FB6] =	sst s10  }
0x38: {  	s10 =	sld [smem:$0x3FB7]  }
0x39: {  	_ = 	snop;
	(pc) =	sbr.ind lr, $3  }
0x3a: {  	_ = 	snop  }
0x3b: {  	_ = 	snop  }
0x3c: {  	p2 =	seq.s32 s10, $0x1;
	s10 =	sld [smem:$0x3FB6]  }
0x3d: {  	_ =	shalt  }
0x3e: {  	_ =	shalt  }
0x3f: {  	_ =	shalt  }
0x40: {  	_ =	shalt  }
0x41: {  	_ =	shalt  }
0x42: {  	_ =	shalt  }
0x43: {  	_ =	shalt  }
0x44: {  	_ =	shalt  }
0x45: {  	_ =	shalt  }
0x46: {  	_ =	shalt  }
0x47: {  	_ =	shalt  }
0x48: {  	_ =	shalt  }
0x49: {  	_ =	shalt  }
0x4a: {  	_ =	shalt  }
0x4b: {  	_ =	shalt  }
0x4c: {  	_ =	shalt  }
0x4d: {  	_ =	shalt  }
0x4e: {  	_ =	shalt  }
0x4f: {  	_ =	shalt  }
0x50: {  	_ =	shalt  }
0x51: {  	_ =	shalt  }
0x52: {  	_ =	shalt  }
0x53: {  	_ =	shalt  }
0x54: {  	_ =	shalt  }
0x55: {  	_ =	shalt  }
0x56: {  	_ =	shalt  }
0x57: {  	_ =	shalt  }
0x58: {  	_ =	shalt  }
0x59: {  	_ =	shalt  }
0x5a: {  	_ =	shalt  }
0x5b: {  	_ =	shalt  }
0x5c: {  	_ =	shalt  }
0x5d: {  	_ =	shalt  }
0x5e: {  	_ =	shalt  }
0x5f: {  	_ =	shalt  }
0x60: {  	_ =	shalt  }
0x61: {  	_ =	shalt  }
0x62: {  	_ =	shalt  }
0x63: {  	_ =	shalt  }
0x64: {  	_ =	shalt  }
0x65: {  	_ =	shalt  }
0x66: {  	_ =	shalt  }
0x67: {  	_ =	shalt  }
0x68: {  	_ =	shalt  }
0x69: {  	_ =	shalt  }
0x6a: {  	_ =	shalt  }
0x6b: {  	_ =	shalt  }
0x6c: {  	_ =	shalt  }
0x6d: {  	_ =	shalt  }
0x6e: {  	_ =	shalt  }
0x6f: {  	_ =	shalt  }
0x70: {  	_ =	shalt  }
0x71: {  	_ =	shalt  }
0x72: {  	_ =	shalt  }
0x73: {  	_ =	shalt  }
0x74: {  	_ =	shalt  }
0x75: {  	_ =	shalt  }
0x76: {  	_ =	shalt  }
0x77: {  	_ =	shalt  }
0x78: {  	_ =	shalt  }
0x79: {  	_ =	shalt  }
0x7a: {  	_ =	shalt  }
0x7b: {  	_ =	shalt  }
0x7c: {  	_ =	shalt  }
0x7d: {  	_ =	shalt  }
0x7e: {  	_ =	shalt  }
0x7f: {  	_ =	shalt  }
0x80: {  	_ =	shalt  }
0x81: {  	_ =	shalt  }
0x82: {  	_ =	shalt  }
0x83: {  	_ =	shalt  }
0x84: {  	_ =	shalt  }
0x85: {  	_ =	shalt  }
0x86: {  	_ =	shalt  }
0x87: {  	_ =	shalt  }
.Lfunc_end0:
.L_simem_size_0:
called_computation.2_lowered:
.L_overlay_start_0:
0x88: {  	s0 =	sld [smem:$0x3FD9]  }
0x89: {  	s1 =	sld [smem:$0x3FFE];
	_ =	sdelay $0x3  }
0x8a: {  	s0 =	sadd.s32 s1, s0  }
0x8b: {  	[smem:$0x3FC2] =	sst s0  }
0x8c: {  	_ = 	snop  }
0x8d: {  	s0 =	sld [smem:$0x3FD0];
	_ =	sdelay $0x2  }
0x8e: {  	s14 =	simm.s32 $0xC;
	s2 =	simm.s32 $0x10  }
0x8f: {  	[smem:s2], [sflag:s14] =	dma.local [hbm:s0], $0x1  }
0x90: {  	_ =	swait.eq [sflag:s14], $0x1  }
0x91: {  	s15 =	sld [smem:$0x10];
	[sflag:s14] =	ssyncset.done $0x0  }
0x92: {  	s16 =	sld [smem:$0x11];
	[sflag:s14] =	ssyncadd.s32 $0xFFFFFFFF  }
0x93: {  	s17 =	sld [smem:$0x13];
	(tm) =	ssettm $0x1  }
0x94: {  	s3 =	sld [smem:$0x3FFB];
	_ =	sdelay $0x3  }
0x95: {  	_ =	strace s3  }
0x96: {  	s3 =	sld [smem:$0x3FFC];
	_ =	sdelay $0x3  }
0x97: {  	_ =	strace s3  }
0x98: {  	s3 =	sld [smem:$0x3FFD];
	_ =	sdelay $0x3  }
0x99: {  	_ =	strace s3  }
0x9a: {  	_ =	strace $0x8FFFFFFF  }
0x9b: {  	s18 =	sld [smem:$0x3FDB];
	_ =	sdelay $0x1  }
0x9c: {  	s4 =	simm.s32 $_scs_section_size  }
0x9d: {  	s5 =	simm.s32 $_size__tile_overlayer_lowered;
	s6 =	simm.s32 $_tile_overlayer_lowered  }
0x9e: {  	s21 =	simm.s32 $0x1BFF;
	s20 =	sshll.u32 s6, $0x1;
	s3 =	sadd.s32 s4, s18  }
0x9f: {  	s7 =	simm.s32 $0x0;
	s19 =	sshll.u32 s5, $0x1;
	s5 =	sadd.s32 s20, s3  }
0xa0: {  	[timem:s7], [sflag:s21] =	dma.local [hbm:s5], s19  }
0xa1: {  	_ =	swait.ge [sflag:s21], s19  }
0xa2: {  	s4 =	ssub.s32 $0x0, s19;
	[sflag:s21] =	ssyncset.done $0x0  }
0xa3: {  	[sflag:s21] =	ssyncadd.s32 s4;
	_ =	sdelay $0x1  }
0xa4: {  	s22 =	simm.s32 $0x1B8B  }
0xa5: {  	_ =	swait.ge [sflag:s22], $0x1  }
0xa6: {  	[sflag:s22] =	ssyncset.done $0x0  }
0xa7: {  	s23 =	simm.s32 $0x1B8E;
	[sflag:s22] =	ssyncadd.s32 $0xFFFFFFFF  }
0xa8: {  	s24 =	simm.s32 $execute0_lowered;
	[smem:$0x3FD2] =	sst s23  }
0xa9: {  	s4 =	sshll.u32 s24, $0x1;
	_ =	strace $0x80000049;
	[dreg:$0x1] =	wrdreg $0xFFFFFFFF  }
0xaa: {  	s25 =	simm.s32 $_size_execute0_lowered;
	s3 =	sadd.s32 s3, s4;
	[dreg:$0x0] =	wrdreg $0x0  }
0xab: {  	s4 =	sshll.u32 s25, $0x1;
	[dreg:$0x2] =	wrdreg s3  }
0xac: {  	[dreg:$0x3] =	wrdreg s4  }
0xad: {  	[dreg:$0x4] =	wrdreg $0xC0  }
0xae: {  	_ =	task [dreg:s7], $0x5FFFF  }
0xaf: {  	[dreg:$0x1] =	wrdreg $0xFFFFFFFF  }
0xb0: {  	[dreg:$0x0] =	wrdreg $0x60  }
0xb1: {  	[dreg:$0x2] =	wrdreg s16  }
0xb2: {  	[dreg:$0x3] =	wrdreg s17  }
0xb3: {  	[dreg:$0x4] =	wrdreg s15  }
0xb4: {  	[dreg:$0x5] =	wrdreg $0xB  }
0xb5: {  	_ =	task.clear_ibuf [dreg:s7], $0x6FFFF;
	_ =	strace $0x90000049  }
0xb6: {  	s26 =	simm.s32 $0xB;
	_ =	strace $0x8000004B  }
0xb7: {  	_ =	swait.ge [sflag:s26], $0x1  }
0xb8: {  	[sflag:s26] =	ssyncadd.s32 $0xFFFFFFFF  }
0xb9: {  	_ =	strace $0x9000004B  }
0xba: {  	_ =	sfence  }
0xbb: {  	s28 =	sld [smem:$0x0];
	_ =	sdelay $0x1  }
0xbc: {  	s29 =	srdreg.scid  }
0xbd: {  	s30 =	sshll.u32 s29, $0xD;
	s31 =	sshrl.u32 s29, $0x2  }
0xbe: {  	s1 =	sand.u32 $0x1, s29;
	s2 =	sand.u32 $0x4000, s30;
	s0 =	sadd.s32 s31, s28  }
0xbf: {  	s1 =	sor.u32 s2, s1;
	s0 =	sshll.u32 s0, $0x11  }
0xc0: {  	s0 =	sor.u32 s0, s1  }
0xc1: {  	s0 =	sadd.s32 $0x8F2B, s0  }
0xc2: {  	[sflag:s0] =	ssyncadd.remote.s32 $0x1  }
0xc3: {  	_ =	sfence.sel $0xFFFF  }
0xc4: {  	[dreg:$0x0] =	wrdreg $0xFFFFFFFF;
	(pc) =	sbr.abs _section_cstart, $3  }
0xc5: {  	[dreg:$0x1] =	wrdreg $0xFFFFFFFF  }
0xc6: {  	_ =	task.clear_ibuf [dreg:s7], $0x2FFFF;
	_ =	strace $0x9FFFFFFF  }
0xc7: {  	(tm) =	ssettm $0x7FFFFFFF  }
tec
execute0_lowered:
.L_overlay_start_1:
0x0: {  	(tag) =	ssettag $0x1  }
0x1: {  	s0 =	stileid.u32  }
0x2: {  	s1 =	smin.u32 s0, $0x9  }
0x3: {  	s1 =	sadd.s32 s0, s1  }
0x4: {  	s2 =	simm.s32 $0xA0;
	p0 =	slt.u32 s0, $0x9;
	s1 =	smul.u32 $0x50, s1  }
0x5: {  	s2 =	simm.s32 @!p0 $0x50  }
0x6: {  	s2 =	sadd.s32 s2, s1  }
0x7: {  	s3 =	smin.u32 s2, $0x7D0  }
0x8: {  	s8 =	ssub.s32 s3, s1  }
0x9: {  	p0 =	sgt.s32 s8, $0x0  }
0xa: {  	s8 =	simm.s32 @!p0 $0x0  }
0xb: {  	s4 =	rddreg [dreg:$0x0];
	s31 =	smul.u32 $0xCCCD, s8  }
0xc: {  	s5 =	rddreg [dreg:$0x1]  }
0xd: {  	s6 =	rddreg [dreg:$0x2];
	s7 =	simm.s32 $0x1;
	s9 =	sshrl.u32 s31, $0x16  }
0xe: {  	s11 =	simm.s32 $0x3;
	s13 =	simm.s32 $0x0;
	s10 =	smul.u32 $0x50, s9  }
.Ltmp0:
0xf: {  	s12 =	simm.s32 $0x0;
	s2 =	rddreg [dreg:$0x3];
	(pc) =	sbr.rel .LBB2_1-.Ltmp0, $4  }
0x10: {  	_ =	strace $0x8000004A;
	p0 =	sne.s32 s8, s10;
	s10 =	simm.s32 $0x1  }
0x11: {  	[sflag:s7] =	ssyncpa.u1 $0x0;
	s8 =	simm.s32 $0x2;
	s10 =	simm.s32 @!p0 $0x0  }
0x12: {  	[sflag:s8] =	ssyncpa.u1 $0x0;
	p0 =	por $0x0, $0x0;
	s9 =	sadd.s32 s9, s10  }
0x13: {  	v0 =	vimm.s32 $0x0;
	vm0 =	vmmov $0xff;
	vm1 =	vcmask $0x3F20;
	[sflag:s11] =	ssyncpa.u1 $0x0;
	s11 =	smov.u32 s1;
	s10 =	sadd.s32 $0x1, s9  }
.LBB2_6:
0x14: {  	[hbm:s17] =	stream.linear.scatter [tilespmem:s14], [sflag:$0x3], $0x400, $0x38;
	[tilespmem:$0x50A0] =	vst v63  }
.LBB2_7:
0x15: {  	s13 =	sadd.s32 $0x50, s11  }
0x16: {  	s15 =	smov.u32 s1;
	p2 =	slt.s32 s13, s3  }
0x17: {  	s15 =	smov.u32 @p2 s13;
	p2 =	sne.s32 s12, s10  }
.Ltmp1:
0x18: {  	p1 =	slt.u32 s12, $0x2;
	(pc) =	sbr.rel @!p2 .LBB2_8-.Ltmp1, $4  }
0x19: {  	s14 =	simm.s32 @!p1 $0x3  }
0x1a: {  	s16 =	sadd.s32 $0x1, s12;
	_ =	swait.ge @!p1 [sflag:s14], $0x2800  }
0x1b: {  	p0 =	por !p0, !p0;
	s13 =	smov.u32 s11;
	[sflag:s14] =	ssyncset.done @!p1 $0x0  }
0x1c: {  	s12 =	smov.u32 s16;
	s11 =	smov.u32 s15;
	[sflag:s14] =	ssyncadd.s32 @!p1 $0xFFFFD800  }
.LBB2_1:
0x1d: {  	p1 =	sge.u32 s12, s9  }
0x1e: {  	s14 =	sxor.u32 @!p1 $0xFFFFFFFF, s12  }
0x1f: {  	s14 =	sand.u32 @!p1 $0x1, s14  }
0x20: {  	s14 =	smul.u32 @!p1 $0x140, s14  }
0x21: {  	s31 =	sadd.s32 $0xFFFFFFFF, s12;
	s15 =	sshrl.u32 @!p1 s11, $0x3  }
0x22: {  	s16 =	sand.u32 @!p1 $0x7, s11;
	s15 =	sadd.s32 @!p1 s5, s15;
	s14 =	sshrl.u32 @!p1 s14, $0x2  }
0x23: {  	[tilespmem:s14], [sflag:$0x2] =	stream.linear.gather @!p1 [hbm4b:s15+s16], $0x50, $0x38;
	[tilespmem:$0x50A0] =	vst v63  }
0x24: {  	p1 =	sge.u32 s31, s9  }
.Ltmp2:
0x25: {  	_ = 	snop;
	(pc) =	sbr.rel @p1 .LBB2_7-.Ltmp2, $1  }
0x26: {  	_ =	sdelay $0x3  }
0x27: {  	s14 =	simm.s32 $0x1  }
0x28: {  	s14 =	simm.s32 @!p0 $0x0  }
0x29: {  	s15 =	smul.u32 $0x140, s14  }
0x2a: {  	_ =	swait.ge [sflag:s8], $0x50  }
0x2b: {  	[sflag:s8] =	ssyncset.done $0x0;
	s16 =	sshrl.u32 s15, $0x2  }
0x2c: {  	[sflag:s8] =	ssyncadd.s32 $0xFFFFFFB0;
	s15 =	sadd.s32 $0x0, s16  }
0x2d: {  	v1 =	vld.msk [tilespmem:s15+$0x0 ss:$0x1], $0xffff;
	_ =	sdelay $0x4  }
0x2e: {  	v2 =	vand.u32 $0x1, v1;
	v3 =	vshll.u32 v1, $0x6  }
0x2f: {  	vm2 =	veq.s32 v1, $0x80000000;
	vm3 =	veq.s32 v2, $0x1;
	v1 =	vand.u32 $0x1FF80, v3  }
0x30: {  	v2 =	vsel vm3, $0x1F400, v0;
	v1 =	vsel vm2, $0xFFFFFF80, v1  }
0x31: {  	v2 =	vsel vm2, $0xFFFE0C00, v2;
	v3 =	vand.u32 $0xFFFFFC00, v1  }
0x32: {  	v1 =	vand.u32 $0x380, v1;
	v2 =	vadd.s32 v2, v3  }
0x33: {  	v1 =	vor.u32 v1, v2  }
0x34: {  	v1 =	vshrl.u32 v1, $0x3  }
0x35: {  	s14 =	smul.u32 $0xA000, s14;
	_ =	sdelay $0x1  }
0x36: {  	s14 =	sshrl.u32 s14, $0x2  }
0x37: {  	s14 =	sor.u32 $0xA0, s14  }
0x38: {  	[tilespmem:s14], [sflag:$0x1] =	stream.indirect_vreg.gather [hbm:s4], $0x80, v1, vm0, $0x38;
	[tilespmem:$0x50A0] =	vst v63  }
0x39: {  	s17 =	sadd.s32 $0x10, s16;
	s15 =	sadd.s32 $0x400, s14  }
0x3a: {  	[tilespmem:s15], [sflag:$0x1] =	stream.indirect_vreg.gather [hbm:s4], $0x80, v1, vm1, $0x38;
	[tilespmem:$0x50A0] =	vst v63  }
0x3b: {  	s18 =	simm.s32 $0x80;
	v1 =	vld.msk [tilespmem:s17+$0x0 ss:$0x1], $0xffff;
	s17 =	smov.u32 s14  }
.LBB2_3:
0x3c: {  	p1 =	sne.s32 s18, $0x100;
	_ =	sdelay $0x4  }
0x3d: {  	v2 =	vand.u32 $0x1, v1;
	v3 =	vshll.u32 v1, $0x6  }
0x3e: {  	vm2 =	veq.s32 v1, $0x80000000;
	vm3 =	veq.s32 v2, $0x1;
	v1 =	vand.u32 $0x1FF80, v3  }
0x3f: {  	v2 =	vsel vm3, $0x1F400, v0;
	v1 =	vsel vm2, $0xFFFFFF80, v1  }
0x40: {  	v2 =	vsel vm2, $0xFFFE0C00, v2;
	v3 =	vand.u32 $0xFFFFFC00, v1  }
0x41: {  	v1 =	vand.u32 $0x380, v1;
	v2 =	vadd.s32 v2, v3  }
0x42: {  	v1 =	vor.u32 v1, v2  }
0x43: {  	v1 =	vshrl.u32 v1, $0x3;
	_ =	sdelay $0x3  }
.Ltmp3:
0x44: {  	s19 =	sshra.s32 s18, $0x2;
	s17 =	sadd.s32 $0x800, s17;
	(pc) =	sbr.rel @p1 .LBB2_3-.Ltmp3, $4  }
0x45: {  	[tilespmem:s17], [sflag:$0x1] =	stream.indirect_vreg.gather [hbm:s4], $0x80, v1, vm0, $0x38;
	[tilespmem:$0x50A0] =	vst v63  }
0x46: {  	s19 =	sadd.s32 s19, s16;
	s20 =	sadd.s32 $0x400, s17  }
0x47: {  	[tilespmem:s20], [sflag:$0x1] =	stream.indirect_vreg.gather [hbm:s4], $0x80, v1, vm1, $0x38;
	[tilespmem:$0x50A0] =	vst v63  }
0x48: {  	s18 =	sadd.s32 $0x40, s18;
	v1 =	vld.msk [tilespmem:s19+$0x0 ss:$0x1], $0xffff  }
0x49: {  	_ =	sdelay $0x3  }
0x4a: {  	v2 =	vand.u32 $0x1, v1;
	v3 =	vshll.u32 v1, $0x6  }
0x4b: {  	vm2 =	veq.s32 v1, $0x80000000;
	vm3 =	veq.s32 v2, $0x1;
	v1 =	vand.u32 $0x1FF80, v3  }
0x4c: {  	v2 =	vsel vm3, $0x1F400, v0;
	v1 =	vsel vm2, $0xFFFFFF80, v1  }
0x4d: {  	v2 =	vsel vm2, $0xFFFE0C00, v2;
	v3 =	vand.u32 $0xFFFFFC00, v1  }
0x4e: {  	v1 =	vand.u32 $0x380, v1;
	v2 =	vadd.s32 v2, v3  }
0x4f: {  	v1 =	vor.u32 v1, v2  }
0x50: {  	v1 =	vshrl.u32 v1, $0x3;
	_ =	sdelay $0x3  }
0x51: {  	s16 =	sadd.s32 $0x800, s17  }
0x52: {  	[tilespmem:s16], [sflag:$0x1] =	stream.indirect_vreg.gather [hbm:s4], $0x80, v1, vm0, $0x38;
	[tilespmem:$0x50A0] =	vst v63  }
0x53: {  	s16 =	sadd.s32 $0x400, s16  }
0x54: {  	[tilespmem:s16], [sflag:$0x1] =	stream.indirect_vreg.gather [hbm:s4], $0x80, v1, vm1, $0x38;
	[tilespmem:$0x50A0] =	vst v63  }
0x55: {  	s13 =	sshll.u32 s13, $0x4;
	_ =	swait.ge [sflag:s7], $0x2800  }
0x56: {  	s13 =	sadd.s32 s13, s6;
	[sflag:s7] =	ssyncset.done $0x0  }
0x57: {  	s17 =	sadd.s32 $0x0, s13;
	s16 =	simm.s32 $0x80;
	[sflag:s7] =	ssyncadd.s32 $0xFFFFD800  }
.LBB2_5:
0x58: {  	[hbm:s17] =	stream.linear.scatter [tilespmem:s14], [sflag:$0x3], $0x400, $0x38;
	[tilespmem:$0x50A0] =	vst v63  }
0x59: {  	s17 =	smov.u32 s16;
	s14 =	smov.u32 s15;
	p1 =	sne.s32 s16, $0x480  }
.Ltmp4:
0x5a: {  	s16 =	sadd.s32 $0x80, s16;
	(pc) =	sbr.rel @p1 .LBB2_5-.Ltmp4, $2  }
0x5b: {  	_ =	sdelay $0x2  }
0x5c: {  	s15 =	sadd.s32 $0x400, s15;
	s17 =	sadd.s32 s17, s13  }
.Ltmp5:
0x5d: {  	_ = 	snop;
	(pc) =	sbr.rel .LBB2_6-.Ltmp5, $1  }
0x5e: {  	_ =	sdelay $0x3  }
.LBB2_8:
0x5f: {  	_ =	sfence.sel $0x180000  }
0x60: {  	s1 =	simm.s32 $0x2;
	[bflag:$0x0] =	sbarrier.arrive $0xFFFF  }
0x61: {  	s30 =	simm.s32 $0x3;
	[sflag:s1] =	ssyncpa.u1 $0x1  }
0x62: {  	s31 =	simm.s32 $0x1;
	[sflag:s30] =	ssyncpa.u1 $0x1  }
0x63: {  	[sflag:s31] =	ssyncpa.u1 $0x1  }
0x64: {  	p0 =	sne.s32 s0, $0x0;
	_ =	strace $0x9000004A  }
0x65: {  	s0 =	sadd.s32 @!p0 $0x100000, s2;
	[bflag:$0x2] =	sbarrier.arrive $0xFFFF  }
0x66: {  	[sflag:s0] =	ssyncadd.tile.s32 @!p0 $0x1;
	_ =	shalt  }
.Lfunc_end2:
_tile_overlayer_lowered:
.L_overlay_start_2:
0x67: {  	(tag) =	ssettag $0x2  }
0x68: {  	s0 =	rddreg [dreg:$0x0];
	s2 =	stileid.u32  }
0x69: {  	s1 =	rddreg [dreg:$0x1];
	p0 =	sne.s32 s2, $0x0  }
0x6a: {  	s3 =	rddreg [dreg:$0x2];
	[bflag:$0x3] =	sbarrier.arrive $0xFFFF;
	s2 =	simm.s32 @!p0 $0x1C01  }
0x6b: {  	[timem:s3], [sflag:s2] =	dma.local @!p0 [hbm:s0], s1  }
0x6c: {  	s0 =	simm.s32 @!p0 $0x1  }
0x6d: {  	_ =	swait.ge @!p0 [sflag:s0], s1  }
0x6e: {  	s1 =	ssub.s32 @!p0 $0x0, s1;
	[sflag:s0] =	ssyncset.done @!p0 $0x0  }
0x6f: {  	[sflag:s0] =	ssyncadd.s32 @!p0 s1  }
0x70: {  	[bflag:$0x3] =	sbarrier.arrive $0xFFFF  }
0x71: {  	_ =	shalt  }

// kernel: gather_offload_async_start
scs
__scs_entry_jumppad:
0x0: {  	(pc) =	sbr.rel $0x88, $3  }
0x1: {  	(tag) =	ssettag $0x0;
	lr =	simm.s32 $0x1  }
0x2: {  	[smem:$0x3F9B] =	sst lr;
	_ =	strace $0xD0000000  }
0x3: {  	_ = 	snop  }
0x4: {  	_ = 	snop  }
0x5: {  	_ = 	snop  }
0x6: {  	_ = 	snop  }
0x7: {  	_ = 	snop  }
__scs_overlays_trampoline_lowered:
0x8: {  	[smem:$0x3FAA] =	sst s0  }
0x9: {  	[smem:$0x3FAB] =	sst s1  }
0xa: {  	[smem:$0x3FAC] =	sst s2  }
0xb: {  	[smem:$0x3FAD] =	sst s3  }
0xc: {  	[smem:$0x3FAE] =	sst s4  }
0xd: {  	[smem:$0x3FAF] =	sst s5  }
0xe: {  	[smem:$0x3FB0] =	sst s6  }
0xf: {  	[smem:$0x3FB1] =	sst s7  }
0x10: {  	[smem:$0x3FB2] =	sst s8  }
0x11: {  	[smem:$0x3FB3] =	sst s9;
	s0 =	simm.s32 @!p0 $0x0  }
0x12: {  	s1 =	sld [smem:$0x3F99];
	s0 =	simm.s32 @p0 $0x1  }
0x13: {  	[smem:$0x3FB4] =	sst s0;
	s0 =	simm.s32 @!p1 $0x0  }
0x14: {  	s2 =	sld [smem:$0x3F98];
	s0 =	simm.s32 @p1 $0x1  }
0x15: {  	[smem:$0x3FB5] =	sst s0;
	s0 =	simm.s32 @!p2 $0x0  }
0x16: {  	s3 =	sld [smem:$0x3FDB];
	s0 =	simm.s32 @p2 $0x1  }
0x17: {  	s4 =	simm.s32 $0x1BF5;
	[smem:$0x3FB7] =	sst s0  }
0x18: {  	s0 =	sld [smem:$0x3F9A];
	_ =	swait.ge [sflag:s4], $0x0  }
0x19: {  	s7 =	sld [smem:$0x3F9B]  }
0x1a: {  	s8 =	sadd.s32 $0xFFFFE003, lr  }
0x1b: {  	s9 =	sadd.s32 $0xFFFFFEF7, lr;
	s5 =	simm.s32 $0xFFFFFFFF;
	p2 =	slt.u32 s8, $0xFFFFF086  }
0x1c: {  	p1 =	slt.u32 s9, $0xF7A;
	s5 =	simm.s32 @!p2 $0x0  }
0x1d: {  	s5 =	simm.s32 @p1 $0x1;
	p0 =	seq.s32 s7, s2  }
0x1e: {  	s7 =	smul.u32 @!p0 $0xF7A, s2;
	p2 =	seq.s32 @!p0 s5, $0x0  }
0x1f: {  	s9 =	smul.u32 $0xF7A, s1;
	s8 =	simm.s32 @!p0 $0x1BF5;
	p2 =	por !p2, p0  }
0x20: {  	[sflag:s8] =	ssyncset.s32 @!p0 $0xFFFFF086;
	s6 =	sadd.s32 @!p0 s3, s7;
	s7 =	simm.s32 @!p0 $0x108  }
0x21: {  	s3 =	sadd.s32 s3, s9;
	s6 =	sadd.s32 @!p0 $0x88, s6;
	s7 =	simm.s32 @p2 $0x1082  }
0x22: {  	[simem:s7], [sflag:s8] =	dma.local @!p0 [hbm:s6], $0xF7A  }
0x23: {  	s9 =	sor.u32 $0xD0000000, s2;
	s6 =	simm.s32 $0x108;
	_ =	swait.ge @!p0 [sflag:s8], $0x0  }
0x24: {  	s3 =	sadd.s32 $0x88, s3;
	s6 =	simm.s32 @!p1 $0x1082;
	[sflag:s4] =	ssyncset.s32 $0xFFFFF086  }
0x25: {  	[simem:s6], [sflag:s4] =	dma.local [hbm:s3], $0xF7A  }
0x26: {  	[smem:$0x3F9B] =	sst s1;
	(tag) =	ssettag s2;
	_ =	strace s9  }
0x27: {  	s1 =	sld [smem:$0x3FAB]  }
0x28: {  	s2 =	sld [smem:$0x3FAC]  }
0x29: {  	s4 =	sld [smem:$0x3FAE]  }
0x2a: {  	p0 =	seq.s32 s5, $0x0;
	s5 =	sld [smem:$0x3FAF]  }
0x2b: {  	s6 =	sld [smem:$0x3FB0]  }
0x2c: {  	s7 =	sld [smem:$0x3FB1]  }
0x2d: {  	s3 =	simm.s32 $0x108;
	s8 =	sld [smem:$0x3FB2]  }
0x2e: {  	s3 =	simm.s32 @!p0 $0x1082;
	s9 =	sld [smem:$0x3FB3]  }
0x2f: {  	lr =	sadd.s32 s0, s3;
	s0 =	sld [smem:$0x3FAA]  }
0x30: {  	s3 =	sld [smem:$0x3FAD]  }
0x31: {  	[smem:$0x3FB6] =	sst s10  }
0x32: {  	s10 =	sld [smem:$0x3FB4];
	_ =	sdelay $0x3  }
0x33: {  	p0 =	seq.s32 s10, $0x1;
	s10 =	sld [smem:$0x3FB6];
	_ =	sdelay $0x3  }
0x34: {  	[smem:$0x3FB6] =	sst s10  }
0x35: {  	s10 =	sld [smem:$0x3FB5];
	_ =	sdelay $0x3  }
0x36: {  	p1 =	seq.s32 s10, $0x1;
	s10 =	sld [smem:$0x3FB6];
	_ =	sdelay $0x3  }
0x37: {  	[smem:$0x3FB6] =	sst s10  }
0x38: {  	s10 =	sld [smem:$0x3FB7]  }
0x39: {  	_ = 	snop;
	(pc) =	sbr.ind lr, $3  }
0x3a: {  	_ = 	snop  }
0x3b: {  	_ = 	snop  }
0x3c: {  	p2 =	seq.s32 s10, $0x1;
	s10 =	sld [smem:$0x3FB6]  }
0x3d: {  	_ =	shalt  }
0x3e: {  	_ =	shalt  }
0x3f: {  	_ =	shalt  }
0x40: {  	_ =	shalt  }
0x41: {  	_ =	shalt  }
0x42: {  	_ =	shalt  }
0x43: {  	_ =	shalt  }
0x44: {  	_ =	shalt  }
0x45: {  	_ =	shalt  }
0x46: {  	_ =	shalt  }
0x47: {  	_ =	shalt  }
0x48: {  	_ =	shalt  }
0x49: {  	_ =	shalt  }
0x4a: {  	_ =	shalt  }
0x4b: {  	_ =	shalt  }
0x4c: {  	_ =	shalt  }
0x4d: {  	_ =	shalt  }
0x4e: {  	_ =	shalt  }
0x4f: {  	_ =	shalt  }
0x50: {  	_ =	shalt  }
0x51: {  	_ =	shalt  }
0x52: {  	_ =	shalt  }
0x53: {  	_ =	shalt  }
0x54: {  	_ =	shalt  }
0x55: {  	_ =	shalt  }
0x56: {  	_ =	shalt  }
0x57: {  	_ =	shalt  }
0x58: {  	_ =	shalt  }
0x59: {  	_ =	shalt  }
0x5a: {  	_ =	shalt  }
0x5b: {  	_ =	shalt  }
0x5c: {  	_ =	shalt  }
0x5d: {  	_ =	shalt  }
0x5e: {  	_ =	shalt  }
0x5f: {  	_ =	shalt  }
0x60: {  	_ =	shalt  }
0x61: {  	_ =	shalt  }
0x62: {  	_ =	shalt  }
0x63: {  	_ =	shalt  }
0x64: {  	_ =	shalt  }
0x65: {  	_ =	shalt  }
0x66: {  	_ =	shalt  }
0x67: {  	_ =	shalt  }
0x68: {  	_ =	shalt  }
0x69: {  	_ =	shalt  }
0x6a: {  	_ =	shalt  }
0x6b: {  	_ =	shalt  }
0x6c: {  	_ =	shalt  }
0x6d: {  	_ =	shalt  }
0x6e: {  	_ =	shalt  }
0x6f: {  	_ =	shalt  }
0x70: {  	_ =	shalt  }
0x71: {  	_ =	shalt  }
0x72: {  	_ =	shalt  }
0x73: {  	_ =	shalt  }
0x74: {  	_ =	shalt  }
0x75: {  	_ =	shalt  }
0x76: {  	_ =	shalt  }
0x77: {  	_ =	shalt  }
0x78: {  	_ =	shalt  }
0x79: {  	_ =	shalt  }
0x7a: {  	_ =	shalt  }
0x7b: {  	_ =	shalt  }
0x7c: {  	_ =	shalt  }
0x7d: {  	_ =	shalt  }
0x7e: {  	_ =	shalt  }
0x7f: {  	_ =	shalt  }
0x80: {  	_ =	shalt  }
0x81: {  	_ =	shalt  }
0x82: {  	_ =	shalt  }
0x83: {  	_ =	shalt  }
0x84: {  	_ =	shalt  }
0x85: {  	_ =	shalt  }
0x86: {  	_ =	shalt  }
0x87: {  	_ =	shalt  }
.Lfunc_end0:
.L_simem_size_0:
called_computation.1_lowered:
.L_overlay_start_0:
0x88: {  	s0 =	sld [smem:$0x3FD9]  }
0x89: {  	s1 =	sld [smem:$0x3FFE];
	_ =	sdelay $0x3  }
0x8a: {  	s0 =	sadd.s32 s1, s0  }
0x8b: {  	[smem:$0x3FC2] =	sst s0  }
0x8c: {  	_ = 	snop  }
0x8d: {  	s0 =	sld [smem:$0x3FD0];
	_ =	sdelay $0x2  }
0x8e: {  	s13 =	simm.s32 $0xC;
	s2 =	simm.s32 $0x10  }
0x8f: {  	[smem:s2], [sflag:s13] =	dma.local [hbm:s0], $0x1  }
0x90: {  	_ =	swait.eq [sflag:s13], $0x1  }
0x91: {  	[sflag:s13] =	ssyncset.done $0x0  }
0x92: {  	s14 =	sld [smem:$0x12];
	[sflag:s13] =	ssyncadd.s32 $0xFFFFFFFF  }
0x93: {  	s15 =	sld [smem:$0x13];
	(tm) =	ssettm $0x1  }
0x94: {  	s16 =	sld [smem:$0x3FFB];
	_ =	sdelay $0x3  }
0x95: {  	_ =	strace s16  }
0x96: {  	s2 =	sld [smem:$0x3FFC];
	_ =	sdelay $0x3  }
0x97: {  	_ =	strace s2  }
0x98: {  	s2 =	sld [smem:$0x3FFD];
	_ =	sdelay $0x3  }
0x99: {  	_ =	strace s2  }
0x9a: {  	_ =	strace $0x8FFFFFFF  }
0x9b: {  	s17 =	sld [smem:$0x3FDB];
	_ =	sdelay $0x1  }
0x9c: {  	s3 =	simm.s32 $_scs_section_size  }
0x9d: {  	s4 =	simm.s32 $_size__tile_overlayer_lowered;
	s5 =	simm.s32 $_tile_overlayer_lowered  }
0x9e: {  	s20 =	simm.s32 $0x1BFF;
	s19 =	sshll.u32 s5, $0x1;
	s2 =	sadd.s32 s3, s17  }
0x9f: {  	s6 =	simm.s32 $0x0;
	s18 =	sshll.u32 s4, $0x1;
	s4 =	sadd.s32 s19, s2  }
0xa0: {  	[timem:s6], [sflag:s20] =	dma.local [hbm:s4], s18  }
0xa1: {  	_ =	swait.ge [sflag:s20], s18  }
0xa2: {  	s3 =	ssub.s32 $0x0, s18;
	[sflag:s20] =	ssyncset.done $0x0  }
0xa3: {  	[sflag:s20] =	ssyncadd.s32 s3;
	_ =	sdelay $0x1  }
0xa4: {  	s21 =	simm.s32 $0x1B8B  }
0xa5: {  	_ =	swait.ge [sflag:s21], $0x1  }
0xa6: {  	[sflag:s21] =	ssyncset.done $0x0  }
0xa7: {  	s23 =	simm.s32 $0x1B8E;
	s22 =	sld [smem:$0x3FFE];
	[sflag:s21] =	ssyncadd.s32 $0xFFFFFFFF  }
0xa8: {  	s24 =	simm.s32 $execute0_lowered;
	[smem:$0x3FD2] =	sst s23  }
0xa9: {  	s4 =	sshll.u32 s24, $0x1;
	_ =	strace $0x80000046;
	[dreg:$0x1] =	wrdreg $0xFFFFFFFF  }
0xaa: {  	s25 =	simm.s32 $_size_execute0_lowered;
	s2 =	sadd.s32 s2, s4;
	[dreg:$0x0] =	wrdreg $0x0  }
0xab: {  	s4 =	sshll.u32 s25, $0x1;
	[dreg:$0x2] =	wrdreg s2  }
0xac: {  	[dreg:$0x3] =	wrdreg s4  }
0xad: {  	[dreg:$0x4] =	wrdreg $0xC0  }
0xae: {  	_ =	task [dreg:s6], $0x5FFFF  }
0xaf: {  	[dreg:$0x1] =	wrdreg $0xFFFFFFFF  }
0xb0: {  	[dreg:$0x0] =	wrdreg $0x60  }
0xb1: {  	[dreg:$0x2] =	wrdreg s14  }
0xb2: {  	[dreg:$0x3] =	wrdreg s15  }
0xb3: {  	[dreg:$0x4] =	wrdreg s22  }
0xb4: {  	[dreg:$0x5] =	wrdreg $0xA  }
0xb5: {  	_ =	task.clear_ibuf [dreg:s6], $0x6FFFF;
	_ =	strace $0x90000046  }
0xb6: {  	s26 =	simm.s32 $0xA;
	_ =	strace $0x80000048  }
0xb7: {  	_ =	swait.ge [sflag:s26], $0x1  }
0xb8: {  	[sflag:s26] =	ssyncadd.s32 $0xFFFFFFFF  }
0xb9: {  	_ =	strace $0x90000048  }
0xba: {  	_ =	sfence  }
0xbb: {  	s28 =	sld [smem:$0x0];
	_ =	sdelay $0x1  }
0xbc: {  	s29 =	srdreg.scid  }
0xbd: {  	s30 =	sshll.u32 s29, $0xD;
	s31 =	sshrl.u32 s29, $0x2  }
0xbe: {  	s1 =	sand.u32 $0x1, s29;
	s2 =	sand.u32 $0x4000, s30;
	s0 =	sadd.s32 s31, s28  }
0xbf: {  	s1 =	sor.u32 s2, s1;
	s0 =	sshll.u32 s0, $0x11  }
0xc0: {  	s0 =	sor.u32 s0, s1  }
0xc1: {  	s0 =	sadd.s32 $0x8F2B, s0  }
0xc2: {  	[sflag:s0] =	ssyncadd.remote.s32 $0x1  }
0xc3: {  	_ =	sfence.sel $0xFFFF  }
0xc4: {  	[dreg:$0x0] =	wrdreg $0xFFFFFFFF;
	(pc) =	sbr.abs _section_cstart, $3  }
0xc5: {  	[dreg:$0x1] =	wrdreg $0xFFFFFFFF  }
0xc6: {  	_ =	task.clear_ibuf [dreg:s6], $0x2FFFF;
	_ =	strace $0x9FFFFFFF  }
0xc7: {  	(tm) =	ssettm $0x7FFFFFFF  }
tec
execute0_lowered:
.L_overlay_start_1:
0x0: {  	(tag) =	ssettag $0x1  }
0x1: {  	s2 =	rddreg [dreg:$0x0]  }
0x2: {  	s3 =	rddreg [dreg:$0x1]  }
0x3: {  	s8 =	rddreg [dreg:$0x2]  }
0x4: {  	s0 =	rddreg [dreg:$0x3];
	s1 =	stileid.u32;
	_ =	strace $0x80000047  }
0x5: {  	s5 =	simm.s32 $0x1;
	s6 =	simm.s32 $0x500;
	s9 =	simm.s32 $0x1  }
0x6: {  	s10 =	simm.s32 $0x3;
	s13 =	simm.s32 $0x0;
	s4 =	smul.u32 $0x50, s1  }
0x7: {  	s12 =	simm.s32 $0x0;
	p0 =	slt.u32 s1, $0xA;
	[sflag:s5] =	ssyncpa.u1 $0x0  }
.Ltmp0:
0x8: {  	s6 =	simm.s32 @!p0 $0x0;
	s7 =	ssub.s32 $0x7D0, s4;
	(pc) =	sbr.rel .LBB2_1-.Ltmp0, $4  }
0x9: {  	s9 =	simm.s32 @!p0 $0x0;
	p0 =	sne.s32 s7, s6;
	s7 =	simm.s32 $0x1  }
0xa: {  	s8 =	sadd.s32 $0x4200, s8;
	s6 =	simm.s32 $0x2;
	s7 =	simm.s32 @!p0 $0x0  }
0xb: {  	s11 =	smov.u32 s4;
	[sflag:s6] =	ssyncpa.u1 $0x0;
	s7 =	sadd.s32 s9, s7  }
0xc: {  	vm0 =	vmmov $0xffff;
	[sflag:s10] =	ssyncpa.u1 $0x0;
	s10 =	simm.s32 $0x0;
	s9 =	sadd.s32 $0x1, s7  }
.LBB2_4:
0xd: {  	v5 =	vld.msk [tilespmem:s18+$0x0 ss:$0x1], $0xffff  }
0xe: {  	v6 =	vand.u32 $0x1, v1;
	v7 =	vshrl.u32 v1, $0x1  }
0xf: {  	v3 =	vor.u32 v4, v3;
	vm1 =	veq.s32 v1, $0x80000000;
	v53 =	vand.u32 $0x3FF, v7  }
0x10: {  	v2 =	vor.u32 v2, v3;
	v54 =	vsel vm1, $0xFFFFFFFF, v6;
	v1 =	vsel vm1, $0xFFFFFFFF, v53  }
0x11: {  	v6 =	vshll.u32 v54, $0x7;
	v3 =	vand.u32 $0xFFFFF800, v54;
	v55 =	vand.u32 $0x7F, v1  }
0x12: {  	v1 =	vshll.u32 v1, $0x1;
	v6 =	vand.u32 $0x80, v6;
	v56 =	vshrl.u32 v5, $0x1  }
0x13: {  	v1 =	vand.u32 $0xFFFFFF00, v1;
	vm1 =	veq.s32 v5, $0x80000000;
	v57 =	vand.u32 $0x3FF, v56  }
0x14: {  	v1 =	vadd.s32 v3, v1;
	v5 =	vand.u32 $0x1, v5;
	v3 =	vsel vm1, $0xFFFFFFFF, v57  }
0x15: {  	v1 =	vor.u32 v6, v1;
	v5 =	vsel vm1, $0xFFFFFFFF, v5;
	v58 =	vshll.u32 v3, $0x1  }
0x16: {  	v59 =	vshll.u32 v5, $0x7;
	v5 =	vand.u32 $0xFFFFF800, v5;
	v6 =	vand.u32 $0xFFFFFF00, v58  }
0x17: {  	v1 =	vor.u32 v55, v1;
	v61 =	vand.u32 $0x80, v59;
	v60 =	vadd.s32 v5, v6  }
0x18: {  	[tilespmem:s16], [sflag:$0x1] =	stream.indirect_vreg.gather [hbm4b:s2+s10], $0x1, v0, vm0, $0x4038;
	v62 =	vand.u32 $0x7F, v3;
	v63 =	vor.u32 v61, v60;
	[tilespmem:$0x140] =	vst v63  }
0x19: {  	(ifvalue) =	ssetifvalue $0x7FFFFFFF;
	v0 =	vor.u32 v62, v63  }
0x1a: {  	[tilespmem:s15], [sflag:$0x1] =	stream.indirect_vreg.gather [hbm4b:s2+s10], $0x1, v2, vm0, $0x4038;
	[tilespmem:$0x140] =	vst v63  }
0x1b: {  	s29 =	sadd.s32 $0x10, s15;
	(ifvalue) =	ssetifvalue $0x7FFFFFFF  }
0x1c: {  	[tilespmem:s29], [sflag:$0x1] =	stream.indirect_vreg.gather [hbm4b:s2+s10], $0x1, v1, vm0, $0x4038;
	[tilespmem:$0x140] =	vst v63  }
0x1d: {  	s15 =	sadd.s32 $0x10, s29;
	(ifvalue) =	ssetifvalue $0x7FFFFFFF  }
0x1e: {  	[tilespmem:s15], [sflag:$0x1] =	stream.indirect_vreg.gather [hbm4b:s2+s10], $0x1, v0, vm0, $0x4038;
	[tilespmem:$0x140] =	vst v63  }
0x1f: {  	_ =	swait.ge [sflag:s5], $0x50  }
0x20: {  	s30 =	sshrl.u32 s13, $0x3;
	[sflag:s5] =	ssyncset.done $0x0  }
0x21: {  	s31 =	sand.u32 $0x7, s13;
	s15 =	sadd.s32 s8, s30;
	[sflag:s5] =	ssyncadd.s32 $0xFFFFFFB0  }
0x22: {  	[hbm4b:s15+s31] =	stream.linear.scatter [tilespmem:s14], [sflag:$0x3], $0x50, $0x38;
	[tilespmem:$0x140] =	vst v63  }
.LBB2_5:
0x23: {  	s15 =	sadd.s32 $0x500, s11  }
0x24: {  	p1 =	sgt.s32 s15, $0x7CF  }
0x25: {  	s15 =	smov.u32 @p1 s4;
	p1 =	sne.s32 s12, s9  }
.Ltmp1:
0x26: {  	p0 =	slt.u32 s12, $0x2;
	(pc) =	sbr.rel @!p1 .LBB2_6-.Ltmp1, $4  }
0x27: {  	s14 =	simm.s32 @!p0 $0x3  }
0x28: {  	_ =	swait.ge @!p0 [sflag:s14], $0x50  }
0x29: {  	s16 =	sadd.s32 $0x1, s12;
	s13 =	smov.u32 s11;
	[sflag:s14] =	ssyncset.done @!p0 $0x0  }
0x2a: {  	s12 =	smov.u32 s16;
	s11 =	smov.u32 s15;
	[sflag:s14] =	ssyncadd.s32 @!p0 $0xFFFFFFB0  }
.LBB2_1:
0x2b: {  	p0 =	sge.u32 s12, s7  }
0x2c: {  	s14 =	sxor.u32 @!p0 $0x1, s12  }
0x2d: {  	s14 =	smul.u32 @!p0 $0x140, s14  }
0x2e: {  	s31 =	sadd.s32 $0xFFFFFFFF, s12;
	s15 =	sshrl.u32 @!p0 s11, $0x3  }
0x2f: {  	s16 =	sand.u32 @!p0 $0x7, s11;
	s15 =	sadd.s32 @!p0 s3, s15;
	s14 =	sshra.s32 @!p0 s14, $0x2  }
0x30: {  	[tilespmem:s14], [sflag:$0x2] =	stream.linear.gather @!p0 [hbm4b:s15+s16], $0x50, $0x38;
	[tilespmem:$0x140] =	vst v63  }
0x31: {  	p0 =	sge.u32 s31, s7  }
.Ltmp2:
0x32: {  	_ = 	snop;
	(pc) =	sbr.rel @p0 .LBB2_5-.Ltmp2, $1  }
0x33: {  	_ =	sdelay $0x3  }
0x34: {  	s14 =	sand.u32 $0x1, s12  }
0x35: {  	_ =	swait.ge [sflag:s6], $0x50;
	p0 =	seq.s32 s14, $0x1;
	s14 =	simm.s32 $0x50  }
0x36: {  	[sflag:s6] =	ssyncset.done $0x0;
	s14 =	simm.s32 @!p0 $0x0  }
0x37: {  	[sflag:s6] =	ssyncadd.s32 $0xFFFFFFB0;
	(ifvalue) =	ssetifvalue $0x7FFFFFFF;
	v0 =	vld.msk [tilespmem:s14+$0x0 ss:$0x1], $0xffff;
	_ =	sdelay $0x4  }
0x38: {  	s15 =	sadd.s32 $0x10, s14;
	v2 =	vshrl.u32 v0, $0x1  }
0x39: {  	v1 =	vld.msk [tilespmem:s15+$0x0 ss:$0x1], $0xffff;
	vm1 =	veq.s32 v0, $0x80000000;
	v2 =	vand.u32 $0x3FF, v2  }
0x3a: {  	v0 =	vand.u32 $0x1, v0;
	v2 =	vsel vm1, $0xFFFFFFFF, v2  }
0x3b: {  	v0 =	vsel vm1, $0xFFFFFFFF, v0;
	v3 =	vshll.u32 v2, $0x1  }
0x3c: {  	v4 =	vand.u32 $0xFFFFF800, v0;
	v0 =	vshll.u32 v0, $0x7;
	v3 =	vand.u32 $0xFFFFFF00, v3  }
0x3d: {  	v0 =	vand.u32 $0x80, v0;
	v3 =	vadd.s32 v4, v3  }
0x3e: {  	v2 =	vand.u32 $0x7F, v2;
	v4 =	vshrl.u32 v1, $0x1;
	v0 =	vor.u32 v0, v3  }
0x3f: {  	vm1 =	veq.s32 v1, $0x80000000;
	v4 =	vand.u32 $0x3FF, v4;
	v0 =	vor.u32 v2, v0  }
0x40: {  	s15 =	sadd.s32 $0x10, s15;
	v1 =	vand.u32 $0x1, v1;
	v3 =	vsel vm1, $0xFFFFFFFF, v4  }
0x41: {  	s14 =	sor.u32 $0xA0, s14;
	v2 =	vsel vm1, $0xFFFFFFFF, v1;
	v1 =	vld.msk [tilespmem:s15+$0x0 ss:$0x1], $0xffff;
	v4 =	vshll.u32 v3, $0x1  }
0x42: {  	s17 =	simm.s32 $0x30;
	s16 =	smov.u32 s14;
	v5 =	vshll.u32 v2, $0x7;
	v6 =	vand.u32 $0xFFFFF800, v2;
	v4 =	vand.u32 $0xFFFFFF00, v4  }
0x43: {  	s18 =	sadd.s32 $0x10, s15;
	(ifvalue) =	ssetifvalue $0x7FFFFFFF;
	s15 =	sadd.s32 $0x10, s14;
	v2 =	vand.u32 $0x7F, v3;
	v3 =	vadd.s32 v6, v4;
	v4 =	vand.u32 $0x80, v5  }
.LBB2_3:
0x44: {  	[tilespmem:s16], [sflag:$0x1] =	stream.indirect_vreg.gather [hbm4b:s2+s10], $0x1, v0, vm0, $0x4038;
	[tilespmem:$0x140] =	vst v63  }
0x45: {  	s17 =	sadd.s32 $0x10, s17  }
0x46: {  	v5 =	vand.u32 $0x1, v1;
	v6 =	vshrl.u32 v1, $0x1;
	v3 =	vor.u32 v4, v3;
	v0 =	vmovc v1;
	v1 =	vld.msk [tilespmem:s18+$0x0 ss:$0x1], $0xffff;
	p0 =	slt.u32 s17, $0x40  }
.Ltmp3:
0x47: {  	s16 =	smov.u32 s15;
	vm1 =	veq.s32 v0, $0x80000000;
	v4 =	vand.u32 $0x3FF, v6;
	v0 =	vor.u32 v2, v3;
	(pc) =	sbr.rel @p0 .LBB2_3-.Ltmp3, $4  }
0x48: {  	v3 =	vsel vm1, $0xFFFFFFFF, v5;
	v4 =	vsel vm1, $0xFFFFFFFF, v4  }
0x49: {  	v2 =	vand.u32 $0x7F, v4;
	v4 =	vshll.u32 v4, $0x1;
	v5 =	vshll.u32 v3, $0x7  }
0x4a: {  	v3 =	vand.u32 $0xFFFFF800, v3;
	v4 =	vand.u32 $0xFFFFFF00, v4  }
0x4b: {  	s18 =	sadd.s32 $0x10, s18;
	s15 =	sadd.s32 $0x10, s15;
	v3 =	vadd.s32 v3, v4;
	v4 =	vand.u32 $0x80, v5;
	(ifvalue) =	ssetifvalue $0x7FFFFFFF  }
.Ltmp4:
0x4c: {  	_ = 	snop;
	(pc) =	sbr.rel .LBB2_4-.Ltmp4, $1  }
0x4d: {  	_ =	sdelay $0x3  }
.LBB2_6:
0x4e: {  	_ =	sfence.sel $0x180000  }
0x4f: {  	s2 =	simm.s32 $0x2;
	[bflag:$0x0] =	sbarrier.arrive $0xFFFF  }
0x50: {  	s30 =	simm.s32 $0x3;
	[sflag:s2] =	ssyncpa.u1 $0x1  }
0x51: {  	s31 =	simm.s32 $0x1;
	[sflag:s30] =	ssyncpa.u1 $0x1  }
0x52: {  	[sflag:s31] =	ssyncpa.u1 $0x1  }
0x53: {  	p0 =	sne.s32 s1, $0x0;
	_ =	strace $0x90000047  }
0x54: {  	s0 =	sadd.s32 @!p0 $0x100000, s0;
	[bflag:$0x2] =	sbarrier.arrive $0xFFFF  }
0x55: {  	[sflag:s0] =	ssyncadd.tile.s32 @!p0 $0x1;
	_ =	shalt  }
.Lfunc_end2:
_tile_overlayer_lowered:
.L_overlay_start_2:
0x56: {  	(tag) =	ssettag $0x2  }
0x57: {  	s0 =	rddreg [dreg:$0x0];
	s2 =	stileid.u32  }
0x58: {  	s1 =	rddreg [dreg:$0x1];
	p0 =	sne.s32 s2, $0x0  }
0x59: {  	s3 =	rddreg [dreg:$0x2];
	[bflag:$0x3] =	sbarrier.arrive $0xFFFF;
	s2 =	simm.s32 @!p0 $0x1C01  }
0x5a: {  	[timem:s3], [sflag:s2] =	dma.local @!p0 [hbm:s0], s1  }
0x5b: {  	s0 =	simm.s32 @!p0 $0x1  }
0x5c: {  	_ =	swait.ge @!p0 [sflag:s0], s1  }
0x5d: {  	s1 =	ssub.s32 @!p0 $0x0, s1;
	[sflag:s0] =	ssyncset.done @!p0 $0x0  }
0x5e: {  	[sflag:s0] =	ssyncadd.s32 @!p0 s1  }
0x5f: {  	[bflag:$0x3] =	sbarrier.arrive $0xFFFF  }
0x60: {  	_ =	shalt  }

// kernel: kernel.3.cloned.1.call-start
scs
__scs_entry_jumppad:
0x0: {  	(pc) =	sbr.rel $0x88, $3  }
0x1: {  	(tag) =	ssettag $0x0;
	lr =	simm.s32 $0x1  }
0x2: {  	[smem:$0x3F9B] =	sst lr;
	_ =	strace $0xD0000000  }
0x3: {  	_ = 	snop  }
0x4: {  	_ = 	snop  }
0x5: {  	_ = 	snop  }
0x6: {  	_ = 	snop  }
0x7: {  	_ = 	snop  }
__scs_overlays_trampoline_lowered:
0x8: {  	[smem:$0x3FAA] =	sst s0  }
0x9: {  	[smem:$0x3FAB] =	sst s1  }
0xa: {  	[smem:$0x3FAC] =	sst s2  }
0xb: {  	[smem:$0x3FAD] =	sst s3  }
0xc: {  	[smem:$0x3FAE] =	sst s4  }
0xd: {  	[smem:$0x3FAF] =	sst s5  }
0xe: {  	[smem:$0x3FB0] =	sst s6  }
0xf: {  	[smem:$0x3FB1] =	sst s7  }
0x10: {  	[smem:$0x3FB2] =	sst s8  }
0x11: {  	[smem:$0x3FB3] =	sst s9;
	s0 =	simm.s32 @!p0 $0x0  }
0x12: {  	s1 =	sld [smem:$0x3F99];
	s0 =	simm.s32 @p0 $0x1  }
0x13: {  	[smem:$0x3FB4] =	sst s0;
	s0 =	simm.s32 @!p1 $0x0  }
0x14: {  	s2 =	sld [smem:$0x3F98];
	s0 =	simm.s32 @p1 $0x1  }
0x15: {  	[smem:$0x3FB5] =	sst s0;
	s0 =	simm.s32 @!p2 $0x0  }
0x16: {  	s3 =	sld [smem:$0x3FDB];
	s0 =	simm.s32 @p2 $0x1  }
0x17: {  	s4 =	simm.s32 $0x1BF5;
	[smem:$0x3FB7] =	sst s0  }
0x18: {  	s0 =	sld [smem:$0x3F9A];
	_ =	swait.ge [sflag:s4], $0x0  }
0x19: {  	s7 =	sld [smem:$0x3F9B]  }
0x1a: {  	s8 =	sadd.s32 $0xFFFFE003, lr  }
0x1b: {  	s9 =	sadd.s32 $0xFFFFFEF7, lr;
	s5 =	simm.s32 $0xFFFFFFFF;
	p2 =	slt.u32 s8, $0xFFFFF086  }
0x1c: {  	p1 =	slt.u32 s9, $0xF7A;
	s5 =	simm.s32 @!p2 $0x0  }
0x1d: {  	s5 =	simm.s32 @p1 $0x1;
	p0 =	seq.s32 s7, s2  }
0x1e: {  	s7 =	smul.u32 @!p0 $0xF7A, s2;
	p2 =	seq.s32 @!p0 s5, $0x0  }
0x1f: {  	s9 =	smul.u32 $0xF7A, s1;
	s8 =	simm.s32 @!p0 $0x1BF5;
	p2 =	por !p2, p0  }
0x20: {  	[sflag:s8] =	ssyncset.s32 @!p0 $0xFFFFF086;
	s6 =	sadd.s32 @!p0 s3, s7;
	s7 =	simm.s32 @!p0 $0x108  }
0x21: {  	s3 =	sadd.s32 s3, s9;
	s6 =	sadd.s32 @!p0 $0x88, s6;
	s7 =	simm.s32 @p2 $0x1082  }
0x22: {  	[simem:s7], [sflag:s8] =	dma.local @!p0 [hbm:s6], $0xF7A  }
0x23: {  	s9 =	sor.u32 $0xD0000000, s2;
	s6 =	simm.s32 $0x108;
	_ =	swait.ge @!p0 [sflag:s8], $0x0  }
0x24: {  	s3 =	sadd.s32 $0x88, s3;
	s6 =	simm.s32 @!p1 $0x1082;
	[sflag:s4] =	ssyncset.s32 $0xFFFFF086  }
0x25: {  	[simem:s6], [sflag:s4] =	dma.local [hbm:s3], $0xF7A  }
0x26: {  	[smem:$0x3F9B] =	sst s1;
	(tag) =	ssettag s2;
	_ =	strace s9  }
0x27: {  	s1 =	sld [smem:$0x3FAB]  }
0x28: {  	s2 =	sld [smem:$0x3FAC]  }
0x29: {  	s4 =	sld [smem:$0x3FAE]  }
0x2a: {  	p0 =	seq.s32 s5, $0x0;
	s5 =	sld [smem:$0x3FAF]  }
0x2b: {  	s6 =	sld [smem:$0x3FB0]  }
0x2c: {  	s7 =	sld [smem:$0x3FB1]  }
0x2d: {  	s3 =	simm.s32 $0x108;
	s8 =	sld [smem:$0x3FB2]  }
0x2e: {  	s3 =	simm.s32 @!p0 $0x1082;
	s9 =	sld [smem:$0x3FB3]  }
0x2f: {  	lr =	sadd.s32 s0, s3;
	s0 =	sld [smem:$0x3FAA]  }
0x30: {  	s3 =	sld [smem:$0x3FAD]  }
0x31: {  	[smem:$0x3FB6] =	sst s10  }
0x32: {  	s10 =	sld [smem:$0x3FB4];
	_ =	sdelay $0x3  }
0x33: {  	p0 =	seq.s32 s10, $0x1;
	s10 =	sld [smem:$0x3FB6];
	_ =	sdelay $0x3  }
0x34: {  	[smem:$0x3FB6] =	sst s10  }
0x35: {  	s10 =	sld [smem:$0x3FB5];
	_ =	sdelay $0x3  }
0x36: {  	p1 =	seq.s32 s10, $0x1;
	s10 =	sld [smem:$0x3FB6];
	_ =	sdelay $0x3  }
0x37: {  	[smem:$0x3FB6] =	sst s10  }
0x38: {  	s10 =	sld [smem:$0x3FB7]  }
0x39: {  	_ = 	snop;
	(pc) =	sbr.ind lr, $3  }
0x3a: {  	_ = 	snop  }
0x3b: {  	_ = 	snop  }
0x3c: {  	p2 =	seq.s32 s10, $0x1;
	s10 =	sld [smem:$0x3FB6]  }
0x3d: {  	_ =	shalt  }
0x3e: {  	_ =	shalt  }
0x3f: {  	_ =	shalt  }
0x40: {  	_ =	shalt  }
0x41: {  	_ =	shalt  }
0x42: {  	_ =	shalt  }
0x43: {  	_ =	shalt  }
0x44: {  	_ =	shalt  }
0x45: {  	_ =	shalt  }
0x46: {  	_ =	shalt  }
0x47: {  	_ =	shalt  }
0x48: {  	_ =	shalt  }
0x49: {  	_ =	shalt  }
0x4a: {  	_ =	shalt  }
0x4b: {  	_ =	shalt  }
0x4c: {  	_ =	shalt  }
0x4d: {  	_ =	shalt  }
0x4e: {  	_ =	shalt  }
0x4f: {  	_ =	shalt  }
0x50: {  	_ =	shalt  }
0x51: {  	_ =	shalt  }
0x52: {  	_ =	shalt  }
0x53: {  	_ =	shalt  }
0x54: {  	_ =	shalt  }
0x55: {  	_ =	shalt  }
0x56: {  	_ =	shalt  }
0x57: {  	_ =	shalt  }
0x58: {  	_ =	shalt  }
0x59: {  	_ =	shalt  }
0x5a: {  	_ =	shalt  }
0x5b: {  	_ =	shalt  }
0x5c: {  	_ =	shalt  }
0x5d: {  	_ =	shalt  }
0x5e: {  	_ =	shalt  }
0x5f: {  	_ =	shalt  }
0x60: {  	_ =	shalt  }
0x61: {  	_ =	shalt  }
0x62: {  	_ =	shalt  }
0x63: {  	_ =	shalt  }
0x64: {  	_ =	shalt  }
0x65: {  	_ =	shalt  }
0x66: {  	_ =	shalt  }
0x67: {  	_ =	shalt  }
0x68: {  	_ =	shalt  }
0x69: {  	_ =	shalt  }
0x6a: {  	_ =	shalt  }
0x6b: {  	_ =	shalt  }
0x6c: {  	_ =	shalt  }
0x6d: {  	_ =	shalt  }
0x6e: {  	_ =	shalt  }
0x6f: {  	_ =	shalt  }
0x70: {  	_ =	shalt  }
0x71: {  	_ =	shalt  }
0x72: {  	_ =	shalt  }
0x73: {  	_ =	shalt  }
0x74: {  	_ =	shalt  }
0x75: {  	_ =	shalt  }
0x76: {  	_ =	shalt  }
0x77: {  	_ =	shalt  }
0x78: {  	_ =	shalt  }
0x79: {  	_ =	shalt  }
0x7a: {  	_ =	shalt  }
0x7b: {  	_ =	shalt  }
0x7c: {  	_ =	shalt  }
0x7d: {  	_ =	shalt  }
0x7e: {  	_ =	shalt  }
0x7f: {  	_ =	shalt  }
0x80: {  	_ =	shalt  }
0x81: {  	_ =	shalt  }
0x82: {  	_ =	shalt  }
0x83: {  	_ =	shalt  }
0x84: {  	_ =	shalt  }
0x85: {  	_ =	shalt  }
0x86: {  	_ =	shalt  }
0x87: {  	_ =	shalt  }
.Lfunc_end0:
.L_simem_size_0:
called_computation.3_lowered:
.L_overlay_start_0:
0x88: {  	s2 =	sld [smem:$0x3FD9]  }
0x89: {  	s3 =	sld [smem:$0x3FFE];
	_ =	sdelay $0x1  }
0x8a: {  	s1 =	srdreg.scid  }
0x8b: {  	s0 =	sand.u32 $0x1, s1  }
0x8c: {  	s14 =	sshll.u32 s0, $0xA;
	s2 =	sadd.s32 s3, s2  }
0x8d: {  	s2 =	sadd.s32 s2, s14  }
0x8e: {  	[smem:$0x3FC2] =	sst s2  }
0x8f: {  	_ = 	snop  }
0x90: {  	s2 =	sld [smem:$0x3FD0];
	_ =	sdelay $0x2  }
0x91: {  	s15 =	simm.s32 $0xC;
	s4 =	simm.s32 $0x10  }
0x92: {  	[smem:s4], [sflag:s15] =	dma.local [hbm:s2], $0x1  }
0x93: {  	_ =	swait.eq [sflag:s15], $0x1  }
0x94: {  	[sflag:s15] =	ssyncset.done $0x0  }
0x95: {  	s16 =	sld [smem:$0x10];
	[sflag:s15] =	ssyncadd.s32 $0xFFFFFFFF  }
0x96: {  	s17 =	sld [smem:$0x11];
	(tm) =	ssettm $0x1  }
0x97: {  	s18 =	sld [smem:$0x3FFB];
	_ =	sdelay $0x3  }
0x98: {  	_ =	strace s18  }
0x99: {  	s4 =	sld [smem:$0x3FFC];
	_ =	sdelay $0x3  }
0x9a: {  	_ =	strace s4  }
0x9b: {  	s4 =	sld [smem:$0x3FFD];
	_ =	sdelay $0x3  }
0x9c: {  	_ =	strace s4  }
0x9d: {  	_ =	strace $0x8FFFFFFF  }
0x9e: {  	s19 =	sld [smem:$0x3FDB];
	_ =	sdelay $0x1  }
0x9f: {  	s5 =	simm.s32 $_scs_section_size  }
0xa0: {  	s6 =	simm.s32 $_size__tile_overlayer_lowered;
	s7 =	simm.s32 $_tile_overlayer_lowered  }
0xa1: {  	s22 =	simm.s32 $0x1BFF;
	s21 =	sshll.u32 s7, $0x1;
	s4 =	sadd.s32 s5, s19  }
0xa2: {  	s8 =	simm.s32 $0x0;
	s20 =	sshll.u32 s6, $0x1;
	s6 =	sadd.s32 s21, s4  }
0xa3: {  	[timem:s8], [sflag:s22] =	dma.local [hbm:s6], s20  }
0xa4: {  	_ =	swait.ge [sflag:s22], s20  }
0xa5: {  	s5 =	ssub.s32 $0x0, s20;
	[sflag:s22] =	ssyncset.done $0x0  }
0xa6: {  	[sflag:s22] =	ssyncadd.s32 s5;
	_ =	sdelay $0x1  }
0xa7: {  	s23 =	simm.s32 $0x1B8B  }
0xa8: {  	_ =	swait.ge [sflag:s23], $0x1  }
0xa9: {  	[sflag:s23] =	ssyncset.done $0x0  }
0xaa: {  	s25 =	simm.s32 $0x1B8E;
	s24 =	sld [smem:$0x3FFE];
	[sflag:s23] =	ssyncadd.s32 $0xFFFFFFFF  }
0xab: {  	s26 =	simm.s32 $execute0_lowered;
	[smem:$0x3FD2] =	sst s25  }
0xac: {  	s6 =	sshll.u32 s26, $0x1;
	_ =	strace $0x8000004F;
	[dreg:$0x1] =	wrdreg $0xFFFFFFFF  }
0xad: {  	s28 =	simm.s32 $_size_execute0_lowered;
	s4 =	sadd.s32 s4, s6;
	[dreg:$0x0] =	wrdreg $0x0  }
0xae: {  	s6 =	sshll.u32 s28, $0x1;
	[dreg:$0x2] =	wrdreg s4  }
0xaf: {  	[dreg:$0x3] =	wrdreg s6  }
0xb0: {  	[dreg:$0x4] =	wrdreg $0xC0  }
0xb1: {  	_ =	task [dreg:s8], $0x5FFFF  }
0xb2: {  	[dreg:$0x1] =	wrdreg $0xFFFFFFFF  }
0xb3: {  	[dreg:$0x0] =	wrdreg $0x60  }
0xb4: {  	[dreg:$0x2] =	wrdreg s24  }
0xb5: {  	[dreg:$0x3] =	wrdreg s17  }
0xb6: {  	[dreg:$0x4] =	wrdreg s16  }
0xb7: {  	[dreg:$0x5] =	wrdreg $0x9  }
0xb8: {  	_ =	task.clear_ibuf [dreg:s8], $0x6FFFF;
	_ =	strace $0x9000004F  }
0xb9: {  	s29 =	simm.s32 $0x9;
	_ =	strace $0x80000051  }
0xba: {  	_ =	swait.ge [sflag:s29], $0x1  }
0xbb: {  	[sflag:s29] =	ssyncadd.s32 $0xFFFFFFFF  }
0xbc: {  	_ =	strace $0x90000051  }
0xbd: {  	_ =	sfence  }
0xbe: {  	s30 =	sld [smem:$0x0];
	_ =	sdelay $0x2  }
0xbf: {  	s31 =	sshll.u32 s1, $0xD;
	s1 =	sshrl.u32 s1, $0x2  }
0xc0: {  	s3 =	sand.u32 $0x4000, s31;
	s1 =	sadd.s32 s1, s30  }
0xc1: {  	s0 =	sor.u32 s3, s0;
	s1 =	sshll.u32 s1, $0x11  }
0xc2: {  	s0 =	sor.u32 s1, s0  }
0xc3: {  	s0 =	sadd.s32 $0x8F2B, s0  }
0xc4: {  	[sflag:s0] =	ssyncadd.remote.s32 $0x1  }
0xc5: {  	_ =	sfence.sel $0xFFFF  }
0xc6: {  	[dreg:$0x0] =	wrdreg $0xFFFFFFFF;
	(pc) =	sbr.abs _section_cstart, $3  }
0xc7: {  	[dreg:$0x1] =	wrdreg $0xFFFFFFFF  }
0xc8: {  	_ =	task.clear_ibuf [dreg:s8], $0x2FFFF;
	_ =	strace $0x9FFFFFFF  }
0xc9: {  	(tm) =	ssettm $0x7FFFFFFF  }
tec
execute0_lowered:
.L_overlay_start_1:
0x0: {  	(tag) =	ssettag $0x1  }
0x1: {  	s0 =	rddreg [dreg:$0x0]  }
0x2: {  	s2 =	rddreg [dreg:$0x1]  }
0x3: {  	s3 =	rddreg [dreg:$0x2]  }
0x4: {  	s1 =	srdreg.scid;
	s5 =	stileid.u32;
	s4 =	simm.s32 $0x0  }
0x5: {  	s12 =	simm.s32 $0x3;
	s14 =	simm.s32 $0x70;
	s28 =	simm.s32 $0x310  }
0x6: {  	s15 =	simm.s32 $0x460;
	s16 =	simm.s32 $0x12440;
	s17 =	simm.s32 $0x4D0  }
0x7: {  	s18 =	simm.s32 $0x14040;
	s19 =	simm.s32 $0x540;
	s20 =	simm.s32 $0x15C40  }
0x8: {  	s21 =	simm.s32 $0x5B0;
	s1 =	sand.u32 $0x1, s1;
	s5 =	sshll.u32 s5, $0x1  }
0x9: {  	s22 =	simm.s32 $0x17840;
	s23 =	simm.s32 $0x1;
	s5 =	sor.u32 s1, s5  }
0xa: {  	s24 =	simm.s32 $0x19440;
	[smem:$0x7FF] =	sst s4;
	s8 =	smul.u32 $0x62, s5  }
0xb: {  	s6 =	sadd.s32 $0x4200, s0;
	s7 =	sadd.s32 $0x158200, s0;
	s1 =	ssub.s32 $0x2, s1  }
0xc: {  	_ =	strace $0x80000050;
	s29 =	sshrl.u32 s1, $0x1;
	s30 =	sadd.s32 s2, s8  }
0xd: {  	s0 =	ssub.s32 s1, s29;
	s31 =	sadd.s32 s3, s8;
	[dreg:$0x4] =	wrdreg s30  }
0xe: {  	s25 =	simm.s32 $0x2;
	s0 =	smax.u32 s0, $0x1;
	[dreg:$0x5] =	wrdreg s31  }
0xf: {  	s10 =	sor.u32 $0x40, s5;
	s1 =	simm.s32 $0x0;
	[dreg:$0x6] =	wrdreg s0  }
.LBB2_1:
0x10: {  	[dreg:$0x7] =	wrdreg s1  }
0x11: {  	s0 =	rddreg [dreg:$0x4]  }
0x12: {  	[tilespmem:s4], [sflag:$0x3] =	stream.linear.gather [hbm4b:s0+s4], $0x310, $0x38;
	[tilespmem:$0x1A080] =	vst v63  }
0x13: {  	_ =	swait.ge [sflag:s12], $0x310  }
0x14: {  	[sflag:s12] =	ssyncset.done $0x0  }
0x15: {  	s13 =	simm.s32 $0x620;
	s11 =	rddreg [dreg:$0x5];
	[sflag:s12] =	ssyncadd.s32 $0xFFFFFCF0  }
0x16: {  	[tilespmem:s13], [sflag:$0x3] =	stream.linear.gather [hbm4b:s11+s4], $0x310, $0x38;
	[tilespmem:$0x1A080] =	vst v63  }
0x17: {  	_ =	swait.ge [sflag:s12], $0x310  }
0x18: {  	[sflag:s12] =	ssyncset.done $0x0  }
0x19: {  	s26 =	simm.s32 $0xC40;
	[sflag:s12] =	ssyncadd.s32 $0xFFFFFCF0  }
0x1a: {  	[tilespmem:s26], [sflag:$0x1] =	stream.indirect.gather [hbm4b:s6+s14], $0x40, s4, s14, $0xb8;
	[tilespmem:$0x1A080] =	vst v63  }
0x1b: {  	s29 =	simm.s32 $0x2840  }
0x1c: {  	[tilespmem:s29], [sflag:$0x1] =	stream.indirect.gather [hbm4b:s6+s14], $0x40, s14, s14, $0xb8;
	[tilespmem:$0x1A080] =	vst v63  }
0x1d: {  	s30 =	simm.s32 $0xE0;
	s31 =	simm.s32 $0x4440  }
0x1e: {  	[tilespmem:s31], [sflag:$0x1] =	stream.indirect.gather [hbm4b:s6+s14], $0x40, s30, s14, $0xb8;
	[tilespmem:$0x1A080] =	vst v63  }
0x1f: {  	s8 =	simm.s32 $0x150;
	s9 =	simm.s32 $0x6040  }
0x20: {  	[tilespmem:s9], [sflag:$0x1] =	stream.indirect.gather [hbm4b:s6+s14], $0x40, s8, s14, $0xb8;
	[tilespmem:$0x1A080] =	vst v63  }
0x21: {  	s11 =	simm.s32 $0x1C0;
	s13 =	simm.s32 $0x7C40  }
0x22: {  	[tilespmem:s13], [sflag:$0x1] =	stream.indirect.gather [hbm4b:s6+s14], $0x40, s11, s14, $0xb8;
	[tilespmem:$0x1A080] =	vst v63  }
0x23: {  	s26 =	simm.s32 $0x230;
	s29 =	simm.s32 $0x9840  }
0x24: {  	[tilespmem:s29], [sflag:$0x1] =	stream.indirect.gather [hbm4b:s6+s14], $0x40, s26, s14, $0xb8;
	[tilespmem:$0x1A080] =	vst v63  }
0x25: {  	s30 =	simm.s32 $0x2A0;
	s31 =	simm.s32 $0xB440;
	s8 =	simm.s32 $0x0  }
0x26: {  	[tilespmem:s31], [sflag:$0x1] =	stream.indirect.gather [hbm4b:s6+s14], $0x40, s30, s14, $0xb8;
	[tilespmem:$0x1A080] =	vst v63  }
.LBB2_2:
0x27: {  	s11 =	sshll.u32 s8, $0x6  }
0x28: {  	s26 =	sor.u32 s5, s11  }
0x29: {  	s9 =	sor.u32 $0x20, s26  }
0x2a: {  	s0 =	smul.u32 $0x62, s9;
	_ =	sdelay $0x1  }
0x2b: {  	s13 =	simm.s32 $0x0;
	s1 =	sadd.s32 s2, s0  }
0x2c: {  	[tilespmem:s28], [sflag:$0x3] =	stream.linear.gather [hbm4b:s1+s13], $0x310, $0x38;
	[tilespmem:$0x1A080] =	vst v63  }
0x2d: {  	_ =	swait.ge [sflag:s12], $0x310  }
0x2e: {  	[sflag:s12] =	ssyncset.done $0x0  }
0x2f: {  	s0 =	sadd.s32 s3, s0;
	s1 =	simm.s32 $0x930;
	[sflag:s12] =	ssyncadd.s32 $0xFFFFFCF0  }
0x30: {  	[tilespmem:s1], [sflag:$0x3] =	stream.linear.gather [hbm4b:s0+s13], $0x310, $0x38;
	[tilespmem:$0x1A080] =	vst v63  }
0x31: {  	_ =	swait.ge [sflag:s12], $0x310  }
0x32: {  	[sflag:s12] =	ssyncset.done $0x0  }
0x33: {  	s13 =	simm.s32 $0xD040;
	[sflag:s12] =	ssyncadd.s32 $0xFFFFFCF0  }
0x34: {  	[tilespmem:s13], [sflag:$0x2] =	stream.indirect.gather [hbm4b:s6+s14], $0x40, s28, s14, $0xb8;
	[tilespmem:$0x1A080] =	vst v63  }
0x35: {  	s1 =	simm.s32 $0x380;
	s13 =	simm.s32 $0xEC40  }
0x36: {  	[tilespmem:s13], [sflag:$0x2] =	stream.indirect.gather [hbm4b:s6+s14], $0x40, s1, s14, $0xb8;
	[tilespmem:$0x1A080] =	vst v63  }
0x37: {  	s1 =	simm.s32 $0x3F0;
	s13 =	simm.s32 $0x10840  }
0x38: {  	[tilespmem:s13], [sflag:$0x2] =	stream.indirect.gather [hbm4b:s6+s14], $0x40, s1, s14, $0xb8;
	[tilespmem:$0x1A080] =	vst v63  }
0x39: {  	_ = 	snop  }
0x3a: {  	[tilespmem:s16], [sflag:$0x2] =	stream.indirect.gather [hbm4b:s6+s14], $0x40, s15, s14, $0xb8;
	[tilespmem:$0x1A080] =	vst v63  }
0x3b: {  	_ = 	snop  }
0x3c: {  	[tilespmem:s18], [sflag:$0x2] =	stream.indirect.gather [hbm4b:s6+s14], $0x40, s17, s14, $0xb8;
	[tilespmem:$0x1A080] =	vst v63  }
0x3d: {  	_ = 	snop  }
0x3e: {  	[tilespmem:s20], [sflag:$0x2] =	stream.indirect.gather [hbm4b:s6+s14], $0x40, s19, s14, $0xb8;
	[tilespmem:$0x1A080] =	vst v63  }
0x3f: {  	_ = 	snop  }
0x40: {  	[tilespmem:s22], [sflag:$0x2] =	stream.indirect.gather [hbm4b:s6+s14], $0x40, s21, s14, $0xb8;
	[tilespmem:$0x1A080] =	vst v63  }
0x41: {  	_ =	swait.ge [sflag:s23], $0xC400  }
0x42: {  	[sflag:s23] =	ssyncset.done $0x0  }
0x43: {  	s29 =	simm.s32 $0xE40;
	[sflag:s23] =	ssyncadd.s32 $0xFFFF3C00  }
0x44: {  	v0 =	vld [tilespmem:s29+$0x80]  }
0x45: {  	v7 =	vld [tilespmem:s29+$0xFFFFFFC0]  }
0x46: {  	v6 =	vld [tilespmem:s29+$0xFFFFFF80]  }
0x47: {  	v8 =	vld [tilespmem:s29+$0xFFFFFF00]  }
0x48: {  	v9 =	vld [tilespmem:s29+$0xFFFFFF40]  }
0x49: {  	v10 =	vld [tilespmem:s29+$0xFFFFFFA0]  }
0x4a: {  	v5 =	vld [tilespmem:s29+$0xB0]  }
0x4b: {  	v11 =	vld [tilespmem:s29+$0xFFFFFFE0]  }
0x4c: {  	v12 =	vld [tilespmem:s29+$0xFFFFFEE0]  }
0x4d: {  	v13 =	vld [tilespmem:s29+$0xFFFFFEF0]  }
0x4e: {  	s13 =	simm.s32 $0x0;
	v14 =	vld [tilespmem:s29+$0xFFFFFFB0]  }
0x4f: {  	v2 =	vld [tilespmem:s13+$0x620]  }
0x50: {  	v15 =	vld [tilespmem:s29+$0x10]  }
0x51: {  	v16 =	vld [tilespmem:s29+$0x20]  }
0x52: {  	v17 =	vld [tilespmem:s29+$0x30]  }
0x53: {  	v4 =	vld [tilespmem:s29+$0xFFFFFE00]  }
0x54: {  	v18 =	vld [tilespmem:s29+$0xFFFFFE20];
	v20 =	vbroadcast v2, $0x0;
	v3 =	vbroadcast v2, $0xC  }
0x55: {  	v19 =	vld [tilespmem:s29+$0xFFFFFE30];
	v23 =	vbroadcast v2, $0x2;
	v1 =	vbroadcast v2, $0xB  }
0x56: {  	v21 =	vld [tilespmem:s29+$0xFFFFFE10];
	v27 =	vbroadcast v2, $0x9;
	v29 =	vbroadcast v2, $0x8  }
0x57: {  	v22 =	vld [tilespmem:s29+$0xFFFFFE80];
	v30 =	vbroadcast v2, $0x7;
	v33 =	vbroadcast v2, $0x3  }
0x58: {  	v28 =	vld [tilespmem:s29+$0xFFFFFEB0];
	v34 =	vbroadcast v2, $0x5;
	v36 =	vbroadcast v2, $0x6  }
0x59: {  	v31 =	vld [tilespmem:s29+$0xFFFFFF60];
	v37 =	vbroadcast v2, $0x1;
	v42 =	vbroadcast v2, $0x4  }
0x5a: {  	v35 =	vld [tilespmem:s29+$0xFFFFFE50];
	v24 =	vmul.f32 v20, v4;
	v4 =	vbroadcast v2, $0xA  }
0x5b: {  	v25 =	vld [tilespmem:s29+$0xFFFFFE60];
	v18 =	vmul.f32 v18, v20;
	v19 =	vmul.f32 v19, v20  }
0x5c: {  	v38 =	vld [tilespmem:s29+$0xFFFFFF10];
	v20 =	vmul.f32 v21, v20;
	v22 =	vmul.f32 v22, v23  }
0x5d: {  	v39 =	vld [tilespmem:s29+$0xFFFFFF30];
	v16 =	vmul.f32 v16, v29;
	v28 =	vmul.f32 v28, v23  }
0x5e: {  	v32 =	vld [tilespmem:s29+$0xFFFFFE70];
	v40 =	vmul.f32 v6, v36;
	v31 =	vmul.f32 v31, v34  }
0x5f: {  	v26 =	vld [tilespmem:s29+$0xFFFFFE40];
	v13 =	vmul.f32 v13, v33;
	v35 =	vmul.f32 v35, v37  }
0x60: {  	v50 =	vld [tilespmem:s29+$0xFFFFFF20];
	v12 =	vmul.f32 v12, v33;
	v51 =	vmul.f32 v25, v37  }
0x61: {  	v41 =	vld [tilespmem:s29+$0xFFFFFED0];
	v44 =	vmul.f32 v11, v30;
	v53 =	vmul.f32 v38, v42  }
0x62: {  	v21 =	vld [tilespmem:s29+$0xFFFFFE90];
	v54 =	vmul.f32 v39, v42;
	v9 =	vmul.f32 v9, v34  }
0x63: {  	v43 =	vld [tilespmem:s29+$0xFFFFFEA0];
	v8 =	vmul.f32 v8, v42;
	v32 =	vmul.f32 v32, v37;
	v20 =	vadd.f32 $0.0e+00, v20  }
0x64: {  	v52 =	vld [tilespmem:s29+$0xFFFFFF70];
	v57 =	vmul.f32 v10, v36;
	v59 =	vmul.f32 v7, v30  }
0x65: {  	v14 =	vmul.f32 v14, v36;
	v15 =	vmul.f32 v15, v29;
	v11 =	vadd.f32 v35, v20;
	v20 =	vld [tilespmem:s29+$0xFFFFFEC0]  }
0x66: {  	v60 =	vld [tilespmem:s29+$0x60];
	v24 =	vadd.f32 $0.0e+00, v24;
	v6 =	vadd.f32 $0.0e+00, v18;
	v18 =	vmul.f32 v26, v37  }
0x67: {  	v55 =	vld [tilespmem:s29+$0xFFFFFF50];
	v5 =	vmul.f32 v5, v4;
	v19 =	vadd.f32 $0.0e+00, v19;
	v21 =	vmul.f32 v21, v23  }
0x68: {  	v56 =	vld [tilespmem:s29+$0xFFFFFFF0];
	v18 =	vadd.f32 v18, v24;
	v24 =	vadd.f32 v51, v6;
	v23 =	vmul.f32 v43, v23  }
0x69: {  	v58 =	vld [tilespmem:s29+$0xFFFFFFD0];
	v7 =	vadd.f32 v32, v19;
	v11 =	vadd.f32 v21, v11;
	v21 =	vmul.f32 v41, v33  }
0x6a: {  	v18 =	vadd.f32 v22, v18;
	v10 =	vadd.f32 v23, v24;
	v23 =	vld [tilespmem:s29+$0xFFFFFF90];
	v20 =	vmul.f32 v20, v33  }
0x6b: {  	v61 =	vld [tilespmem:s29+$0x40];
	v26 =	vmul.f32 v60, v27;
	v28 =	vadd.f32 v28, v7;
	v11 =	vadd.f32 v21, v11  }
0x6c: {  	v62 =	vld [tilespmem:s29+$0xA0];
	v22 =	vmul.f32 v50, v42;
	v10 =	vadd.f32 v12, v10;
	v18 =	vadd.f32 v20, v18  }
0x6d: {  	v19 =	vmul.f32 v55, v34;
	v13 =	vadd.f32 v13, v28;
	v11 =	vadd.f32 v53, v11;
	v20 =	vld [tilespmem:s29+$0x70]  }
0x6e: {  	v6 =	vld [tilespmem:s29+$0x160];
	v21 =	vmul.f32 v52, v34;
	v8 =	vadd.f32 v8, v18;
	v18 =	vadd.f32 v22, v10  }
0x6f: {  	v13 =	vadd.f32 v54, v13;
	v11 =	vadd.f32 v19, v11;
	v19 =	vmul.f32 v23, v36;
	v23 =	vld [tilespmem:s29+$0x0]  }
0x70: {  	v10 =	vmul.f32 v17, v29;
	v17 =	vld [tilespmem:s29+$0x50];
	v8 =	vadd.f32 v9, v8;
	v9 =	vadd.f32 v31, v18  }
0x71: {  	v13 =	vadd.f32 v21, v13;
	v22 =	vmul.f32 v58, v30;
	v18 =	vld [tilespmem:s29+$0x90];
	v19 =	vadd.f32 v19, v11  }
0x72: {  	v11 =	vmul.f32 v20, v27;
	v20 =	vld [tilespmem:s29+$0xD0];
	v8 =	vadd.f32 v40, v8;
	v9 =	vadd.f32 v57, v9  }
0x73: {  	v12 =	vmul.f32 v56, v30;
	v13 =	vadd.f32 v14, v13;
	v19 =	vadd.f32 v22, v19;
	v22 =	vld [tilespmem:s29+$0xF0]  }
0x74: {  	v7 =	vld [tilespmem:s29+$0x150];
	v23 =	vmul.f32 v23, v29;
	v8 =	vadd.f32 v59, v8;
	v9 =	vadd.f32 v44, v9  }
0x75: {  	v21 =	vmul.f32 v17, v27;
	v17 =	vld [tilespmem:s29+$0x110];
	v14 =	vadd.f32 v15, v19;
	v19 =	vadd.f32 v12, v13  }
0x76: {  	v8 =	vadd.f32 v23, v8;
	v23 =	vadd.f32 v16, v9;
	v9 =	vmul.f32 v61, v27;
	v16 =	vld [tilespmem:s29+$0xE0]  }
0x77: {  	v15 =	vmul.f32 v18, v4;
	v63 =	vadd.f32 v21, v14;
	v18 =	vmul.f32 v20, v1;
	v14 =	vld [tilespmem:s29+$0x100]  }
0x78: {  	s31 =	simm.s32 $0x19460;
	v13 =	vld [tilespmem:s29+$0x120];
	v12 =	vadd.f32 v9, v8;
	v9 =	vmul.f32 v22, v1;
	v8 =	vbroadcast v2, $0xD  }
0x79: {  	s30 =	simm.s32 $0x19460;
	s0 =	simm.s32 $0x40;
	s1 =	simm.s32 $0xE40;
	v21 =	vadd.f32 v26, v23;
	v20 =	vadd.f32 v15, v63;
	v22 =	vmul.f32 v62, v4;
	v15 =	vld [tilespmem:s29+$0x130]  }
.LBB2_3:
0x7a: {  	p0 =	sne.s32 s0, $0xC00;
	v10 =	vadd.f32 v10, v19;
	v17 =	vmul.f32 v17, v3;
	v19 =	vbroadcast v2, $0xE;
	v23 =	vld [tilespmem:s29+$0x1A0];
	s1 =	sadd.s32 $0x400, s1;
	s31 =	sadd.s32 $0x40, s31  }
0x7b: {  	s13 =	smov.u32 s0;
	s0 =	sadd.s32 $0x40, s0;
	v21 =	vadd.f32 v22, v21;
	v18 =	vadd.f32 v18, v20;
	v16 =	vmul.f32 v16, v1;
	v20 =	vld [tilespmem:s29+$0x190]  }
0x7c: {  	v2 =	vbroadcast v2, $0xF;
	v10 =	vadd.f32 v11, v10;
	v11 =	vld [tilespmem:s29+$0xC0];
	v14 =	vmul.f32 v14, v3  }
0x7d: {  	v16 =	vadd.f32 v16, v21;
	v17 =	vadd.f32 v17, v18;
	v13 =	vmul.f32 v13, v3;
	v18 =	vld [tilespmem:s29+$0x1D0]  }
0x7e: {  	v7 =	vmul.f32 v7, v8;
	v5 =	vadd.f32 v5, v10;
	v3 =	vmul.f32 v15, v3;
	v10 =	vld [tilespmem:s29+$0x1E0]  }
0x7f: {  	v0 =	vmul.f32 v0, v4;
	v6 =	vmul.f32 v6, v8;
	v4 =	vadd.f32 v13, v16;
	v13 =	vld [tilespmem:s29+$0x170]  }
0x80: {  	v7 =	vadd.f32 v7, v17;
	v17 =	vmul.f32 v23, v19;
	v15 =	vld [tilespmem:s29+$0x140];
	v16 =	vmul.f32 v20, v19  }
0x81: {  	v0 =	vadd.f32 v0, v12;
	v1 =	vmul.f32 v11, v1;
	v4 =	vadd.f32 v6, v4;
	v6 =	vld [tilespmem:s29+$0x1B0]  }
0x82: {  	v5 =	vadd.f32 v9, v5;
	v9 =	vld [tilespmem:s29+$0x180];
	v7 =	vadd.f32 v16, v7;
	v11 =	vmul.f32 v18, v2  }
0x83: {  	v0 =	vadd.f32 v1, v0;
	v1 =	vadd.f32 v17, v4;
	v4 =	vmul.f32 v10, v2;
	v10 =	vld [tilespmem:s29+$0x1F0]  }
0x84: {  	v3 =	vadd.f32 v3, v5;
	v5 =	vmul.f32 v13, v8;
	v12 =	vld [tilespmem:s29+$0x1C0];
	v7 =	vadd.f32 v11, v7;
	s29 =	smov.u32 s1  }
0x85: {  	v0 =	vadd.f32 v14, v0;
	v8 =	vmul.f32 v15, v8;
	v1 =	vadd.f32 v4, v1  }
0x86: {  	v3 =	vadd.f32 v5, v3;
	v4 =	vmul.f32 v6, v19;
	[tilespmem:s30+$0xFFFFFFF0] =	vst v7  }
0x87: {  	v0 =	vadd.f32 v8, v0;
	v5 =	vmul.f32 v9, v19;
	[tilespmem:s30+$0x0] =	vst v1  }
0x88: {  	v1 =	vadd.f32 v4, v3;
	v3 =	vmul.f32 v10, v2  }
0x89: {  	v0 =	vadd.f32 v5, v0;
	v2 =	vmul.f32 v12, v2  }
0x8a: {  	v1 =	vadd.f32 v3, v1  }
0x8b: {  	v0 =	vadd.f32 v2, v0  }
0x8c: {  	[tilespmem:s30+$0x10] =	vst v1  }
0x8d: {  	[tilespmem:s30+$0xFFFFFFE0] =	vst v0;
	s30 =	smov.u32 s31  }
0x8e: {  	v0 =	vld [tilespmem:s1+$0x80]  }
0x8f: {  	v7 =	vld [tilespmem:s1+$0xFFFFFFC0]  }
0x90: {  	v6 =	vld [tilespmem:s1+$0xFFFFFF80]  }
0x91: {  	v10 =	vld [tilespmem:s1+$0xFFFFFF00]  }
0x92: {  	v11 =	vld [tilespmem:s1+$0xFFFFFF40]  }
0x93: {  	v12 =	vld [tilespmem:s1+$0xFFFFFFA0]  }
0x94: {  	v5 =	vld [tilespmem:s1+$0xB0]  }
0x95: {  	v13 =	vld [tilespmem:s1+$0xFFFFFFE0]  }
0x96: {  	v14 =	vld [tilespmem:s1+$0xFFFFFEE0]  }
0x97: {  	v15 =	vld [tilespmem:s1+$0xFFFFFEF0]  }
0x98: {  	v16 =	vld [tilespmem:s1+$0xFFFFFFB0]  }
0x99: {  	v8 =	vld [tilespmem:s1+$0x10]  }
0x9a: {  	s13 =	sshra.s32 s13, $0x2;
	v17 =	vld [tilespmem:s1+$0x20]  }
0x9b: {  	v2 =	vld [tilespmem:s13+$0x620]  }
0x9c: {  	v18 =	vld [tilespmem:s1+$0x30]  }
0x9d: {  	v4 =	vld [tilespmem:s1+$0xFFFFFE00]  }
0x9e: {  	v9 =	vld [tilespmem:s1+$0xFFFFFE20]  }
0x9f: {  	v19 =	vld [tilespmem:s1+$0xFFFFFE30]  }
0xa0: {  	v20 =	vbroadcast v2, $0x0;
	v21 =	vld [tilespmem:s1+$0xFFFFFE10];
	v3 =	vbroadcast v2, $0xC  }
0xa1: {  	v23 =	vbroadcast v2, $0x2;
	v1 =	vbroadcast v2, $0xB;
	v22 =	vld [tilespmem:s1+$0xFFFFFE80]  }
0xa2: {  	v24 =	vmul.f32 v20, v4;
	v25 =	vld [tilespmem:s1+$0xFFFFFE60];
	v4 =	vbroadcast v2, $0xA  }
0xa3: {  	v26 =	vmul.f32 v9, v20;
	v27 =	vld [tilespmem:s1+$0xFFFFFE40];
	v9 =	vbroadcast v2, $0x9  }
0xa4: {  	v29 =	vbroadcast v2, $0x8;
	v24 =	vadd.f32 $0.0e+00, v24;
	v19 =	vmul.f32 v19, v20;
	v28 =	vld [tilespmem:s1+$0xFFFFFEB0]  }
0xa5: {  	v30 =	vbroadcast v2, $0x7;
	v20 =	vmul.f32 v21, v20;
	v21 =	vadd.f32 $0.0e+00, v26;
	v26 =	vld [tilespmem:s1+$0xFFFFFE90]  }
0xa6: {  	v32 =	vmul.f32 v17, v29;
	v22 =	vmul.f32 v22, v23;
	v31 =	vld [tilespmem:s1+$0xFFFFFF60]  }
0xa7: {  	v33 =	vbroadcast v2, $0x3;
	v34 =	vbroadcast v2, $0x5;
	v17 =	vadd.f32 $0.0e+00, v19;
	v19 =	vld [tilespmem:s1+$0xFFFFFE70]  }
0xa8: {  	v36 =	vbroadcast v2, $0x6;
	v5 =	vmul.f32 v5, v4;
	v20 =	vadd.f32 $0.0e+00, v20;
	v35 =	vld [tilespmem:s1+$0xFFFFFE50]  }
0xa9: {  	v37 =	vbroadcast v2, $0x1;
	v28 =	vmul.f32 v28, v23;
	v38 =	vld [tilespmem:s1+$0xFFFFFF10]  }
0xaa: {  	v40 =	vmul.f32 v6, v36;
	v26 =	vmul.f32 v26, v23;
	v39 =	vld [tilespmem:s1+$0xFFFFFF30]  }
0xab: {  	v6 =	vmul.f32 v27, v37;
	v27 =	vld [tilespmem:s1+$0xFFFFFF20];
	v31 =	vmul.f32 v31, v34  }
0xac: {  	v42 =	vbroadcast v2, $0x4;
	v15 =	vmul.f32 v15, v33;
	v41 =	vld [tilespmem:s1+$0xFFFFFED0]  }
0xad: {  	v14 =	vmul.f32 v14, v33;
	v6 =	vadd.f32 v6, v24;
	v24 =	vmul.f32 v35, v37;
	v35 =	vld [tilespmem:s1+$0xFFFFFEA0]  }
0xae: {  	v13 =	vmul.f32 v13, v30;
	v25 =	vmul.f32 v25, v37;
	v43 =	vld [tilespmem:s1+$0xFFFFFF70]  }
0xaf: {  	v38 =	vmul.f32 v38, v42;
	v20 =	vadd.f32 v24, v20;
	v24 =	vld [tilespmem:s1+$0xFFFFFEC0];
	v39 =	vmul.f32 v39, v42  }
0xb0: {  	v11 =	vmul.f32 v11, v34;
	v22 =	vadd.f32 v22, v6;
	v27 =	vmul.f32 v27, v42;
	v44 =	vld [tilespmem:s1+$0xFFFFFF50]  }
0xb1: {  	v10 =	vmul.f32 v10, v42;
	v20 =	vadd.f32 v26, v20;
	v26 =	vmul.f32 v41, v33;
	v41 =	vld [tilespmem:s1+$0xFFFFFFF0]  }
0xb2: {  	v21 =	vadd.f32 v25, v21;
	v19 =	vmul.f32 v19, v37;
	v23 =	vmul.f32 v35, v23;
	v6 =	vld [tilespmem:s1+$0x160]  }
0xb3: {  	v12 =	vmul.f32 v12, v36;
	v20 =	vadd.f32 v26, v20;
	v25 =	vmul.f32 v43, v34;
	v26 =	vld [tilespmem:s1+$0xFFFFFFD0]  }
0xb4: {  	v21 =	vadd.f32 v23, v21;
	v23 =	vmul.f32 v24, v33;
	v24 =	vld [tilespmem:s1+$0xFFFFFF90];
	v33 =	vmul.f32 v7, v30  }
0xb5: {  	v7 =	vadd.f32 v19, v17;
	v17 =	vadd.f32 v38, v20;
	v19 =	vmul.f32 v44, v34;
	v20 =	vld [tilespmem:s1+$0x60]  }
0xb6: {  	v22 =	vadd.f32 v23, v22;
	v14 =	vadd.f32 v14, v21;
	v21 =	vmul.f32 v41, v30;
	v23 =	vld [tilespmem:s1+$0x70]  }
0xb7: {  	v16 =	vmul.f32 v16, v36;
	v28 =	vadd.f32 v28, v7;
	v17 =	vadd.f32 v19, v17;
	v7 =	vld [tilespmem:s1+$0x150]  }
0xb8: {  	v19 =	vadd.f32 v10, v22;
	v14 =	vadd.f32 v27, v14;
	v10 =	vmul.f32 v18, v29;
	v18 =	vld [tilespmem:s1+$0x50]  }
0xb9: {  	v15 =	vadd.f32 v15, v28;
	v22 =	vmul.f32 v24, v36;
	v24 =	vmul.f32 v26, v30;
	v26 =	vld [tilespmem:s1+$0x0]  }
0xba: {  	v19 =	vadd.f32 v11, v19;
	v14 =	vadd.f32 v31, v14;
	v20 =	vmul.f32 v20, v9;
	v27 =	vld [tilespmem:s1+$0x90]  }
0xbb: {  	v15 =	vadd.f32 v39, v15;
	v17 =	vadd.f32 v22, v17;
	v22 =	vld [tilespmem:s1+$0x40];
	v11 =	vmul.f32 v23, v9  }
0xbc: {  	v8 =	vmul.f32 v8, v29;
	v19 =	vadd.f32 v40, v19;
	v12 =	vadd.f32 v12, v14;
	v14 =	vld [tilespmem:s1+$0xD0]  }
0xbd: {  	v15 =	vadd.f32 v25, v15;
	v17 =	vadd.f32 v24, v17;
	v18 =	vmul.f32 v18, v9;
	v23 =	vld [tilespmem:s1+$0xF0]  }
0xbe: {  	v19 =	vadd.f32 v33, v19;
	v12 =	vadd.f32 v13, v12;
	v13 =	vmul.f32 v26, v29;
	v24 =	vld [tilespmem:s1+$0xA0]  }
.Ltmp0:
0xbf: {  	v15 =	vadd.f32 v16, v15;
	v8 =	vadd.f32 v8, v17;
	v25 =	vmul.f32 v27, v4;
	v17 =	vld [tilespmem:s1+$0x110];
	(pc) =	sbr.rel @p0 .LBB2_3-.Ltmp0, $4  }
0xc0: {  	v13 =	vadd.f32 v13, v19;
	v26 =	vadd.f32 v32, v12;
	v9 =	vmul.f32 v22, v9;
	v16 =	vld [tilespmem:s1+$0xE0]  }
0xc1: {  	v19 =	vadd.f32 v21, v15;
	v15 =	vadd.f32 v18, v8;
	v18 =	vmul.f32 v14, v1;
	v14 =	vld [tilespmem:s1+$0x100]  }
0xc2: {  	v8 =	vbroadcast v2, $0xD;
	v12 =	vadd.f32 v9, v13;
	v9 =	vmul.f32 v23, v1;
	v13 =	vld [tilespmem:s1+$0x120]  }
0xc3: {  	v21 =	vadd.f32 v20, v26;
	v20 =	vadd.f32 v25, v15;
	v22 =	vmul.f32 v24, v4;
	v15 =	vld [tilespmem:s1+$0x130]  }
0xc4: {  	v23 =	vld [tilespmem:s29+$0x1A0]  }
0xc5: {  	v10 =	vadd.f32 v10, v19;
	v17 =	vmul.f32 v17, v3;
	v19 =	vld [tilespmem:s29+$0x190]  }
0xc6: {  	v24 =	vbroadcast v2, $0xE;
	v21 =	vadd.f32 v22, v21;
	v16 =	vmul.f32 v16, v1;
	v22 =	vld [tilespmem:s29+$0xC0]  }
0xc7: {  	v2 =	vbroadcast v2, $0xF;
	v0 =	vmul.f32 v0, v4;
	v4 =	vld [tilespmem:s29+$0x170];
	v18 =	vadd.f32 v18, v20  }
0xc8: {  	v20 =	vld [tilespmem:s29+$0x1E0];
	v10 =	vadd.f32 v11, v10;
	v16 =	vadd.f32 v16, v21;
	v13 =	vmul.f32 v13, v3  }
0xc9: {  	v7 =	vmul.f32 v7, v8;
	v11 =	vmul.f32 v14, v3;
	v14 =	vld [tilespmem:s29+$0x1D0];
	v17 =	vadd.f32 v17, v18  }
0xca: {  	v6 =	vmul.f32 v6, v8;
	v5 =	vadd.f32 v5, v10;
	v10 =	vadd.f32 v13, v16;
	v13 =	vld [tilespmem:s29+$0x140]  }
0xcb: {  	v0 =	vadd.f32 v0, v12;
	v12 =	vld [tilespmem:s29+$0x1B0];
	v3 =	vmul.f32 v15, v3;
	v1 =	vmul.f32 v22, v1  }
0xcc: {  	v7 =	vadd.f32 v7, v17;
	v15 =	vmul.f32 v19, v24;
	v5 =	vadd.f32 v9, v5;
	v9 =	vld [tilespmem:s29+$0x180]  }
0xcd: {  	v16 =	vmul.f32 v23, v24;
	v6 =	vadd.f32 v6, v10;
	v0 =	vadd.f32 v1, v0;
	v1 =	vld [tilespmem:s29+$0x1F0]  }
0xce: {  	v4 =	vmul.f32 v4, v8;
	v7 =	vadd.f32 v15, v7;
	v3 =	vadd.f32 v3, v5;
	v5 =	vld [tilespmem:s29+$0x1C0]  }
0xcf: {  	v10 =	vmul.f32 v14, v2;
	v0 =	vadd.f32 v11, v0;
	v8 =	vmul.f32 v13, v8  }
0xd0: {  	v6 =	vadd.f32 v16, v6;
	v3 =	vadd.f32 v4, v3;
	v4 =	vmul.f32 v12, v24  }
0xd1: {  	v11 =	vmul.f32 v20, v2;
	v0 =	vadd.f32 v8, v0;
	v8 =	vmul.f32 v9, v24  }
0xd2: {  	v7 =	vadd.f32 v10, v7;
	v3 =	vadd.f32 v4, v3;
	v1 =	vmul.f32 v1, v2  }
0xd3: {  	v4 =	vadd.f32 v11, v6;
	v2 =	vmul.f32 v5, v2;
	v0 =	vadd.f32 v8, v0  }
0xd4: {  	[tilespmem:s30+$0xFFFFFFF0] =	vst v7;
	v1 =	vadd.f32 v1, v3  }
0xd5: {  	s0 =	smul.u32 $0x188, s26;
	[tilespmem:s30+$0x0] =	vst v4;
	v0 =	vadd.f32 v2, v0  }
0xd6: {  	[tilespmem:s30+$0x10] =	vst v1  }
0xd7: {  	p0 =	seq.s32 s8, $0x1F;
	s0 =	sadd.s32 s7, s0;
	[tilespmem:s30+$0xFFFFFFE0] =	vst v0  }
0xd8: {  	[hbm4b:s0+s4] =	stream.linear.scatter [tilespmem:s24], [sflag:$0x3], $0xC40, $0x38;
	[tilespmem:$0x1A080] =	vst v63  }
0xd9: {  	s0 =	sadd.s32 @!p0 s10, s11  }
0xda: {  	_ =	swait.ge [sflag:s12], $0xC40;
	s0 =	smul.u32 @!p0 $0x62, s0  }
0xdb: {  	[sflag:s12] =	ssyncset.done $0x0  }
0xdc: {  	s11 =	simm.s32 @!p0 $0x0;
	[sflag:s12] =	ssyncadd.s32 $0xFFFFF3C0;
	s1 =	sadd.s32 @!p0 s2, s0  }
0xdd: {  	[tilespmem:s11], [sflag:$0x3] =	stream.linear.gather @!p0 [hbm4b:s1+s11], $0x310, $0x38;
	[tilespmem:$0x1A080] =	vst v63  }
0xde: {  	s1 =	simm.s32 @!p0 $0x3  }
0xdf: {  	_ =	swait.ge @!p0 [sflag:s1], $0x310  }
0xe0: {  	[sflag:s1] =	ssyncset.done @!p0 $0x0  }
0xe1: {  	s13 =	simm.s32 @!p0 $0x620;
	s0 =	sadd.s32 @!p0 s3, s0;
	[sflag:s1] =	ssyncadd.s32 @!p0 $0xFFFFFCF0  }
0xe2: {  	[tilespmem:s13], [sflag:$0x3] =	stream.linear.gather @!p0 [hbm4b:s0+s11], $0x310, $0x38;
	[tilespmem:$0x1A080] =	vst v63  }
0xe3: {  	_ =	swait.ge @!p0 [sflag:s1], $0x310  }
0xe4: {  	[sflag:s1] =	ssyncset.done @!p0 $0x0  }
0xe5: {  	s0 =	simm.s32 @!p0 $0x70;
	[sflag:s1] =	ssyncadd.s32 @!p0 $0xFFFFFCF0;
	s1 =	simm.s32 @!p0 $0xC40  }
0xe6: {  	[tilespmem:s1], [sflag:$0x1] =	stream.indirect.gather @!p0 [hbm4b:s6+s0], $0x40, s11, s0, $0xb8;
	[tilespmem:$0x1A080] =	vst v63  }
0xe7: {  	s1 =	simm.s32 @!p0 $0x2840  }
0xe8: {  	[tilespmem:s1], [sflag:$0x1] =	stream.indirect.gather @!p0 [hbm4b:s6+s0], $0x40, s0, s0, $0xb8;
	[tilespmem:$0x1A080] =	vst v63  }
0xe9: {  	s11 =	simm.s32 @!p0 $0x4440;
	s1 =	simm.s32 @!p0 $0xE0  }
0xea: {  	[tilespmem:s11], [sflag:$0x1] =	stream.indirect.gather @!p0 [hbm4b:s6+s0], $0x40, s1, s0, $0xb8;
	[tilespmem:$0x1A080] =	vst v63  }
0xeb: {  	s1 =	simm.s32 @!p0 $0x150;
	s11 =	simm.s32 @!p0 $0x6040  }
0xec: {  	[tilespmem:s11], [sflag:$0x1] =	stream.indirect.gather @!p0 [hbm4b:s6+s0], $0x40, s1, s0, $0xb8;
	[tilespmem:$0x1A080] =	vst v63  }
0xed: {  	s1 =	simm.s32 @!p0 $0x1C0;
	s11 =	simm.s32 @!p0 $0x7C40  }
0xee: {  	[tilespmem:s11], [sflag:$0x1] =	stream.indirect.gather @!p0 [hbm4b:s6+s0], $0x40, s1, s0, $0xb8;
	[tilespmem:$0x1A080] =	vst v63  }
0xef: {  	s1 =	simm.s32 @!p0 $0x230;
	s11 =	simm.s32 @!p0 $0x9840  }
0xf0: {  	[tilespmem:s11], [sflag:$0x1] =	stream.indirect.gather @!p0 [hbm4b:s6+s0], $0x40, s1, s0, $0xb8;
	[tilespmem:$0x1A080] =	vst v63  }
0xf1: {  	s1 =	simm.s32 @!p0 $0x2A0;
	s11 =	simm.s32 @!p0 $0xB440  }
0xf2: {  	[tilespmem:s11], [sflag:$0x1] =	stream.indirect.gather @!p0 [hbm4b:s6+s0], $0x40, s1, s0, $0xb8;
	[tilespmem:$0x1A080] =	vst v63  }
0xf3: {  	_ =	swait.ge [sflag:s25], $0xC400  }
0xf4: {  	[sflag:s25] =	ssyncset.done $0x0  }
0xf5: {  	s11 =	simm.s32 $0xD240;
	[sflag:s25] =	ssyncadd.s32 $0xFFFF3C00  }
0xf6: {  	v0 =	vld [tilespmem:s11+$0x80]  }
0xf7: {  	v7 =	vld [tilespmem:s11+$0xFFFFFFC0]  }
0xf8: {  	v6 =	vld [tilespmem:s11+$0xFFFFFF80]  }
0xf9: {  	v8 =	vld [tilespmem:s11+$0xFFFFFF00]  }
0xfa: {  	v9 =	vld [tilespmem:s11+$0xFFFFFF40]  }
0xfb: {  	v10 =	vld [tilespmem:s11+$0xFFFFFFA0]  }
0xfc: {  	v5 =	vld [tilespmem:s11+$0xB0]  }
0xfd: {  	v11 =	vld [tilespmem:s11+$0xFFFFFFE0]  }
0xfe: {  	v12 =	vld [tilespmem:s11+$0xFFFFFEE0]  }
0xff: {  	v13 =	vld [tilespmem:s11+$0xFFFFFEF0]  }
0x100: {  	s31 =	simm.s32 $0x0;
	v14 =	vld [tilespmem:s11+$0xFFFFFFB0]  }
0x101: {  	v2 =	vld [tilespmem:s31+$0x930]  }
0x102: {  	v15 =	vld [tilespmem:s11+$0x10]  }
0x103: {  	v16 =	vld [tilespmem:s11+$0x20]  }
0x104: {  	v17 =	vld [tilespmem:s11+$0x30]  }
0x105: {  	v4 =	vld [tilespmem:s11+$0xFFFFFE00]  }
0x106: {  	v18 =	vld [tilespmem:s11+$0xFFFFFE20];
	v20 =	vbroadcast v2, $0x0;
	v3 =	vbroadcast v2, $0xC  }
0x107: {  	v19 =	vld [tilespmem:s11+$0xFFFFFE30];
	v23 =	vbroadcast v2, $0x2;
	v1 =	vbroadcast v2, $0xB  }
0x108: {  	v21 =	vld [tilespmem:s11+$0xFFFFFE10];
	v27 =	vbroadcast v2, $0x9;
	v29 =	vbroadcast v2, $0x8  }
0x109: {  	v22 =	vld [tilespmem:s11+$0xFFFFFE80];
	v30 =	vbroadcast v2, $0x7;
	v33 =	vbroadcast v2, $0x3  }
0x10a: {  	v28 =	vld [tilespmem:s11+$0xFFFFFEB0];
	v34 =	vbroadcast v2, $0x5;
	v36 =	vbroadcast v2, $0x6  }
0x10b: {  	v31 =	vld [tilespmem:s11+$0xFFFFFF60];
	v37 =	vbroadcast v2, $0x1;
	v42 =	vbroadcast v2, $0x4  }
0x10c: {  	v35 =	vld [tilespmem:s11+$0xFFFFFE50];
	v50 =	vmul.f32 v20, v4;
	v4 =	vbroadcast v2, $0xA  }
0x10d: {  	v25 =	vld [tilespmem:s11+$0xFFFFFE60];
	v18 =	vmul.f32 v18, v20;
	v19 =	vmul.f32 v19, v20  }
0x10e: {  	v38 =	vld [tilespmem:s11+$0xFFFFFF10];
	v20 =	vmul.f32 v21, v20;
	v22 =	vmul.f32 v22, v23  }
0x10f: {  	v39 =	vld [tilespmem:s11+$0xFFFFFF30];
	v16 =	vmul.f32 v16, v29;
	v28 =	vmul.f32 v28, v23  }
0x110: {  	v32 =	vld [tilespmem:s11+$0xFFFFFE70];
	v40 =	vmul.f32 v6, v36;
	v31 =	vmul.f32 v31, v34  }
0x111: {  	v26 =	vld [tilespmem:s11+$0xFFFFFE40];
	v13 =	vmul.f32 v13, v33;
	v35 =	vmul.f32 v35, v37  }
0x112: {  	v51 =	vld [tilespmem:s11+$0xFFFFFF20];
	v12 =	vmul.f32 v12, v33;
	v52 =	vmul.f32 v25, v37  }
0x113: {  	v41 =	vld [tilespmem:s11+$0xFFFFFED0];
	v44 =	vmul.f32 v11, v30;
	v54 =	vmul.f32 v38, v42  }
0x114: {  	v21 =	vld [tilespmem:s11+$0xFFFFFE90];
	v55 =	vmul.f32 v39, v42;
	v9 =	vmul.f32 v9, v34  }
0x115: {  	v43 =	vld [tilespmem:s11+$0xFFFFFEA0];
	v8 =	vmul.f32 v8, v42;
	v32 =	vmul.f32 v32, v37;
	v20 =	vadd.f32 $0.0e+00, v20  }
0x116: {  	v53 =	vld [tilespmem:s11+$0xFFFFFF70];
	v58 =	vmul.f32 v10, v36;
	v60 =	vmul.f32 v7, v30  }
0x117: {  	v14 =	vmul.f32 v14, v36;
	v15 =	vmul.f32 v15, v29;
	v11 =	vadd.f32 v35, v20;
	v20 =	vld [tilespmem:s11+$0xFFFFFEC0]  }
0x118: {  	v61 =	vld [tilespmem:s11+$0x60];
	v24 =	vadd.f32 $0.0e+00, v50;
	v6 =	vadd.f32 $0.0e+00, v18;
	v18 =	vmul.f32 v26, v37  }
0x119: {  	v56 =	vld [tilespmem:s11+$0xFFFFFF50];
	v5 =	vmul.f32 v5, v4;
	v19 =	vadd.f32 $0.0e+00, v19;
	v21 =	vmul.f32 v21, v23  }
0x11a: {  	v57 =	vld [tilespmem:s11+$0xFFFFFFF0];
	v18 =	vadd.f32 v18, v24;
	v24 =	vadd.f32 v52, v6;
	v23 =	vmul.f32 v43, v23  }
0x11b: {  	v59 =	vld [tilespmem:s11+$0xFFFFFFD0];
	v7 =	vadd.f32 v32, v19;
	v11 =	vadd.f32 v21, v11;
	v21 =	vmul.f32 v41, v33  }
0x11c: {  	v18 =	vadd.f32 v22, v18;
	v10 =	vadd.f32 v23, v24;
	v23 =	vld [tilespmem:s11+$0xFFFFFF90];
	v20 =	vmul.f32 v20, v33  }
0x11d: {  	v62 =	vld [tilespmem:s11+$0x40];
	v26 =	vmul.f32 v61, v27;
	v28 =	vadd.f32 v28, v7;
	v11 =	vadd.f32 v21, v11  }
0x11e: {  	v63 =	vld [tilespmem:s11+$0xA0];
	v22 =	vmul.f32 v51, v42;
	v10 =	vadd.f32 v12, v10;
	v18 =	vadd.f32 v20, v18  }
0x11f: {  	v19 =	vmul.f32 v56, v34;
	v13 =	vadd.f32 v13, v28;
	v11 =	vadd.f32 v54, v11;
	v20 =	vld [tilespmem:s11+$0x70]  }
0x120: {  	v6 =	vld [tilespmem:s11+$0x160];
	v21 =	vmul.f32 v53, v34;
	v8 =	vadd.f32 v8, v18;
	v18 =	vadd.f32 v22, v10  }
0x121: {  	v13 =	vadd.f32 v55, v13;
	v11 =	vadd.f32 v19, v11;
	v19 =	vmul.f32 v23, v36;
	v23 =	vld [tilespmem:s11+$0x0]  }
0x122: {  	v10 =	vmul.f32 v17, v29;
	v17 =	vld [tilespmem:s11+$0x50];
	v8 =	vadd.f32 v9, v8;
	v9 =	vadd.f32 v31, v18  }
0x123: {  	v13 =	vadd.f32 v21, v13;
	v22 =	vmul.f32 v59, v30;
	v18 =	vld [tilespmem:s11+$0x90];
	v19 =	vadd.f32 v19, v11  }
0x124: {  	v11 =	vmul.f32 v20, v27;
	v20 =	vld [tilespmem:s11+$0xD0];
	v8 =	vadd.f32 v40, v8;
	v9 =	vadd.f32 v58, v9  }
0x125: {  	v12 =	vmul.f32 v57, v30;
	v13 =	vadd.f32 v14, v13;
	v19 =	vadd.f32 v22, v19;
	v22 =	vld [tilespmem:s11+$0xF0]  }
0x126: {  	v7 =	vld [tilespmem:s11+$0x150];
	v23 =	vmul.f32 v23, v29;
	v8 =	vadd.f32 v60, v8;
	v9 =	vadd.f32 v44, v9  }
0x127: {  	v21 =	vmul.f32 v17, v27;
	v17 =	vld [tilespmem:s11+$0x110];
	v14 =	vadd.f32 v15, v19;
	v19 =	vadd.f32 v12, v13  }
0x128: {  	v8 =	vadd.f32 v23, v8;
	v23 =	vadd.f32 v16, v9;
	v9 =	vmul.f32 v62, v27;
	v16 =	vld [tilespmem:s11+$0xE0]  }
0x129: {  	v15 =	vmul.f32 v18, v4;
	v21 =	vadd.f32 v21, v14;
	v18 =	vmul.f32 v20, v1;
	v14 =	vld [tilespmem:s11+$0x100]  }
0x12a: {  	s26 =	simm.s32 $0x19460;
	v13 =	vld [tilespmem:s11+$0x120];
	v12 =	vadd.f32 v9, v8;
	v9 =	vmul.f32 v22, v1;
	v8 =	vbroadcast v2, $0xD  }
0x12b: {  	s29 =	simm.s32 $0x19460;
	s0 =	simm.s32 $0x40;
	s1 =	simm.s32 $0xD240;
	v20 =	vadd.f32 v26, v23;
	v21 =	vadd.f32 v15, v21;
	v22 =	vmul.f32 v63, v4;
	v15 =	vld [tilespmem:s11+$0x130]  }
.LBB2_5:
0x12c: {  	p0 =	sne.s32 s0, $0xC00;
	v10 =	vadd.f32 v10, v19;
	v17 =	vmul.f32 v17, v3;
	v19 =	vbroadcast v2, $0xE;
	v23 =	vld [tilespmem:s11+$0x1A0];
	s1 =	sadd.s32 $0x400, s1;
	s29 =	sadd.s32 $0x40, s29  }
0x12d: {  	s13 =	smov.u32 s0;
	s0 =	sadd.s32 $0x40, s0;
	v20 =	vadd.f32 v22, v20;
	v18 =	vadd.f32 v18, v21;
	v16 =	vmul.f32 v16, v1;
	v21 =	vld [tilespmem:s11+$0x190]  }
0x12e: {  	v2 =	vbroadcast v2, $0xF;
	v10 =	vadd.f32 v11, v10;
	v11 =	vld [tilespmem:s11+$0xC0];
	v14 =	vmul.f32 v14, v3  }
0x12f: {  	v16 =	vadd.f32 v16, v20;
	v17 =	vadd.f32 v17, v18;
	v13 =	vmul.f32 v13, v3;
	v18 =	vld [tilespmem:s11+$0x1D0]  }
0x130: {  	v7 =	vmul.f32 v7, v8;
	v5 =	vadd.f32 v5, v10;
	v3 =	vmul.f32 v15, v3;
	v10 =	vld [tilespmem:s11+$0x1E0]  }
0x131: {  	v0 =	vmul.f32 v0, v4;
	v6 =	vmul.f32 v6, v8;
	v4 =	vadd.f32 v13, v16;
	v13 =	vld [tilespmem:s11+$0x170]  }
0x132: {  	v7 =	vadd.f32 v7, v17;
	v17 =	vmul.f32 v23, v19;
	v15 =	vld [tilespmem:s11+$0x140];
	v16 =	vmul.f32 v21, v19  }
0x133: {  	v0 =	vadd.f32 v0, v12;
	v1 =	vmul.f32 v11, v1;
	v4 =	vadd.f32 v6, v4;
	v6 =	vld [tilespmem:s11+$0x1B0]  }
0x134: {  	v5 =	vadd.f32 v9, v5;
	v9 =	vld [tilespmem:s11+$0x180];
	v7 =	vadd.f32 v16, v7;
	v11 =	vmul.f32 v18, v2  }
0x135: {  	v0 =	vadd.f32 v1, v0;
	v1 =	vadd.f32 v17, v4;
	v4 =	vmul.f32 v10, v2;
	v10 =	vld [tilespmem:s11+$0x1F0]  }
0x136: {  	v3 =	vadd.f32 v3, v5;
	v5 =	vmul.f32 v13, v8;
	v12 =	vld [tilespmem:s11+$0x1C0];
	v7 =	vadd.f32 v11, v7;
	s11 =	smov.u32 s1  }
0x137: {  	v0 =	vadd.f32 v14, v0;
	v8 =	vmul.f32 v15, v8;
	v1 =	vadd.f32 v4, v1  }
0x138: {  	v3 =	vadd.f32 v5, v3;
	v4 =	vmul.f32 v6, v19;
	[tilespmem:s26+$0xFFFFFFF0] =	vst v7  }
0x139: {  	v0 =	vadd.f32 v8, v0;
	v5 =	vmul.f32 v9, v19;
	[tilespmem:s26+$0x0] =	vst v1  }
0x13a: {  	v1 =	vadd.f32 v4, v3;
	v3 =	vmul.f32 v10, v2  }
0x13b: {  	v0 =	vadd.f32 v5, v0;
	v2 =	vmul.f32 v12, v2  }
0x13c: {  	v1 =	vadd.f32 v3, v1  }
0x13d: {  	v0 =	vadd.f32 v2, v0  }
0x13e: {  	[tilespmem:s26+$0x10] =	vst v1  }
0x13f: {  	[tilespmem:s26+$0xFFFFFFE0] =	vst v0;
	s26 =	smov.u32 s29  }
0x140: {  	v0 =	vld [tilespmem:s1+$0x80]  }
0x141: {  	v7 =	vld [tilespmem:s1+$0xFFFFFFC0]  }
0x142: {  	v6 =	vld [tilespmem:s1+$0xFFFFFF80]  }
0x143: {  	v10 =	vld [tilespmem:s1+$0xFFFFFF00]  }
0x144: {  	v11 =	vld [tilespmem:s1+$0xFFFFFF40]  }
0x145: {  	v12 =	vld [tilespmem:s1+$0xFFFFFFA0]  }
0x146: {  	v5 =	vld [tilespmem:s1+$0xB0]  }
0x147: {  	v13 =	vld [tilespmem:s1+$0xFFFFFFE0]  }
0x148: {  	v14 =	vld [tilespmem:s1+$0xFFFFFEE0]  }
0x149: {  	v15 =	vld [tilespmem:s1+$0xFFFFFEF0]  }
0x14a: {  	v16 =	vld [tilespmem:s1+$0xFFFFFFB0]  }
0x14b: {  	v8 =	vld [tilespmem:s1+$0x10]  }
0x14c: {  	s13 =	sshra.s32 s13, $0x2;
	v17 =	vld [tilespmem:s1+$0x20]  }
0x14d: {  	v2 =	vld [tilespmem:s13+$0x930]  }
0x14e: {  	v18 =	vld [tilespmem:s1+$0x30]  }
0x14f: {  	v4 =	vld [tilespmem:s1+$0xFFFFFE00]  }
0x150: {  	v9 =	vld [tilespmem:s1+$0xFFFFFE20]  }
0x151: {  	v19 =	vld [tilespmem:s1+$0xFFFFFE30]  }
0x152: {  	v20 =	vbroadcast v2, $0x0;
	v21 =	vld [tilespmem:s1+$0xFFFFFE10];
	v3 =	vbroadcast v2, $0xC  }
0x153: {  	v23 =	vbroadcast v2, $0x2;
	v1 =	vbroadcast v2, $0xB;
	v22 =	vld [tilespmem:s1+$0xFFFFFE80]  }
0x154: {  	v24 =	vmul.f32 v20, v4;
	v25 =	vld [tilespmem:s1+$0xFFFFFE60];
	v4 =	vbroadcast v2, $0xA  }
0x155: {  	v26 =	vmul.f32 v9, v20;
	v27 =	vld [tilespmem:s1+$0xFFFFFE40];
	v9 =	vbroadcast v2, $0x9  }
0x156: {  	v29 =	vbroadcast v2, $0x8;
	v24 =	vadd.f32 $0.0e+00, v24;
	v19 =	vmul.f32 v19, v20;
	v28 =	vld [tilespmem:s1+$0xFFFFFEB0]  }
0x157: {  	v30 =	vbroadcast v2, $0x7;
	v20 =	vmul.f32 v21, v20;
	v21 =	vadd.f32 $0.0e+00, v26;
	v26 =	vld [tilespmem:s1+$0xFFFFFE90]  }
0x158: {  	v32 =	vmul.f32 v17, v29;
	v22 =	vmul.f32 v22, v23;
	v31 =	vld [tilespmem:s1+$0xFFFFFF60]  }
0x159: {  	v33 =	vbroadcast v2, $0x3;
	v34 =	vbroadcast v2, $0x5;
	v17 =	vadd.f32 $0.0e+00, v19;
	v19 =	vld [tilespmem:s1+$0xFFFFFE70]  }
0x15a: {  	v36 =	vbroadcast v2, $0x6;
	v5 =	vmul.f32 v5, v4;
	v20 =	vadd.f32 $0.0e+00, v20;
	v35 =	vld [tilespmem:s1+$0xFFFFFE50]  }
0x15b: {  	v37 =	vbroadcast v2, $0x1;
	v28 =	vmul.f32 v28, v23;
	v38 =	vld [tilespmem:s1+$0xFFFFFF10]  }
0x15c: {  	v40 =	vmul.f32 v6, v36;
	v26 =	vmul.f32 v26, v23;
	v39 =	vld [tilespmem:s1+$0xFFFFFF30]  }
0x15d: {  	v6 =	vmul.f32 v27, v37;
	v27 =	vld [tilespmem:s1+$0xFFFFFF20];
	v31 =	vmul.f32 v31, v34  }
0x15e: {  	v42 =	vbroadcast v2, $0x4;
	v15 =	vmul.f32 v15, v33;
	v41 =	vld [tilespmem:s1+$0xFFFFFED0]  }
0x15f: {  	v14 =	vmul.f32 v14, v33;
	v6 =	vadd.f32 v6, v24;
	v24 =	vmul.f32 v35, v37;
	v35 =	vld [tilespmem:s1+$0xFFFFFEA0]  }
0x160: {  	v13 =	vmul.f32 v13, v30;
	v25 =	vmul.f32 v25, v37;
	v43 =	vld [tilespmem:s1+$0xFFFFFF70]  }
0x161: {  	v38 =	vmul.f32 v38, v42;
	v20 =	vadd.f32 v24, v20;
	v24 =	vld [tilespmem:s1+$0xFFFFFEC0];
	v39 =	vmul.f32 v39, v42  }
0x162: {  	v11 =	vmul.f32 v11, v34;
	v22 =	vadd.f32 v22, v6;
	v27 =	vmul.f32 v27, v42;
	v44 =	vld [tilespmem:s1+$0xFFFFFF50]  }
0x163: {  	v10 =	vmul.f32 v10, v42;
	v20 =	vadd.f32 v26, v20;
	v26 =	vmul.f32 v41, v33;
	v41 =	vld [tilespmem:s1+$0xFFFFFFF0]  }
0x164: {  	v21 =	vadd.f32 v25, v21;
	v19 =	vmul.f32 v19, v37;
	v23 =	vmul.f32 v35, v23;
	v6 =	vld [tilespmem:s1+$0x160]  }
0x165: {  	v12 =	vmul.f32 v12, v36;
	v20 =	vadd.f32 v26, v20;
	v25 =	vmul.f32 v43, v34;
	v26 =	vld [tilespmem:s1+$0xFFFFFFD0]  }
0x166: {  	v21 =	vadd.f32 v23, v21;
	v23 =	vmul.f32 v24, v33;
	v24 =	vld [tilespmem:s1+$0xFFFFFF90];
	v33 =	vmul.f32 v7, v30  }
0x167: {  	v7 =	vadd.f32 v19, v17;
	v17 =	vadd.f32 v38, v20;
	v19 =	vmul.f32 v44, v34;
	v20 =	vld [tilespmem:s1+$0x60]  }
0x168: {  	v22 =	vadd.f32 v23, v22;
	v14 =	vadd.f32 v14, v21;
	v21 =	vmul.f32 v41, v30;
	v23 =	vld [tilespmem:s1+$0x70]  }
0x169: {  	v16 =	vmul.f32 v16, v36;
	v28 =	vadd.f32 v28, v7;
	v17 =	vadd.f32 v19, v17;
	v7 =	vld [tilespmem:s1+$0x150]  }
0x16a: {  	v19 =	vadd.f32 v10, v22;
	v14 =	vadd.f32 v27, v14;
	v10 =	vmul.f32 v18, v29;
	v18 =	vld [tilespmem:s1+$0x50]  }
0x16b: {  	v15 =	vadd.f32 v15, v28;
	v22 =	vmul.f32 v24, v36;
	v24 =	vmul.f32 v26, v30;
	v26 =	vld [tilespmem:s1+$0x0]  }
0x16c: {  	v19 =	vadd.f32 v11, v19;
	v14 =	vadd.f32 v31, v14;
	v20 =	vmul.f32 v20, v9;
	v27 =	vld [tilespmem:s1+$0x90]  }
0x16d: {  	v15 =	vadd.f32 v39, v15;
	v17 =	vadd.f32 v22, v17;
	v22 =	vld [tilespmem:s1+$0x40];
	v11 =	vmul.f32 v23, v9  }
0x16e: {  	v8 =	vmul.f32 v8, v29;
	v19 =	vadd.f32 v40, v19;
	v12 =	vadd.f32 v12, v14;
	v14 =	vld [tilespmem:s1+$0xD0]  }
0x16f: {  	v15 =	vadd.f32 v25, v15;
	v17 =	vadd.f32 v24, v17;
	v18 =	vmul.f32 v18, v9;
	v23 =	vld [tilespmem:s1+$0xF0]  }
0x170: {  	v19 =	vadd.f32 v33, v19;
	v12 =	vadd.f32 v13, v12;
	v13 =	vmul.f32 v26, v29;
	v24 =	vld [tilespmem:s1+$0xA0]  }
.Ltmp1:
0x171: {  	v15 =	vadd.f32 v16, v15;
	v8 =	vadd.f32 v8, v17;
	v25 =	vmul.f32 v27, v4;
	v17 =	vld [tilespmem:s1+$0x110];
	(pc) =	sbr.rel @p0 .LBB2_5-.Ltmp1, $4  }
0x172: {  	v13 =	vadd.f32 v13, v19;
	v26 =	vadd.f32 v32, v12;
	v9 =	vmul.f32 v22, v9;
	v16 =	vld [tilespmem:s1+$0xE0]  }
0x173: {  	v19 =	vadd.f32 v21, v15;
	v15 =	vadd.f32 v18, v8;
	v18 =	vmul.f32 v14, v1;
	v14 =	vld [tilespmem:s1+$0x100]  }
0x174: {  	v8 =	vbroadcast v2, $0xD;
	v12 =	vadd.f32 v9, v13;
	v9 =	vmul.f32 v23, v1;
	v13 =	vld [tilespmem:s1+$0x120]  }
0x175: {  	v20 =	vadd.f32 v20, v26;
	v21 =	vadd.f32 v25, v15;
	v22 =	vmul.f32 v24, v4;
	v15 =	vld [tilespmem:s1+$0x130]  }
0x176: {  	v23 =	vld [tilespmem:s11+$0x1A0]  }
0x177: {  	v17 =	vmul.f32 v17, v3;
	v40 =	vld [tilespmem:s11+$0x190];
	v42 =	vbroadcast v2, $0xE  }
0x178: {  	v10 =	vadd.f32 v10, v19;
	v41 =	vld [tilespmem:s11+$0xC0];
	v45 =	vbroadcast v2, $0xF;
	v0 =	vmul.f32 v0, v4  }
0x179: {  	v44 =	vld [tilespmem:s11+$0x1D0];
	v7 =	vmul.f32 v7, v8;
	v20 =	vadd.f32 v22, v20;
	v16 =	vmul.f32 v16, v1  }
0x17a: {  	v47 =	vld [tilespmem:s11+$0x170];
	v6 =	vmul.f32 v6, v8;
	v18 =	vadd.f32 v18, v21;
	v10 =	vadd.f32 v11, v10  }
0x17b: {  	v50 =	vld [tilespmem:s11+$0x140];
	v0 =	vadd.f32 v0, v12;
	v16 =	vadd.f32 v16, v20;
	v13 =	vmul.f32 v13, v3  }
0x17c: {  	v52 =	vld [tilespmem:s11+$0x1B0];
	v43 =	vmul.f32 v14, v3;
	v17 =	vadd.f32 v17, v18;
	v5 =	vadd.f32 v5, v10  }
0x17d: {  	v46 =	vld [tilespmem:s11+$0x1E0];
	v48 =	vmul.f32 v15, v3;
	v49 =	vadd.f32 v13, v16;
	v51 =	vmul.f32 v41, v1  }
0x17e: {  	v54 =	vld [tilespmem:s11+$0x180];
	v7 =	vadd.f32 v7, v17;
	v53 =	vmul.f32 v40, v42;
	v5 =	vadd.f32 v9, v5  }
0x17f: {  	v56 =	vld [tilespmem:s11+$0x1F0];
	v55 =	vmul.f32 v23, v42;
	v4 =	vmul.f32 v47, v8;
	v0 =	vadd.f32 v51, v0  }
0x180: {  	v57 =	vld [tilespmem:s11+$0x1C0];
	v58 =	vmul.f32 v44, v45;
	v59 =	vmul.f32 v50, v8;
	v3 =	vadd.f32 v48, v5  }
0x181: {  	v60 =	vmul.f32 v52, v42;
	v6 =	vadd.f32 v6, v49;
	v0 =	vadd.f32 v43, v0  }
0x182: {  	v61 =	vmul.f32 v46, v45;
	v7 =	vadd.f32 v53, v7;
	v3 =	vadd.f32 v4, v3  }
0x183: {  	v62 =	vmul.f32 v54, v42;
	v6 =	vadd.f32 v55, v6;
	v0 =	vadd.f32 v59, v0  }
0x184: {  	v1 =	vmul.f32 v56, v45;
	v7 =	vadd.f32 v58, v7;
	v3 =	vadd.f32 v60, v3  }
0x185: {  	v2 =	vmul.f32 v57, v45;
	v63 =	vadd.f32 v61, v6;
	v0 =	vadd.f32 v62, v0  }
0x186: {  	[tilespmem:s26+$0xFFFFFFF0] =	vst v7;
	v1 =	vadd.f32 v1, v3  }
0x187: {  	s0 =	smul.u32 $0x188, s9;
	s8 =	sadd.s32 $0x1, s8;
	[tilespmem:s26+$0x0] =	vst v63;
	v0 =	vadd.f32 v2, v0  }
0x188: {  	p0 =	sne.s32 s8, $0x20;
	[tilespmem:s26+$0x10] =	vst v1  }
.Ltmp2:
0x189: {  	s0 =	sadd.s32 s7, s0;
	[tilespmem:s26+$0xFFFFFFE0] =	vst v0;
	(pc) =	sbr.rel @p0 .LBB2_2-.Ltmp2, $4  }
0x18a: {  	[hbm4b:s0+s4] =	stream.linear.scatter [tilespmem:s24], [sflag:$0x3], $0xC40, $0x38;
	[tilespmem:$0x1A080] =	vst v63  }
0x18b: {  	_ =	swait.ge [sflag:s12], $0xC40  }
0x18c: {  	[sflag:s12] =	ssyncset.done $0x0  }
0x18d: {  	[sflag:s12] =	ssyncadd.s32 $0xFFFFF3C0  }
0x18e: {  	s1 =	rddreg [dreg:$0x7]  }
0x18f: {  	s0 =	rddreg [dreg:$0x6];
	s1 =	sadd.s32 $0x1, s1  }
0x190: {  	p0 =	sne.s32 s1, s0  }
.Ltmp3:
0x191: {  	_ = 	snop;
	(pc) =	sbr.rel @p0 .LBB2_1-.Ltmp3, $1  }
0x192: {  	_ =	sdelay $0x3  }
0x193: {  	_ =	sfence.sel $0x180000  }
0x194: {  	[bflag:$0x0] =	sbarrier.arrive $0xFFFF  }
0x195: {  	_ =	strace $0x90000050  }
0x196: {  	s0 =	stileid.u32;
	[bflag:$0x2] =	sbarrier.arrive $0xFFFF  }
0x197: {  	p0 =	sne.s32 s0, $0x0;
	s0 =	rddreg [dreg:$0x3]  }
0x198: {  	s0 =	sadd.s32 @!p0 $0x100000, s0  }
0x199: {  	[sflag:s0] =	ssyncadd.tile.s32 @!p0 $0x1;
	_ =	shalt  }
.Lfunc_end2:
_tile_overlayer_lowered:
.L_overlay_start_2:
0x19a: {  	(tag) =	ssettag $0x2  }
0x19b: {  	s0 =	rddreg [dreg:$0x0];
	s2 =	stileid.u32  }
0x19c: {  	s1 =	rddreg [dreg:$0x1];
	p0 =	sne.s32 s2, $0x0  }
0x19d: {  	s3 =	rddreg [dreg:$0x2];
	[bflag:$0x3] =	sbarrier.arrive $0xFFFF;
	s2 =	simm.s32 @!p0 $0x1C03  }
0x19e: {  	[timem:s3], [sflag:s2] =	dma.local @!p0 [hbm:s0], s1  }
0x19f: {  	s0 =	simm.s32 @!p0 $0x3  }
0x1a0: {  	_ =	swait.ge @!p0 [sflag:s0], s1  }
0x1a1: {  	s1 =	ssub.s32 @!p0 $0x0, s1;
	[sflag:s0] =	ssyncset.done @!p0 $0x0  }
0x1a2: {  	[sflag:s0] =	ssyncadd.s32 @!p0 s1  }
0x1a3: {  	[bflag:$0x3] =	sbarrier.arrive $0xFFFF  }
0x1a4: {  	_ =	shalt  }

// kernel: sparse-core-data-format-call.cloned.1.call-start
scs
called_computation_lowered:
.L_overlay_start_0:
0x0: {  	s2 =	sld [smem:$0x3FD9]  }
0x1: {  	s3 =	sld [smem:$0x3FFE];
	_ =	sdelay $0x1  }
0x2: {  	s1 =	srdreg.scid  }
0x3: {  	s0 =	sand.u32 $0x1, s1  }
0x4: {  	s18 =	sshll.u32 s0, $0xA;
	s2 =	sadd.s32 s3, s2  }
0x5: {  	s2 =	sadd.s32 s2, s18  }
0x6: {  	[smem:$0x3FC2] =	sst s2  }
0x7: {  	_ = 	snop  }
0x8: {  	s19 =	sld [smem:$0x3FC9];
	(tm) =	ssettm $0x1  }
0x9: {  	s20 =	sld [smem:$0x3FFB];
	_ =	sdelay $0x3  }
0xa: {  	_ =	strace s20  }
0xb: {  	s2 =	sld [smem:$0x3FFC];
	_ =	sdelay $0x3  }
0xc: {  	_ =	strace s2  }
0xd: {  	s2 =	sld [smem:$0x3FFD];
	_ =	sdelay $0x3  }
0xe: {  	_ =	strace s2  }
0xf: {  	_ =	strace $0x8FFFFFFF  }
0x10: {  	s21 =	sld [smem:$0x3FDB];
	_ =	sdelay $0x1  }
0x11: {  	s4 =	simm.s32 $_scs_section_size  }
0x12: {  	s5 =	simm.s32 $_size__tile_overlayer_lowered;
	s6 =	simm.s32 $_tile_overlayer_lowered  }
0x13: {  	s7 =	simm.s32 $0x1BFF;
	s22 =	sshll.u32 s6, $0x1;
	s4 =	sadd.s32 s4, s21  }
0x14: {  	s23 =	simm.s32 $0x0;
	s5 =	sshll.u32 s5, $0x1;
	s6 =	sadd.s32 s22, s4  }
0x15: {  	[timem:s23], [sflag:s7] =	dma.local [hbm:s6], s5  }
0x16: {  	_ =	swait.ge [sflag:s7], s5  }
0x17: {  	s5 =	ssub.s32 $0x0, s5;
	[sflag:s7] =	ssyncset.done $0x0  }
0x18: {  	[sflag:s7] =	ssyncadd.s32 s5;
	_ =	sdelay $0x1  }
0x19: {  	s24 =	simm.s32 $0x1B8B  }
0x1a: {  	_ =	swait.ge [sflag:s24], $0x1  }
0x1b: {  	[sflag:s24] =	ssyncset.done $0x0  }
0x1c: {  	[sflag:s24] =	ssyncadd.s32 $0xFFFFFFFF  }
0x1d: {  	s5 =	sld [smem:$0x0]  }
0x1e: {  	s6 =	sand.u32 $0xFFFFFFFE, s1  }
0x1f: {  	p0 =	sne.s32 s1, s6  }
0x20: {  	s6 =	sshll.u32 @p0 s6, $0xE  }
0x21: {  	s6 =	sadd.s32 @p0 $0x11B8D, s6;
	s7 =	sshll.u32 @p0 s5, $0x11  }
0x22: {  	s6 =	sor.u32 @p0 s7, s6  }
0x23: {  	[sflag:s6] =	ssyncadd.remote.s32 @p0 $0x1;
	_ =	sdelay $0x1  }
0x24: {  	s6 =	simm.s32 @p0 $0x1B8D  }
0x25: {  	_ =	swait.eq @p0 [sflag:s6], $0x1  }
0x26: {  	[sflag:s6] =	ssyncadd.s32 @p0 $0xFFFFFFFF  }
0x27: {  	s7 =	sshll.u32 @!p0 s1, $0xE  }
0x28: {  	s7 =	sor.u32 @!p0 $0x4000, s7;
	s6 =	simm.s32 @!p0 $0x1B8D  }
0x29: {  	s5 =	sshll.u32 @!p0 s5, $0x11;
	s7 =	sadd.s32 @!p0 $0x11B8D, s7;
	_ =	swait.eq @!p0 [sflag:s6], $0x1  }
0x2a: {  	s5 =	sor.u32 @!p0 s5, s7;
	[sflag:s6] =	ssyncadd.s32 @!p0 $0xFFFFFFFF  }
0x2b: {  	s26 =	simm.s32 $0x1B8E;
	s25 =	sld [smem:$0x3FFE];
	[sflag:s5] =	ssyncadd.remote.s32 @!p0 $0x1  }
0x2c: {  	s27 =	simm.s32 $execute0_lowered;
	[smem:$0x3FD2] =	sst s26  }
0x2d: {  	s6 =	sshll.u32 s27, $0x1;
	_ =	strace $0x8000004C;
	[dreg:$0x1] =	wrdreg $0xFFFFFFFF  }
0x2e: {  	s28 =	simm.s32 $_size_execute0_lowered;
	s4 =	sadd.s32 s4, s6;
	[dreg:$0x0] =	wrdreg $0x0  }
0x2f: {  	s6 =	sshll.u32 s28, $0x1;
	[dreg:$0x2] =	wrdreg s4  }
0x30: {  	[dreg:$0x3] =	wrdreg s6  }
0x31: {  	[dreg:$0x4] =	wrdreg $0xC0  }
0x32: {  	_ =	task [dreg:s23], $0x5FFFF  }
0x33: {  	[dreg:$0x1] =	wrdreg $0xFFFFFFFF  }
0x34: {  	[dreg:$0x0] =	wrdreg $0x60  }
0x35: {  	[dreg:$0x2] =	wrdreg s19  }
0x36: {  	[dreg:$0x3] =	wrdreg s25  }
0x37: {  	[dreg:$0x4] =	wrdreg $0x9  }
0x38: {  	_ =	task.clear_ibuf [dreg:s23], $0x5FFFF;
	_ =	strace $0x9000004C  }
0x39: {  	s29 =	simm.s32 $0x9;
	_ =	strace $0x8000004E  }
0x3a: {  	_ =	swait.ge [sflag:s29], $0x1  }
0x3b: {  	[sflag:s29] =	ssyncadd.s32 $0xFFFFFFFF  }
0x3c: {  	_ =	strace $0x9000004E  }
0x3d: {  	_ =	sfence  }
0x3e: {  	s30 =	sld [smem:$0x0];
	_ =	sdelay $0x2  }
0x3f: {  	s31 =	sshll.u32 s1, $0xD;
	s1 =	sshrl.u32 s1, $0x2  }
0x40: {  	s4 =	sand.u32 $0x4000, s31;
	s1 =	sadd.s32 s1, s30  }
0x41: {  	s0 =	sor.u32 s4, s0;
	s1 =	sshll.u32 s1, $0x11  }
0x42: {  	s0 =	sor.u32 s1, s0  }
0x43: {  	s0 =	sadd.s32 $0x8F2B, s0  }
0x44: {  	[sflag:s0] =	ssyncadd.remote.s32 $0x1  }
0x45: {  	_ =	sfence.sel $0xFFFF  }
0x46: {  	[dreg:$0x0] =	wrdreg $0xFFFFFFFF;
	(pc) =	sbr.abs _section_cstart, $3  }
0x47: {  	[dreg:$0x1] =	wrdreg $0xFFFFFFFF  }
0x48: {  	_ =	task.clear_ibuf [dreg:s23], $0x2FFFF;
	_ =	strace $0x9FFFFFFF  }
0x49: {  	(tm) =	ssettm $0x7FFFFFFF  }
tec
execute0_lowered:
.L_overlay_start_1:
0x0: {  	(tag) =	ssettag $0x1  }
0x1: {  	s1 =	srdreg.scid;
	s2 =	rddreg [dreg:$0x0]  }
0x2: {  	s0 =	stileid.u32;
	s8 =	rddreg [dreg:$0x1];
	s31 =	simm.s32 $0x2  }
0x3: {  	s18 =	simm.s32 $0x0;
	s10 =	simm.s32 $0x80;
	s17 =	simm.s32 $0x0  }
0x4: {  	s16 =	simm.s32 $0x0;
	s19 =	simm.s32 $0x0;
	s1 =	sshll.u32 s1, $0x4  }
0x5: {  	s11 =	simm.s32 $0x0;
	s3 =	sand.u32 $0x1, s0;
	s1 =	sor.u32 s0, s1  }
0x6: {  	s13 =	simm.s32 $0x0;
	s5 =	ssub.s32 $0x2, s3;
	s4 =	sand.u32 $0x1E, s1  }
0x7: {  	s1 =	rddreg [dreg:$0x2];
	s9 =	sshll.u32 s5, $0x1;
	s6 =	ssub.s32 $0x100, s4  }
0x8: {  	_ =	strace $0x8000004D;
	s9 =	sand.u32 $0x2, s9;
	s7 =	sand.u32 $0x1E, s6  }
0x9: {  	s6 =	sshrl.u32 s6, $0x5;
	p0 =	sne.s32 s7, $0x0;
	s7 =	simm.s32 $0x1  }
.Ltmp0:
0xa: {  	s9 =	sadd.s32 s9, s5;
	s7 =	simm.s32 @!p0 $0x0;
	(pc) =	sbr.rel .LBB1_1-.Ltmp0, $4  }
0xb: {  	s5 =	simm.s32 $0x1;
	s30 =	sand.u32 $0x6, s9;
	s6 =	sadd.s32 s7, s6  }
0xc: {  	s15 =	simm.s32 $0x0;
	[sflag:s5] =	ssyncpa.u1 $0x0;
	s6 =	smul.u32 s6, s30  }
0xd: {  	s14 =	smov.u32 s3;
	s12 =	smov.u32 s4;
	[sflag:s31] =	ssyncpa.u1 $0x0  }
0xe: {  	s7 =	sadd.s32 $0x4400, s8;
	s8 =	sadd.s32 $0x5400, s8;
	s9 =	sor.u32 $0x1, s6  }
.LBB1_7:
0xf: {  	s20 =	sadd.s32 $0x80, s11  }
0x10: {  	s16 =	sadd.s32 $0x20, s12;
	s21 =	smov.u32 s12;
	p1 =	sgt.s32 s20, $0xFF  }
0x11: {  	s21 =	smov.u32 @p1 s16  }
0x12: {  	s22 =	smov.u32 s13;
	s16 =	sadd.s32 $0x40, s13;
	p2 =	sgt.s32 s21, $0xFF  }
0x13: {  	s22 =	smov.u32 @p2 s16  }
0x14: {  	s23 =	smov.u32 s14;
	s16 =	sadd.s32 $0x2, s14;
	p3 =	sgt.s32 s22, $0x3F  }
0x15: {  	s23 =	smov.u32 @p3 s16  }
0x16: {  	p0 =	slt.u32 s15, $0x2;
	s20 =	simm.s32 @p1 $0x0;
	p1 =	sgt.s32 s23, $0x1  }
0x17: {  	s24 =	simm.s32 @!p0 $0x2;
	s23 =	smov.u32 @p1 s3;
	p1 =	sne.s32 s15, s9  }
.Ltmp1:
0x18: {  	s18 =	smov.u32 s11;
	_ =	swait.ge @!p0 [sflag:s24], $0x4000;
	(pc) =	sbr.rel @!p1 .LBB1_8-.Ltmp1, $4  }
0x19: {  	s17 =	smov.u32 s12;
	s19 =	smov.u32 s14;
	[sflag:s24] =	ssyncset.done @!p0 $0x0  }
0x1a: {  	s11 =	smov.u32 s20;
	s21 =	smov.u32 @p2 s4;
	[sflag:s24] =	ssyncadd.s32 @!p0 $0xFFFFC000  }
0x1b: {  	s12 =	smov.u32 s21;
	s22 =	simm.s32 @p3 $0x0;
	s16 =	smov.u32 s13  }
0x1c: {  	s13 =	smov.u32 s22;
	s15 =	sadd.s32 $0x1, s15;
	s14 =	smov.u32 s23  }
.LBB1_1:
0x1d: {  	p0 =	sge.u32 s15, s6;
	s31 =	sadd.s32 $0xFFFFFFFF, s15  }
0x1e: {  	s20 =	sxor.u32 @!p0 $0xFFFFFFFF, s15;
	s21 =	sand.u32 @!p0 $0x78, s11;
	s22 =	sshll.u32 @!p0 s12, $0x8  }
0x1f: {  	s23 =	sshll.u32 @!p0 s11, $0x3;
	s24 =	sshll.u32 @!p0 s12, $0x7;
	s20 =	sshll.u32 @!p0 s20, $0xE  }
0x20: {  	s22 =	sand.u32 @!p0 $0xF800, s22;
	s23 =	sand.u32 @!p0 $0xFC00, s23;
	s20 =	sand.u32 @!p0 $0x4000, s20  }
0x21: {  	s22 =	sadd.s32 @!p0 s22, s23;
	s23 =	sand.u32 @!p0 $0x300, s24;
	s24 =	sand.u32 @!p0 $0x80, s24  }
0x22: {  	s22 =	sor.u32 @!p0 s23, s22;
	s21 =	sor.u32 @!p0 s21, s24;
	s23 =	sshll.u32 @!p0 s14, $0x13  }
0x23: {  	s24 =	sshll.u32 @!p0 s13, $0xD;
	s22 =	sshrl.u32 @!p0 s22, $0x3;
	s23 =	sadd.s32 @!p0 s2, s23  }
0x24: {  	s21 =	sshrl.u32 @!p0 s21, $0x3;
	s23 =	sadd.s32 @!p0 s24, s23;
	s24 =	sand.u32 @!p0 $0x7, s11  }
0x25: {  	s22 =	sand.u32 @!p0 $0x1FE0, s22;
	s21 =	sadd.s32 @!p0 s21, s23;
	s23 =	sshll.u32 @!p0 s24, $0x12  }
0x26: {  	s21 =	sadd.s32 @!p0 s22, s21;
	s22 =	sor.u32 @!p0 $0x100, s23;
	s23 =	simm.s32 @!p0 $0x10000  }
0x27: {  	[tilespmem:s20], [sflag:$0x1] =	stream.strided.gather @!p0 [hbm4b:s21+s22], $0x4000, s23, s22, $0x38;
	[tilespmem:$0x10200] =	vst v63  }
0x28: {  	p0 =	sge.u32 s31, s6  }
.Ltmp2:
0x29: {  	_ = 	snop;
	(pc) =	sbr.rel @p0 .LBB1_7-.Ltmp2, $1  }
0x2a: {  	_ =	sdelay $0x3  }
0x2b: {  	s21 =	sand.u32 $0x1, s15  }
0x2c: {  	s20 =	smul.u32 $0x10400, s21  }
0x2d: {  	_ =	swait.ge [sflag:s5], $0x4000  }
0x2e: {  	s23 =	simm.s32 $0x0;
	[sflag:s5] =	ssyncset.done $0x0;
	s20 =	sshrl.u32 s20, $0x2  }
0x2f: {  	s22 =	sshll.u32 s21, $0xE;
	[sflag:s5] =	ssyncadd.s32 $0xFFFFC000;
	s21 =	sor.u32 $0x8000, s20  }
.LBB1_3:
0x30: {  	s24 =	sshll.u32 s23, $0x8  }
0x31: {  	s24 =	sand.u32 $0x3FFFFF00, s24  }
0x32: {  	s24 =	sadd.s32 s24, s22  }
0x33: {  	v0 =	vmov s24;
	_ =	sdelay $0x1  }
0x34: {  	p0 =	por $0x1, $0x1;
	s24 =	simm.s32 $0x0  }
.LBB1_4:
0x35: {  	s25 =	sshll.u32 s24, $0x7  }
0x36: {  	s25 =	sand.u32 $0x3FFFFF80, s25  }
0x37: {  	s31 =	smul.u32 $0x8200, s24;
	v1 =	vld.idx.msk [tilespmem:v0+s25+$0x0 ss:$0x1], $0xffff  }
0x38: {  	v2 =	vld.idx.msk [tilespmem:v0+s25+$0x10 ss:$0x1], $0xffff  }
0x39: {  	s24 =	sshra.s32 s31, $0x2;
	v3 =	vld.idx.msk [tilespmem:v0+s25+$0x20 ss:$0x1], $0xffff  }
0x3a: {  	v4 =	vld.idx.msk [tilespmem:v0+s25+$0x30 ss:$0x1], $0xffff;
	s24 =	sadd.s32 s24, s21  }
0x3b: {  	v5 =	vld.idx.msk [tilespmem:v0+s25+$0x40 ss:$0x1], $0xffff;
	s24 =	sadd.s32 s23, s24  }
0x3c: {  	[tilespmem:s24+$0x0 ss:$0x41] =	vst.msk $0xffff, v1;
	v1 =	vld.idx.msk [tilespmem:v0+s25+$0x50 ss:$0x1], $0xffff  }
0x3d: {  	[tilespmem:s24+$0x410 ss:$0x41] =	vst.msk $0xffff, v2;
	v2 =	vld.idx.msk [tilespmem:v0+s25+$0x60 ss:$0x1], $0xffff  }
0x3e: {  	p1 =	por p0, p0;
	[tilespmem:s24+$0x820 ss:$0x41] =	vst.msk $0xffff, v3;
	v3 =	vld.idx.msk [tilespmem:v0+s25+$0x70 ss:$0x1], $0xffff  }
.Ltmp3:
0x3f: {  	[tilespmem:s24+$0xC30 ss:$0x41] =	vst.msk $0xffff, v4;
	(pc) =	sbr.rel @p1 .LBB1_4-.Ltmp3, $4  }
0x40: {  	[tilespmem:s24+$0x1040 ss:$0x41] =	vst.msk $0xffff, v5  }
0x41: {  	[tilespmem:s24+$0x1450 ss:$0x41] =	vst.msk $0xffff, v1  }
0x42: {  	[tilespmem:s24+$0x1860 ss:$0x41] =	vst.msk $0xffff, v2  }
0x43: {  	p0 =	por $0x0, $0x0;
	[tilespmem:s24+$0x1C70 ss:$0x41] =	vst.msk $0xffff, v3;
	s24 =	simm.s32 $0x1  }
0x44: {  	s23 =	sadd.s32 $0x1, s23  }
0x45: {  	p0 =	sne.s32 s23, $0x40  }
.Ltmp4:
0x46: {  	_ = 	snop;
	(pc) =	sbr.rel @p0 .LBB1_3-.Ltmp4, $1  }
0x47: {  	_ =	sdelay $0x3  }
0x48: {  	s18 =	sshll.u32 s18, $0x7;
	s22 =	sshll.u32 s16, $0x3;
	s19 =	sshll.u32 s19, $0x14  }
0x49: {  	s17 =	sshll.u32 s17, $0xC;
	s28 =	sshrl.u32 s16, $0x3;
	s30 =	sand.u32 $0x7, s16  }
0x4a: {  	s23 =	sand.u32 $0x7C00, s18;
	s22 =	sand.u32 $0x7C00, s22;
	s18 =	sand.u32 $0x380, s18  }
0x4b: {  	s29 =	sadd.s32 s19, s17;
	s16 =	sshll.u32 s30, $0x12;
	s22 =	sadd.s32 s22, s23  }
0x4c: {  	s19 =	sadd.s32 s19, s8;
	s23 =	sadd.s32 s7, s29;
	s18 =	sor.u32 s18, s22  }
0x4d: {  	s17 =	sadd.s32 s17, s19;
	s22 =	sand.u32 $0xF, s28;
	s18 =	sshrl.u32 s18, $0x3  }
.Ltmp5:
0x4e: {  	s23 =	sadd.s32 s22, s23;
	s18 =	sand.u32 $0xFF0, s18;
	(pc) =	sbr.rel .LBB1_7-.Ltmp5, $4  }
0x4f: {  	s16 =	sor.u32 $0x40, s16;
	s17 =	sadd.s32 s22, s17;
	s23 =	sadd.s32 s18, s23  }
0x50: {  	[hbm4b:s23+s16] =	stream.strided.scatter [tilespmem:s21], [sflag:$0x2], $0x2000, s10, s16, $0x18;
	[tilespmem:$0x10200] =	vst v63  }
0x51: {  	s31 =	sadd.s32 $0xA080, s20;
	s17 =	sadd.s32 s18, s17  }
0x52: {  	[hbm4b:s17+s16] =	stream.strided.scatter [tilespmem:s31], [sflag:$0x2], $0x2000, s10, s16, $0x18;
	[tilespmem:$0x10200] =	vst v63  }
.LBB1_8:
0x53: {  	_ =	sfence.sel $0x180000  }
0x54: {  	s2 =	simm.s32 $0x1;
	[bflag:$0x0] =	sbarrier.arrive $0xFFFF  }
0x55: {  	s31 =	simm.s32 $0x2;
	[sflag:s2] =	ssyncpa.u1 $0x1  }
0x56: {  	[sflag:s31] =	ssyncpa.u1 $0x1  }
0x57: {  	p0 =	sne.s32 s0, $0x0;
	_ =	strace $0x9000004D  }
0x58: {  	s0 =	sadd.s32 @!p0 $0x100000, s1;
	[bflag:$0x2] =	sbarrier.arrive $0xFFFF  }
0x59: {  	[sflag:s0] =	ssyncadd.tile.s32 @!p0 $0x1;
	_ =	shalt  }
.Lfunc_end1:
_tile_overlayer_lowered:
.L_overlay_start_2:
0x5a: {  	(tag) =	ssettag $0x2  }
0x5b: {  	s0 =	rddreg [dreg:$0x0];
	s2 =	stileid.u32  }
0x5c: {  	s1 =	rddreg [dreg:$0x1];
	p0 =	sne.s32 s2, $0x0  }
0x5d: {  	s3 =	rddreg [dreg:$0x2];
	[bflag:$0x3] =	sbarrier.arrive $0xFFFF;
	s2 =	simm.s32 @!p0 $0x1C01  }
0x5e: {  	[timem:s3], [sflag:s2] =	dma.local @!p0 [hbm:s0], s1  }
0x5f: {  	s0 =	simm.s32 @!p0 $0x1  }
0x60: {  	_ =	swait.ge @!p0 [sflag:s0], s1  }
0x61: {  	s1 =	ssub.s32 @!p0 $0x0, s1;
	[sflag:s0] =	ssyncset.done @!p0 $0x0  }
0x62: {  	[sflag:s0] =	ssyncadd.s32 @!p0 s1  }
0x63: {  	[bflag:$0x3] =	sbarrier.arrive $0xFFFF  }
0x64: {  	_ =	shalt  }

</sc_bundles>
